<compile_context>
chip_gen: v7x
topology: tpu7x:2x2x1
jax: 0.10.2.dev20260603
libtpu: 0.0.44.dev20260713+nightly
codegen_flags: <defaults>
</compile_context>

<pallas_src>
import functools

import jax
import jax.numpy as jnp
from jax import lax
from jax.experimental import pallas as pl
from jax.experimental.pallas import tpu as pltpu
from jax.experimental.pallas import tpu_sc as plsc

TEMPERATURE = 2.0
FACTOR = 0.8
NEG = 256
EPS = 1e-08

B = 4
C = 192
H = 24
W = 24
HW = H * W
NQ = 5
NJ = NEG // 128


def _prep_body(z_ref, v_ref, rgb_ref, ni_ref, a_ref, j_ref, s0_ref, w_scr):
    b = pl.program_id(0)

    @pl.when(b == 0)
    def _():
        p1 = lax.iota(jnp.int32, HW)
        rows = (p1 // W).astype(jnp.float32)
        cols = (p1 % W).astype(jnp.float32)
        dr = (lax.broadcast_in_dim(rows, (HW, HW), (0,))
              - lax.broadcast_in_dim(rows, (HW, HW), (1,)))
        dc = (lax.broadcast_in_dim(cols, (HW, HW), (0,))
              - lax.broadcast_in_dim(cols, (HW, HW), (1,)))
        diag = float(((H - 1) ** 2 + (W - 1) ** 2) ** 0.5)
        deuc = jnp.sqrt(dr * dr + dc * dc) * (1.0 / diag)
        acc = jnp.zeros((HW, HW), jnp.float32)
        for k in range(3):
            rk = rgb_ref[k]
            rp = lax.broadcast_in_dim(rk, (HW, HW), (0,))
            rq = lax.broadcast_in_dim(rk, (HW, HW), (1,))
            acc = acc + (rp - rq) * (rp - rq)
        drgb = jnp.sqrt(acc) * (1.0 / (3.0 ** 0.5))
        w_scr[...] = deuc * FACTOR + drgb * (1.0 - FACTOR)

    z = z_ref[0]
    v = v_ref[0]
    g = lax.dot_general(z, v, (((1,), (1,)), ((), ())),
                        preferred_element_type=jnp.float32)
    n1sq = jnp.sum(z * z, axis=1)
    n2sq = jnp.sum(v * v, axis=1)
    n1 = jnp.sqrt(n1sq)
    n2 = jnp.sqrt(n2sq)
    n1m = lax.broadcast_in_dim(n1, (HW, HW), (0,))
    n2m = lax.broadcast_in_dim(n2, (HW, HW), (1,))
    r1m = lax.broadcast_in_dim(1.0 / n1, (HW, HW), (0,))
    r2m = lax.broadcast_in_dim(1.0 / n2, (HW, HW), (1,))
    t = jnp.abs(g) * w_scr[...]
    a = jnp.where(n1m * n2m < EPS, t * (1.0 / EPS), t * r1m * r2m)
    a = jnp.minimum(a, 1.0)
    ap = pltpu.bitcast(a.astype(jnp.bfloat16), jnp.int32)
    for qt in range(NQ):
        wdt = min(128, HW - qt * 128)
        a_ref[0, pl.ds(qt * (HW // 2), HW // 2), pl.ds(0, wdt)] = lax.slice(
            ap, (0, qt * 128), (HW // 2, qt * 128 + wdt))
    jf = ni_ref[0, 0] * W + ni_ref[0, 1]
    jp = pltpu.bitcast(jf.astype(jnp.int16), jnp.int32)
    for nt in range(NJ):
        j_ref[0, pl.ds(nt * (HW // 2), HW // 2), :] = lax.slice(
            jp, (0, nt * 128), (HW // 2, nt * 128 + 128))
    s0pix = jnp.minimum(n1sq / jnp.maximum(n1sq, EPS), 1.0)
    s0_ref[...] = jnp.full((1, 1, 128), jnp.sum(s0pix) * (1.0 / HW),
                           jnp.float32)


def _finish_body(p_ref, s0_ref, o1_ref, o2_ref, o3_ref):
    parts = p_ref[...]
    ns = [jnp.zeros((B, 128), jnp.float32) for _ in range(NJ)]
    for wkr in range(parts.shape[1] // NJ):
        for nt in range(NJ):
            ns[nt] = ns[nt] + parts[:, NJ * wkr + nt, :]
    sims = [x * (1.0 / (HW * TEMPERATURE)) for x in ns]
    s0 = s0_ref[...][:, 0, 0:1]
    logp0 = jnp.clip(jnp.log(s0), -100.0, None)
    l1m = sum(jnp.sum(jnp.clip(jnp.log(1.0 - s), -100.0, None),
                      axis=1, keepdims=True) for s in sims)
    bce = -(logp0 + l1m) * (1.0 / (NEG + 1))
    o1_ref[0, 0] = jnp.sum(bce) * (1.0 / B)
    o2_ref[0, 0] = jnp.sum(s0) * (1.0 / B)
    o3_ref[0, 0] = sum(jnp.sum(s) for s in sims) * (TEMPERATURE / (NEG * B))


def _make_sc_gather(nc, nw, ppw):
    mesh = plsc.VectorSubcoreMesh(core_axis_name="c", subcore_axis_name="s")

    @functools.partial(
        pl.kernel,
        out_type=jax.ShapeDtypeStruct((B, NJ * nw, 128), jnp.float32),
        mesh=mesh,
        scratch_types=[
            pltpu.VMEM((2, NQ, ppw // 2, 128), jnp.int32),
            pltpu.VMEM((2, NJ, ppw // 2, 128), jnp.int32),
            pltpu.VMEM((NJ, 128), jnp.float32),
            pltpu.SemaphoreType.DMA,
        ],
        compiler_params=pltpu.CompilerParams(use_tc_tiling_on_sc=False,
                                             needs_layout_passes=False),
    )
    def sc_gather(a_hbm, j_hbm, out_hbm, rows_v, idx_v, acc_v, sem):
        cid = lax.axis_index("c")
        sid = lax.axis_index("s")
        wid = sid * nc + cid
        ppw2 = ppw // 2
        base2 = wid * ppw2
        lane = lax.iota(jnp.int32, 16)

        def copies(b, k):
            out = []
            for qt in range(NQ):
                out.append((a_hbm.at[b, pl.ds(qt * (HW // 2) + base2, ppw2)],
                            rows_v.at[k, qt]))
            for nt in range(NJ):
                out.append((j_hbm.at[b, pl.ds(nt * (HW // 2) + base2, ppw2)],
                            idx_v.at[k, nt]))
            return out

        def issue(b, k):
            for src, dst in copies(b, k):
                pltpu.async_copy(src, dst, sem)

        def drain(b, k):
            for src, dst in copies(b, k):
                pltpu.make_async_copy(src, dst, sem).wait()

        issue(0, 0)

        @pl.loop(0, B)
        def _(b):
            k = jnp.bitwise_and(b, 1)
            kv = jnp.full((16,), k, jnp.int32)
            drain(b, k)

            @pl.when(b + 1 < B)
            def _():
                issue(b + 1, 1 - k)

            def tbody(t, accs):
                tv = jnp.full((16,), t, jnp.int32)
                new = []
                for i in range(NEG // 16):
                    ntv = jnp.full((16,), i // 8, jnp.int32)
                    nl = lane + ((i % 8) * 16)
                    jw = plsc.load_gather(idx_v, [kv, ntv, tv, nl])
                    jv0 = jnp.bitwise_and(jw, 0xFFFF)
                    jv1 = lax.shift_right_logical(jw, 16)
                    g0 = plsc.load_gather(
                        rows_v, [kv, lax.shift_right_logical(jv0, 7), tv,
                                 jnp.bitwise_and(jv0, 127)])
                    g1 = plsc.load_gather(
                        rows_v, [kv, lax.shift_right_logical(jv1, 7), tv,
                                 jnp.bitwise_and(jv1, 127)])
                    v0 = plsc.bitcast(lax.shift_left(g0, 16), jnp.float32)
                    v1 = plsc.bitcast(jnp.bitwise_and(g1, jnp.int32(-65536)),
                                      jnp.float32)
                    new.append(accs[i] + (v0 + v1))
                return tuple(new)

            accs = lax.fori_loop(
                0, ppw2, tbody,
                tuple(jnp.zeros((16,), jnp.float32) for _ in range(NEG // 16)))
            for i in range(NEG // 16):
                acc_v[i // 8, pl.ds((i % 8) * 16, 16)] = accs[i]
            pltpu.sync_copy(acc_v, out_hbm.at[b, pl.ds(wid * NJ, NJ)])

    return sc_gather


def _run_prep(z1, v2, rgb, ni, interpret=False):
    return pl.pallas_call(
        _prep_body,
        grid=(B,),
        in_specs=[
            pl.BlockSpec((1, HW, C), lambda b: (b, 0, 0)),
            pl.BlockSpec((1, HW, C), lambda b: (b, 0, 0)),
            pl.BlockSpec((3, HW), lambda b: (0, 0)),
            pl.BlockSpec((1, 2, HW, NEG), lambda b: (b, 0, 0, 0)),
        ],
        out_specs=[
            pl.BlockSpec((1, NQ * (HW // 2), 128), lambda b: (b, 0, 0)),
            pl.BlockSpec((1, NJ * (HW // 2), 128), lambda b: (b, 0, 0)),
            pl.BlockSpec((1, 1, 128), lambda b: (b, 0, 0)),
        ],
        out_shape=[
            jax.ShapeDtypeStruct((B, NQ * (HW // 2), 128), jnp.int32),
            jax.ShapeDtypeStruct((B, NJ * (HW // 2), 128), jnp.int32),
            jax.ShapeDtypeStruct((B, 1, 128), jnp.float32),
        ],
        scratch_shapes=[pltpu.VMEM((HW, HW), jnp.float32)],
        interpret=interpret,
    )(z1, v2, rgb, ni)


def _run_finish(partials, s0, nw, interpret=False):
    return pl.pallas_call(
        _finish_body,
        in_specs=[
            pl.BlockSpec((B, NJ * nw, 128), lambda: (0, 0, 0)),
            pl.BlockSpec((B, 1, 128), lambda: (0, 0, 0)),
        ],
        out_specs=[pl.BlockSpec(memory_space=pltpu.SMEM)] * 3,
        out_shape=[jax.ShapeDtypeStruct((1, 1), jnp.float32)] * 3,
        interpret=interpret,
    )(partials, s0)


@jax.jit
def kernel(views_1, views_2, img, neg_idx):
    z1t = views_1.reshape(B, C, HW).transpose(0, 2, 1)
    v2t = views_2.reshape(B, C, HW).transpose(0, 2, 1)
    rgb = img[0].reshape(3, HW)
    a_mat, jflat, s0 = _run_prep(z1t, v2t, rgb, neg_idx)

    info = plsc.get_sparse_core_info()
    nw = info.num_cores * info.num_subcores
    ppw = HW // nw
    partials = _make_sc_gather(info.num_cores, nw, ppw)(a_mat, jflat)

    r1, r2, r3 = _run_finish(partials, s0, nw)
    return r1[0, 0], r2[0, 0], r3[0, 0]

# --- scband reference (transcript-rebuilt; emitter-appended) ---
"""Pipeline reference for scband-contrastive-loss-23287312679410 (READ-ONLY COPY).

The authoritative reference and input builder live on the scoring server;
editing this copy changes nothing except your own understanding.
"""

import jax, jax.numpy as jnp
import numpy as np

TEMPERATURE = 2.0
FACTOR = 0.8
NEG = 256
EPS = 1e-08


def _forward(views_1, views_2, img, neg_idx):
    B, c, h, w = views_1.shape
    hw = h * w
    rows = jnp.arange(hw) // w
    cols = jnp.arange(hw) % w
    coord = jnp.stack([rows, cols], axis=-1).astype(jnp.float32)
    diag = jnp.sqrt(jnp.asarray((h - 1) ** 2 + (w - 1) ** 2, dtype=jnp.float32))
    loss_total = jnp.asarray(0.0, dtype=jnp.float32)
    sim_all = jnp.zeros((NEG + 1,), dtype=jnp.float32)
    for i in range(B):
        z1 = views_1[i].reshape(c, hw)
        ni = neg_idx[i]
        patch_neg = views_2[i][:, ni[0], ni[1]]
        neg_coord = jnp.stack([ni[0], ni[1]], axis=-1).astype(jnp.float32)
        euc_dist = jnp.linalg.norm(coord[:, None, :] - neg_coord, axis=-1) / diag
        rgb_pix = img[0][:, rows, cols]
        rgb_neg = img[0][:, ni[0], ni[1]]
        rgb_dist = jnp.linalg.norm(rgb_pix[:, :, None] - rgb_neg, axis=0) / jnp.sqrt(3.0)
        weight = euc_dist * FACTOR + rgb_dist * (1.0 - FACTOR)
        stack = jnp.concatenate([z1[:, :, None], patch_neg], axis=2)
        num = jnp.sum(z1[:, :, None] * stack, axis=0)
        den = jnp.maximum(jnp.linalg.norm(z1, axis=0)[:, None] * jnp.linalg.norm(stack, axis=0), EPS)
        sim = num / den
        sim = jnp.concatenate([sim[:, :1], sim[:, 1:] * weight], axis=1)
        sim = jnp.minimum(jnp.abs(sim), 1.0)
        sim = jnp.sum(sim, axis=0) / hw
        sim = jnp.concatenate([sim[:1], sim[1:] / TEMPERATURE])
        sim_all = sim_all + sim
        target = jnp.zeros_like(sim).at[0].set(1.0)
        log_p = jnp.clip(jnp.log(sim), -100.0, None)
        log_1mp = jnp.clip(jnp.log(1.0 - sim), -100.0, None)
        bce = -jnp.mean(target * log_p + (1.0 - target) * log_1mp)
        loss_total = loss_total + bce
    B_f = float(B)
    return (loss_total / B_f, sim_all[0] / B_f, jnp.sum(sim_all[1:]) / NEG * TEMPERATURE / B_f)


def setup_inputs(seed: int = 0) -> dict:
    key = jax.random.key(seed)
    k1, k2, k3, k4 = jax.random.split(key, 4)
    views_1 = jax.random.normal(k1, (4, 192, 24, 24), dtype=jnp.float32)
    views_2 = jax.random.normal(k2, (4, 192, 24, 24), dtype=jnp.float32)
    img = jax.random.uniform(k3, (1, 3, 24, 24), dtype=jnp.float32)
    neg_idx = jax.random.randint(k4, (4, 2, 576, 256), 0, 24, dtype=jnp.int32)
    return {"views_1": views_1, "views_2": views_2, "img": img, "neg_idx": neg_idx}


def reference(views_1, views_2, img, neg_idx):
    return _forward(views_1, views_2, img, neg_idx)

if __name__ == "__main__":
    import jax
    _d = setup_inputs()
    print(jax.jit(kernel)(*tuple(_d.values())))

</pallas_src>

<mosaic_0001>
#map = affine_map<(d0, d1) -> (0, 0, 0)>
module attributes {stable_mosaic.version = 14 : i64} {
  func.func @sc_gather(%arg0: i32, %arg1: i32, %arg2: memref<4x1440x128xi32, #tpu.memory_space<hbm>>, %arg3: memref<4x576x128xi32, #tpu.memory_space<hbm>>, %arg4: memref<4x64x128xf32, #tpu.memory_space<hbm>>, %arg5: memref<2x5x9x128xi32, #tpu.memory_space<vmem>>, %arg6: memref<2x2x9x128xi32, #tpu.memory_space<vmem>>, %arg7: memref<2x128xf32, #tpu.memory_space<vmem>>, %arg8: memref<!tpu.dma_semaphore, #tpu.memory_space<semaphore_mem>>) attributes {dimension_semantics = [#tpu.dimension_semantics<core_parallel>, #tpu.dimension_semantics<subcore_parallel>], iteration_bounds = array<i64: 2, 16>, scalar_prefetch = 0 : i64, scratch_operands = 4 : i64, tpu.core_type = #tpu.core_type<sc_vector_subcore>, window_params = [{transform_indices = #map}, {transform_indices = #map}, {transform_indices = #map}]} {
    %mul3A = arith.constant 2 : i32
    %mul3A_0 = arith.muli %arg1, %mul3A : i32
    %add3A = arith.addi %mul3A_0, %arg0 : i32
    %mul3A_1 = arith.constant 9 : i32
    %mul3A_2 = arith.muli %add3A, %mul3A_1 : i32
    %iota3A = tpu.iota {dimensions = array<i32: 0>} : vector<16xi32>
    %add3A_3 = arith.constant 0 : i32
    %add3A_4 = arith.addi %add3A_3, %mul3A_2 : i32
    %add3A_5 = arith.constant 288 : i32
    %add3A_6 = arith.addi %add3A_5, %mul3A_2 : i32
    %add3A_7 = arith.constant 576 : i32
    %add3A_8 = arith.addi %add3A_7, %mul3A_2 : i32
    %add3A_9 = arith.constant 864 : i32
    %add3A_10 = arith.addi %add3A_9, %mul3A_2 : i32
    %add3A_11 = arith.constant 1152 : i32
    %add3A_12 = arith.addi %add3A_11, %mul3A_2 : i32
    %add3A_13 = arith.constant 0 : i32
    %add3A_14 = arith.addi %add3A_13, %mul3A_2 : i32
    %add3A_15 = arith.constant 288 : i32
    %add3A_16 = arith.addi %add3A_15, %mul3A_2 : i32
    %dma_start3A = arith.constant 0 : i32
    %dma_start3A_17 = arith.constant 0 : i32
    %dma_start3A_18 = arith.constant 0 : i32
    %dma_start3A_19 = arith.constant 0 : i32
    %dma_start3A_20 = arith.constant 0 : i32
    %dma_start3A_21 = tpu.memref_slice %arg5[%dma_start3A_17, %dma_start3A_18, %dma_start3A_19, %dma_start3A_20] : memref<2x5x9x128xi32, #tpu.memory_space<vmem>> -> memref<1x1x9x128xi32, #tpu.memory_space<vmem>>
    %dma_start3A_22 = tpu.memref_squeeze %dma_start3A_21 : memref<1x1x9x128xi32, #tpu.memory_space<vmem>> -> memref<9x128xi32, #tpu.memory_space<vmem>>
    %dma_start3A_23 = arith.constant 0 : i32
    %dma_start3A_24 = tpu.memref_slice %arg2[%dma_start3A, %add3A_4, %dma_start3A_23] : memref<4x1440x128xi32, #tpu.memory_space<hbm>> -> memref<1x9x128xi32, #tpu.memory_space<hbm>>
    %dma_start3A_25 = tpu.memref_squeeze %dma_start3A_24 : memref<1x9x128xi32, #tpu.memory_space<hbm>> -> memref<9x128xi32, #tpu.memory_space<hbm>>
    %dma_start3A_26 = arith.constant 0 : i32
    %dma_start3A_27 = arith.constant 0 : i32
    %dma_start3A_28 = tpu.memref_slice %arg5[%dma_start3A_17, %dma_start3A_18, %dma_start3A_26, %dma_start3A_27] : memref<2x5x9x128xi32, #tpu.memory_space<vmem>> -> memref<1x1x9x128xi32, #tpu.memory_space<vmem>>
    %dma_start3A_29 = tpu.memref_squeeze %dma_start3A_28 : memref<1x1x9x128xi32, #tpu.memory_space<vmem>> -> memref<9x128xi32, #tpu.memory_space<vmem>>
    %dma_start3A_30 = arith.constant 0 : i32
    %dma_start3A_31 = tpu.memref_slice %arg2[%dma_start3A, %add3A_4, %dma_start3A_30] : memref<4x1440x128xi32, #tpu.memory_space<hbm>> -> memref<1x9x128xi32, #tpu.memory_space<hbm>>
    %dma_start3A_32 = tpu.memref_squeeze %dma_start3A_31 : memref<1x9x128xi32, #tpu.memory_space<hbm>> -> memref<9x128xi32, #tpu.memory_space<hbm>>
    tpu.enqueue_dma source(%dma_start3A_32 : memref<9x128xi32, #tpu.memory_space<hbm>>) target(%dma_start3A_29 : memref<9x128xi32, #tpu.memory_space<vmem>>) target_semaphore(%arg8 : memref<!tpu.dma_semaphore, #tpu.memory_space<semaphore_mem>>)
    %dma_start3A_33 = arith.constant 0 : i32
    %dma_start3A_34 = arith.constant 0 : i32
    %dma_start3A_35 = arith.constant 1 : i32
    %dma_start3A_36 = arith.constant 0 : i32
    %dma_start3A_37 = arith.constant 0 : i32
    %dma_start3A_38 = tpu.memref_slice %arg5[%dma_start3A_34, %dma_start3A_35, %dma_start3A_36, %dma_start3A_37] : memref<2x5x9x128xi32, #tpu.memory_space<vmem>> -> memref<1x1x9x128xi32, #tpu.memory_space<vmem>>
    %dma_start3A_39 = tpu.memref_squeeze %dma_start3A_38 : memref<1x1x9x128xi32, #tpu.memory_space<vmem>> -> memref<9x128xi32, #tpu.memory_space<vmem>>
    %dma_start3A_40 = arith.constant 0 : i32
    %dma_start3A_41 = tpu.memref_slice %arg2[%dma_start3A_33, %add3A_6, %dma_start3A_40] : memref<4x1440x128xi32, #tpu.memory_space<hbm>> -> memref<1x9x128xi32, #tpu.memory_space<hbm>>
    %dma_start3A_42 = tpu.memref_squeeze %dma_start3A_41 : memref<1x9x128xi32, #tpu.memory_space<hbm>> -> memref<9x128xi32, #tpu.memory_space<hbm>>
    %dma_start3A_43 = arith.constant 0 : i32
    %dma_start3A_44 = arith.constant 0 : i32
    %dma_start3A_45 = tpu.memref_slice %arg5[%dma_start3A_34, %dma_start3A_35, %dma_start3A_43, %dma_start3A_44] : memref<2x5x9x128xi32, #tpu.memory_space<vmem>> -> memref<1x1x9x128xi32, #tpu.memory_space<vmem>>
    %dma_start3A_46 = tpu.memref_squeeze %dma_start3A_45 : memref<1x1x9x128xi32, #tpu.memory_space<vmem>> -> memref<9x128xi32, #tpu.memory_space<vmem>>
    %dma_start3A_47 = arith.constant 0 : i32
    %dma_start3A_48 = tpu.memref_slice %arg2[%dma_start3A_33, %add3A_6, %dma_start3A_47] : memref<4x1440x128xi32, #tpu.memory_space<hbm>> -> memref<1x9x128xi32, #tpu.memory_space<hbm>>
    %dma_start3A_49 = tpu.memref_squeeze %dma_start3A_48 : memref<1x9x128xi32, #tpu.memory_space<hbm>> -> memref<9x128xi32, #tpu.memory_space<hbm>>
    tpu.enqueue_dma source(%dma_start3A_49 : memref<9x128xi32, #tpu.memory_space<hbm>>) target(%dma_start3A_46 : memref<9x128xi32, #tpu.memory_space<vmem>>) target_semaphore(%arg8 : memref<!tpu.dma_semaphore, #tpu.memory_space<semaphore_mem>>)
    %dma_start3A_50 = arith.constant 0 : i32
    %dma_start3A_51 = arith.constant 0 : i32
    %dma_start3A_52 = arith.constant 2 : i32
    %dma_start3A_53 = arith.constant 0 : i32
    %dma_start3A_54 = arith.constant 0 : i32
    %dma_start3A_55 = tpu.memref_slice %arg5[%dma_start3A_51, %dma_start3A_52, %dma_start3A_53, %dma_start3A_54] : memref<2x5x9x128xi32, #tpu.memory_space<vmem>> -> memref<1x1x9x128xi32, #tpu.memory_space<vmem>>
    %dma_start3A_56 = tpu.memref_squeeze %dma_start3A_55 : memref<1x1x9x128xi32, #tpu.memory_space<vmem>> -> memref<9x128xi32, #tpu.memory_space<vmem>>
    %dma_start3A_57 = arith.constant 0 : i32
    %dma_start3A_58 = tpu.memref_slice %arg2[%dma_start3A_50, %add3A_8, %dma_start3A_57] : memref<4x1440x128xi32, #tpu.memory_space<hbm>> -> memref<1x9x128xi32, #tpu.memory_space<hbm>>
    %dma_start3A_59 = tpu.memref_squeeze %dma_start3A_58 : memref<1x9x128xi32, #tpu.memory_space<hbm>> -> memref<9x128xi32, #tpu.memory_space<hbm>>
    %dma_start3A_60 = arith.constant 0 : i32
    %dma_start3A_61 = arith.constant 0 : i32
    %dma_start3A_62 = tpu.memref_slice %arg5[%dma_start3A_51, %dma_start3A_52, %dma_start3A_60, %dma_start3A_61] : memref<2x5x9x128xi32, #tpu.memory_space<vmem>> -> memref<1x1x9x128xi32, #tpu.memory_space<vmem>>
    %dma_start3A_63 = tpu.memref_squeeze %dma_start3A_62 : memref<1x1x9x128xi32, #tpu.memory_space<vmem>> -> memref<9x128xi32, #tpu.memory_space<vmem>>
    %dma_start3A_64 = arith.constant 0 : i32
    %dma_start3A_65 = tpu.memref_slice %arg2[%dma_start3A_50, %add3A_8, %dma_start3A_64] : memref<4x1440x128xi32, #tpu.memory_space<hbm>> -> memref<1x9x128xi32, #tpu.memory_space<hbm>>
    %dma_start3A_66 = tpu.memref_squeeze %dma_start3A_65 : memref<1x9x128xi32, #tpu.memory_space<hbm>> -> memref<9x128xi32, #tpu.memory_space<hbm>>
    tpu.enqueue_dma source(%dma_start3A_66 : memref<9x128xi32, #tpu.memory_space<hbm>>) target(%dma_start3A_63 : memref<9x128xi32, #tpu.memory_space<vmem>>) target_semaphore(%arg8 : memref<!tpu.dma_semaphore, #tpu.memory_space<semaphore_mem>>)
    %dma_start3A_67 = arith.constant 0 : i32
    %dma_start3A_68 = arith.constant 0 : i32
    %dma_start3A_69 = arith.constant 3 : i32
    %dma_start3A_70 = arith.constant 0 : i32
    %dma_start3A_71 = arith.constant 0 : i32
    %dma_start3A_72 = tpu.memref_slice %arg5[%dma_start3A_68, %dma_start3A_69, %dma_start3A_70, %dma_start3A_71] : memref<2x5x9x128xi32, #tpu.memory_space<vmem>> -> memref<1x1x9x128xi32, #tpu.memory_space<vmem>>
    %dma_start3A_73 = tpu.memref_squeeze %dma_start3A_72 : memref<1x1x9x128xi32, #tpu.memory_space<vmem>> -> memref<9x128xi32, #tpu.memory_space<vmem>>
    %dma_start3A_74 = arith.constant 0 : i32
    %dma_start3A_75 = tpu.memref_slice %arg2[%dma_start3A_67, %add3A_10, %dma_start3A_74] : memref<4x1440x128xi32, #tpu.memory_space<hbm>> -> memref<1x9x128xi32, #tpu.memory_space<hbm>>
    %dma_start3A_76 = tpu.memref_squeeze %dma_start3A_75 : memref<1x9x128xi32, #tpu.memory_space<hbm>> -> memref<9x128xi32, #tpu.memory_space<hbm>>
    %dma_start3A_77 = arith.constant 0 : i32
    %dma_start3A_78 = arith.constant 0 : i32
    %dma_start3A_79 = tpu.memref_slice %arg5[%dma_start3A_68, %dma_start3A_69, %dma_start3A_77, %dma_start3A_78] : memref<2x5x9x128xi32, #tpu.memory_space<vmem>> -> memref<1x1x9x128xi32, #tpu.memory_space<vmem>>
    %dma_start3A_80 = tpu.memref_squeeze %dma_start3A_79 : memref<1x1x9x128xi32, #tpu.memory_space<vmem>> -> memref<9x128xi32, #tpu.memory_space<vmem>>
    %dma_start3A_81 = arith.constant 0 : i32
    %dma_start3A_82 = tpu.memref_slice %arg2[%dma_start3A_67, %add3A_10, %dma_start3A_81] : memref<4x1440x128xi32, #tpu.memory_space<hbm>> -> memref<1x9x128xi32, #tpu.memory_space<hbm>>
    %dma_start3A_83 = tpu.memref_squeeze %dma_start3A_82 : memref<1x9x128xi32, #tpu.memory_space<hbm>> -> memref<9x128xi32, #tpu.memory_space<hbm>>
    tpu.enqueue_dma source(%dma_start3A_83 : memref<9x128xi32, #tpu.memory_space<hbm>>) target(%dma_start3A_80 : memref<9x128xi32, #tpu.memory_space<vmem>>) target_semaphore(%arg8 : memref<!tpu.dma_semaphore, #tpu.memory_space<semaphore_mem>>)
    %dma_start3A_84 = arith.constant 0 : i32
    %dma_start3A_85 = arith.constant 0 : i32
    %dma_start3A_86 = arith.constant 4 : i32
    %dma_start3A_87 = arith.constant 0 : i32
    %dma_start3A_88 = arith.constant 0 : i32
    %dma_start3A_89 = tpu.memref_slice %arg5[%dma_start3A_85, %dma_start3A_86, %dma_start3A_87, %dma_start3A_88] : memref<2x5x9x128xi32, #tpu.memory_space<vmem>> -> memref<1x1x9x128xi32, #tpu.memory_space<vmem>>
    %dma_start3A_90 = tpu.memref_squeeze %dma_start3A_89 : memref<1x1x9x128xi32, #tpu.memory_space<vmem>> -> memref<9x128xi32, #tpu.memory_space<vmem>>
    %dma_start3A_91 = arith.constant 0 : i32
    %dma_start3A_92 = tpu.memref_slice %arg2[%dma_start3A_84, %add3A_12, %dma_start3A_91] : memref<4x1440x128xi32, #tpu.memory_space<hbm>> -> memref<1x9x128xi32, #tpu.memory_space<hbm>>
    %dma_start3A_93 = tpu.memref_squeeze %dma_start3A_92 : memref<1x9x128xi32, #tpu.memory_space<hbm>> -> memref<9x128xi32, #tpu.memory_space<hbm>>
    %dma_start3A_94 = arith.constant 0 : i32
    %dma_start3A_95 = arith.constant 0 : i32
    %dma_start3A_96 = tpu.memref_slice %arg5[%dma_start3A_85, %dma_start3A_86, %dma_start3A_94, %dma_start3A_95] : memref<2x5x9x128xi32, #tpu.memory_space<vmem>> -> memref<1x1x9x128xi32, #tpu.memory_space<vmem>>
    %dma_start3A_97 = tpu.memref_squeeze %dma_start3A_96 : memref<1x1x9x128xi32, #tpu.memory_space<vmem>> -> memref<9x128xi32, #tpu.memory_space<vmem>>
    %dma_start3A_98 = arith.constant 0 : i32
    %dma_start3A_99 = tpu.memref_slice %arg2[%dma_start3A_84, %add3A_12, %dma_start3A_98] : memref<4x1440x128xi32, #tpu.memory_space<hbm>> -> memref<1x9x128xi32, #tpu.memory_space<hbm>>
    %dma_start3A_100 = tpu.memref_squeeze %dma_start3A_99 : memref<1x9x128xi32, #tpu.memory_space<hbm>> -> memref<9x128xi32, #tpu.memory_space<hbm>>
    tpu.enqueue_dma source(%dma_start3A_100 : memref<9x128xi32, #tpu.memory_space<hbm>>) target(%dma_start3A_97 : memref<9x128xi32, #tpu.memory_space<vmem>>) target_semaphore(%arg8 : memref<!tpu.dma_semaphore, #tpu.memory_space<semaphore_mem>>)
    %dma_start3A_101 = arith.constant 0 : i32
    %dma_start3A_102 = arith.constant 0 : i32
    %dma_start3A_103 = arith.constant 0 : i32
    %dma_start3A_104 = arith.constant 0 : i32
    %dma_start3A_105 = arith.constant 0 : i32
    %dma_start3A_106 = tpu.memref_slice %arg6[%dma_start3A_102, %dma_start3A_103, %dma_start3A_104, %dma_start3A_105] : memref<2x2x9x128xi32, #tpu.memory_space<vmem>> -> memref<1x1x9x128xi32, #tpu.memory_space<vmem>>
    %dma_start3A_107 = tpu.memref_squeeze %dma_start3A_106 : memref<1x1x9x128xi32, #tpu.memory_space<vmem>> -> memref<9x128xi32, #tpu.memory_space<vmem>>
    %dma_start3A_108 = arith.constant 0 : i32
    %dma_start3A_109 = tpu.memref_slice %arg3[%dma_start3A_101, %add3A_14, %dma_start3A_108] : memref<4x576x128xi32, #tpu.memory_space<hbm>> -> memref<1x9x128xi32, #tpu.memory_space<hbm>>
    %dma_start3A_110 = tpu.memref_squeeze %dma_start3A_109 : memref<1x9x128xi32, #tpu.memory_space<hbm>> -> memref<9x128xi32, #tpu.memory_space<hbm>>
    %dma_start3A_111 = arith.constant 0 : i32
    %dma_start3A_112 = arith.constant 0 : i32
    %dma_start3A_113 = tpu.memref_slice %arg6[%dma_start3A_102, %dma_start3A_103, %dma_start3A_111, %dma_start3A_112] : memref<2x2x9x128xi32, #tpu.memory_space<vmem>> -> memref<1x1x9x128xi32, #tpu.memory_space<vmem>>
    %dma_start3A_114 = tpu.memref_squeeze %dma_start3A_113 : memref<1x1x9x128xi32, #tpu.memory_space<vmem>> -> memref<9x128xi32, #tpu.memory_space<vmem>>
    %dma_start3A_115 = arith.constant 0 : i32
    %dma_start3A_116 = tpu.memref_slice %arg3[%dma_start3A_101, %add3A_14, %dma_start3A_115] : memref<4x576x128xi32, #tpu.memory_space<hbm>> -> memref<1x9x128xi32, #tpu.memory_space<hbm>>
    %dma_start3A_117 = tpu.memref_squeeze %dma_start3A_116 : memref<1x9x128xi32, #tpu.memory_space<hbm>> -> memref<9x128xi32, #tpu.memory_space<hbm>>
    tpu.enqueue_dma source(%dma_start3A_117 : memref<9x128xi32, #tpu.memory_space<hbm>>) target(%dma_start3A_114 : memref<9x128xi32, #tpu.memory_space<vmem>>) target_semaphore(%arg8 : memref<!tpu.dma_semaphore, #tpu.memory_space<semaphore_mem>>)
    %dma_start3A_118 = arith.constant 0 : i32
    %dma_start3A_119 = arith.constant 0 : i32
    %dma_start3A_120 = arith.constant 1 : i32
    %dma_start3A_121 = arith.constant 0 : i32
    %dma_start3A_122 = arith.constant 0 : i32
    %dma_start3A_123 = tpu.memref_slice %arg6[%dma_start3A_119, %dma_start3A_120, %dma_start3A_121, %dma_start3A_122] : memref<2x2x9x128xi32, #tpu.memory_space<vmem>> -> memref<1x1x9x128xi32, #tpu.memory_space<vmem>>
    %dma_start3A_124 = tpu.memref_squeeze %dma_start3A_123 : memref<1x1x9x128xi32, #tpu.memory_space<vmem>> -> memref<9x128xi32, #tpu.memory_space<vmem>>
    %dma_start3A_125 = arith.constant 0 : i32
    %dma_start3A_126 = tpu.memref_slice %arg3[%dma_start3A_118, %add3A_16, %dma_start3A_125] : memref<4x576x128xi32, #tpu.memory_space<hbm>> -> memref<1x9x128xi32, #tpu.memory_space<hbm>>
    %dma_start3A_127 = tpu.memref_squeeze %dma_start3A_126 : memref<1x9x128xi32, #tpu.memory_space<hbm>> -> memref<9x128xi32, #tpu.memory_space<hbm>>
    %dma_start3A_128 = arith.constant 0 : i32
    %dma_start3A_129 = arith.constant 0 : i32
    %dma_start3A_130 = tpu.memref_slice %arg6[%dma_start3A_119, %dma_start3A_120, %dma_start3A_128, %dma_start3A_129] : memref<2x2x9x128xi32, #tpu.memory_space<vmem>> -> memref<1x1x9x128xi32, #tpu.memory_space<vmem>>
    %dma_start3A_131 = tpu.memref_squeeze %dma_start3A_130 : memref<1x1x9x128xi32, #tpu.memory_space<vmem>> -> memref<9x128xi32, #tpu.memory_space<vmem>>
    %dma_start3A_132 = arith.constant 0 : i32
    %dma_start3A_133 = tpu.memref_slice %arg3[%dma_start3A_118, %add3A_16, %dma_start3A_132] : memref<4x576x128xi32, #tpu.memory_space<hbm>> -> memref<1x9x128xi32, #tpu.memory_space<hbm>>
    %dma_start3A_134 = tpu.memref_squeeze %dma_start3A_133 : memref<1x9x128xi32, #tpu.memory_space<hbm>> -> memref<9x128xi32, #tpu.memory_space<hbm>>
    tpu.enqueue_dma source(%dma_start3A_134 : memref<9x128xi32, #tpu.memory_space<hbm>>) target(%dma_start3A_131 : memref<9x128xi32, #tpu.memory_space<vmem>>) target_semaphore(%arg8 : memref<!tpu.dma_semaphore, #tpu.memory_space<semaphore_mem>>)
    %scan3A = arith.constant 0 : i32
    %scan3A_135 = arith.constant 4 : i32
    %scan3A_136 = arith.addi %scan3A, %scan3A_135 : i32
    %scan3A_137 = arith.constant 1 : i32
    scf.for %scan3A_139 = %scan3A to %scan3A_136 step %scan3A_137  : i32 {
      %mul3A_140 = arith.constant 1 : i32
      %mul3A_141 = arith.muli %scan3A_139, %mul3A_140 : i32
      %add3A_142 = arith.constant 0 : i32
      %add3A_143 = arith.addi %add3A_142, %mul3A_141 : i32
      %and3A = arith.constant 1 : i32
      %and3A_144 = arith.andi %add3A_143, %and3A : i32
      %broadcast_in_dim3A = vector.broadcast %and3A_144 : i32 to vector<16xi32>
      %add3A_145 = arith.constant 0 : i32
      %add3A_146 = arith.addi %add3A_145, %mul3A_2 : i32
      %add3A_147 = arith.constant 288 : i32
      %add3A_148 = arith.addi %add3A_147, %mul3A_2 : i32
      %add3A_149 = arith.constant 576 : i32
      %add3A_150 = arith.addi %add3A_149, %mul3A_2 : i32
      %add3A_151 = arith.constant 864 : i32
      %add3A_152 = arith.addi %add3A_151, %mul3A_2 : i32
      %add3A_153 = arith.constant 1152 : i32
      %add3A_154 = arith.addi %add3A_153, %mul3A_2 : i32
      %add3A_155 = arith.constant 0 : i32
      %add3A_156 = arith.addi %add3A_155, %mul3A_2 : i32
      %add3A_157 = arith.constant 288 : i32
      %add3A_158 = arith.addi %add3A_157, %mul3A_2 : i32
      %dma_wait3A = arith.constant 0 : i32
      %dma_wait3A_159 = arith.constant 0 : i32
      %dma_wait3A_160 = arith.constant 0 : i32
      %dma_wait3A_161 = tpu.memref_slice %arg5[%and3A_144, %dma_wait3A, %dma_wait3A_159, %dma_wait3A_160] : memref<2x5x9x128xi32, #tpu.memory_space<vmem>> -> memref<1x1x9x128xi32, #tpu.memory_space<vmem>>
      %dma_wait3A_162 = tpu.memref_squeeze %dma_wait3A_161 : memref<1x1x9x128xi32, #tpu.memory_space<vmem>> -> memref<9x128xi32, #tpu.memory_space<vmem>>
      %dma_wait3A_163 = arith.constant 0 : i32
      %dma_wait3A_164 = tpu.memref_slice %arg2[%add3A_143, %add3A_146, %dma_wait3A_163] : memref<4x1440x128xi32, #tpu.memory_space<hbm>> -> memref<1x9x128xi32, #tpu.memory_space<hbm>>
      %dma_wait3A_165 = tpu.memref_squeeze %dma_wait3A_164 : memref<1x9x128xi32, #tpu.memory_space<hbm>> -> memref<9x128xi32, #tpu.memory_space<hbm>>
      %dma_wait3A_166 = arith.constant 0 : i32
      %dma_wait3A_167 = arith.constant 0 : i32
      %dma_wait3A_168 = tpu.memref_slice %arg5[%and3A_144, %dma_wait3A, %dma_wait3A_166, %dma_wait3A_167] : memref<2x5x9x128xi32, #tpu.memory_space<vmem>> -> memref<1x1x9x128xi32, #tpu.memory_space<vmem>>
      %dma_wait3A_169 = tpu.memref_squeeze %dma_wait3A_168 : memref<1x1x9x128xi32, #tpu.memory_space<vmem>> -> memref<9x128xi32, #tpu.memory_space<vmem>>
      %dma_wait3A_170 = arith.constant 0 : i32
      %dma_wait3A_171 = tpu.memref_slice %arg2[%add3A_143, %add3A_146, %dma_wait3A_170] : memref<4x1440x128xi32, #tpu.memory_space<hbm>> -> memref<1x9x128xi32, #tpu.memory_space<hbm>>
      %dma_wait3A_172 = tpu.memref_squeeze %dma_wait3A_171 : memref<1x9x128xi32, #tpu.memory_space<hbm>> -> memref<9x128xi32, #tpu.memory_space<hbm>>
      tpu.wait_dma2 semaphore(%arg8 : memref<!tpu.dma_semaphore, #tpu.memory_space<semaphore_mem>>) src(%dma_wait3A_172 : memref<9x128xi32, #tpu.memory_space<hbm>>) dst(%dma_wait3A_169 : memref<9x128xi32, #tpu.memory_space<vmem>>)
      %dma_wait3A_173 = arith.constant 1 : i32
      %dma_wait3A_174 = arith.constant 0 : i32
      %dma_wait3A_175 = arith.constant 0 : i32
      %dma_wait3A_176 = tpu.memref_slice %arg5[%and3A_144, %dma_wait3A_173, %dma_wait3A_174, %dma_wait3A_175] : memref<2x5x9x128xi32, #tpu.memory_space<vmem>> -> memref<1x1x9x128xi32, #tpu.memory_space<vmem>>
      %dma_wait3A_177 = tpu.memref_squeeze %dma_wait3A_176 : memref<1x1x9x128xi32, #tpu.memory_space<vmem>> -> memref<9x128xi32, #tpu.memory_space<vmem>>
      %dma_wait3A_178 = arith.constant 0 : i32
      %dma_wait3A_179 = tpu.memref_slice %arg2[%add3A_143, %add3A_148, %dma_wait3A_178] : memref<4x1440x128xi32, #tpu.memory_space<hbm>> -> memref<1x9x128xi32, #tpu.memory_space<hbm>>
      %dma_wait3A_180 = tpu.memref_squeeze %dma_wait3A_179 : memref<1x9x128xi32, #tpu.memory_space<hbm>> -> memref<9x128xi32, #tpu.memory_space<hbm>>
      %dma_wait3A_181 = arith.constant 0 : i32
      %dma_wait3A_182 = arith.constant 0 : i32
      %dma_wait3A_183 = tpu.memref_slice %arg5[%and3A_144, %dma_wait3A_173, %dma_wait3A_181, %dma_wait3A_182] : memref<2x5x9x128xi32, #tpu.memory_space<vmem>> -> memref<1x1x9x128xi32, #tpu.memory_space<vmem>>
      %dma_wait3A_184 = tpu.memref_squeeze %dma_wait3A_183 : memref<1x1x9x128xi32, #tpu.memory_space<vmem>> -> memref<9x128xi32, #tpu.memory_space<vmem>>
      %dma_wait3A_185 = arith.constant 0 : i32
      %dma_wait3A_186 = tpu.memref_slice %arg2[%add3A_143, %add3A_148, %dma_wait3A_185] : memref<4x1440x128xi32, #tpu.memory_space<hbm>> -> memref<1x9x128xi32, #tpu.memory_space<hbm>>
      %dma_wait3A_187 = tpu.memref_squeeze %dma_wait3A_186 : memref<1x9x128xi32, #tpu.memory_space<hbm>> -> memref<9x128xi32, #tpu.memory_space<hbm>>
      tpu.wait_dma2 semaphore(%arg8 : memref<!tpu.dma_semaphore, #tpu.memory_space<semaphore_mem>>) src(%dma_wait3A_187 : memref<9x128xi32, #tpu.memory_space<hbm>>) dst(%dma_wait3A_184 : memref<9x128xi32, #tpu.memory_space<vmem>>)
      %dma_wait3A_188 = arith.constant 2 : i32
      %dma_wait3A_189 = arith.constant 0 : i32
      %dma_wait3A_190 = arith.constant 0 : i32
      %dma_wait3A_191 = tpu.memref_slice %arg5[%and3A_144, %dma_wait3A_188, %dma_wait3A_189, %dma_wait3A_190] : memref<2x5x9x128xi32, #tpu.memory_space<vmem>> -> memref<1x1x9x128xi32, #tpu.memory_space<vmem>>
      %dma_wait3A_192 = tpu.memref_squeeze %dma_wait3A_191 : memref<1x1x9x128xi32, #tpu.memory_space<vmem>> -> memref<9x128xi32, #tpu.memory_space<vmem>>
      %dma_wait3A_193 = arith.constant 0 : i32
      %dma_wait3A_194 = tpu.memref_slice %arg2[%add3A_143, %add3A_150, %dma_wait3A_193] : memref<4x1440x128xi32, #tpu.memory_space<hbm>> -> memref<1x9x128xi32, #tpu.memory_space<hbm>>
      %dma_wait3A_195 = tpu.memref_squeeze %dma_wait3A_194 : memref<1x9x128xi32, #tpu.memory_space<hbm>> -> memref<9x128xi32, #tpu.memory_space<hbm>>
      %dma_wait3A_196 = arith.constant 0 : i32
      %dma_wait3A_197 = arith.constant 0 : i32
      %dma_wait3A_198 = tpu.memref_slice %arg5[%and3A_144, %dma_wait3A_188, %dma_wait3A_196, %dma_wait3A_197] : memref<2x5x9x128xi32, #tpu.memory_space<vmem>> -> memref<1x1x9x128xi32, #tpu.memory_space<vmem>>
      %dma_wait3A_199 = tpu.memref_squeeze %dma_wait3A_198 : memref<1x1x9x128xi32, #tpu.memory_space<vmem>> -> memref<9x128xi32, #tpu.memory_space<vmem>>
      %dma_wait3A_200 = arith.constant 0 : i32
      %dma_wait3A_201 = tpu.memref_slice %arg2[%add3A_143, %add3A_150, %dma_wait3A_200] : memref<4x1440x128xi32, #tpu.memory_space<hbm>> -> memref<1x9x128xi32, #tpu.memory_space<hbm>>
      %dma_wait3A_202 = tpu.memref_squeeze %dma_wait3A_201 : memref<1x9x128xi32, #tpu.memory_space<hbm>> -> memref<9x128xi32, #tpu.memory_space<hbm>>
      tpu.wait_dma2 semaphore(%arg8 : memref<!tpu.dma_semaphore, #tpu.memory_space<semaphore_mem>>) src(%dma_wait3A_202 : memref<9x128xi32, #tpu.memory_space<hbm>>) dst(%dma_wait3A_199 : memref<9x128xi32, #tpu.memory_space<vmem>>)
      %dma_wait3A_203 = arith.constant 3 : i32
      %dma_wait3A_204 = arith.constant 0 : i32
      %dma_wait3A_205 = arith.constant 0 : i32
      %dma_wait3A_206 = tpu.memref_slice %arg5[%and3A_144, %dma_wait3A_203, %dma_wait3A_204, %dma_wait3A_205] : memref<2x5x9x128xi32, #tpu.memory_space<vmem>> -> memref<1x1x9x128xi32, #tpu.memory_space<vmem>>
      %dma_wait3A_207 = tpu.memref_squeeze %dma_wait3A_206 : memref<1x1x9x128xi32, #tpu.memory_space<vmem>> -> memref<9x128xi32, #tpu.memory_space<vmem>>
      %dma_wait3A_208 = arith.constant 0 : i32
      %dma_wait3A_209 = tpu.memref_slice %arg2[%add3A_143, %add3A_152, %dma_wait3A_208] : memref<4x1440x128xi32, #tpu.memory_space<hbm>> -> memref<1x9x128xi32, #tpu.memory_space<hbm>>
      %dma_wait3A_210 = tpu.memref_squeeze %dma_wait3A_209 : memref<1x9x128xi32, #tpu.memory_space<hbm>> -> memref<9x128xi32, #tpu.memory_space<hbm>>
      %dma_wait3A_211 = arith.constant 0 : i32
      %dma_wait3A_212 = arith.constant 0 : i32
      %dma_wait3A_213 = tpu.memref_slice %arg5[%and3A_144, %dma_wait3A_203, %dma_wait3A_211, %dma_wait3A_212] : memref<2x5x9x128xi32, #tpu.memory_space<vmem>> -> memref<1x1x9x128xi32, #tpu.memory_space<vmem>>
      %dma_wait3A_214 = tpu.memref_squeeze %dma_wait3A_213 : memref<1x1x9x128xi32, #tpu.memory_space<vmem>> -> memref<9x128xi32, #tpu.memory_space<vmem>>
      %dma_wait3A_215 = arith.constant 0 : i32
      %dma_wait3A_216 = tpu.memref_slice %arg2[%add3A_143, %add3A_152, %dma_wait3A_215] : memref<4x1440x128xi32, #tpu.memory_space<hbm>> -> memref<1x9x128xi32, #tpu.memory_space<hbm>>
      %dma_wait3A_217 = tpu.memref_squeeze %dma_wait3A_216 : memref<1x9x128xi32, #tpu.memory_space<hbm>> -> memref<9x128xi32, #tpu.memory_space<hbm>>
      tpu.wait_dma2 semaphore(%arg8 : memref<!tpu.dma_semaphore, #tpu.memory_space<semaphore_mem>>) src(%dma_wait3A_217 : memref<9x128xi32, #tpu.memory_space<hbm>>) dst(%dma_wait3A_214 : memref<9x128xi32, #tpu.memory_space<vmem>>)
      %dma_wait3A_218 = arith.constant 4 : i32
      %dma_wait3A_219 = arith.constant 0 : i32
      %dma_wait3A_220 = arith.constant 0 : i32
      %dma_wait3A_221 = tpu.memref_slice %arg5[%and3A_144, %dma_wait3A_218, %dma_wait3A_219, %dma_wait3A_220] : memref<2x5x9x128xi32, #tpu.memory_space<vmem>> -> memref<1x1x9x128xi32, #tpu.memory_space<vmem>>
      %dma_wait3A_222 = tpu.memref_squeeze %dma_wait3A_221 : memref<1x1x9x128xi32, #tpu.memory_space<vmem>> -> memref<9x128xi32, #tpu.memory_space<vmem>>
      %dma_wait3A_223 = arith.constant 0 : i32
      %dma_wait3A_224 = tpu.memref_slice %arg2[%add3A_143, %add3A_154, %dma_wait3A_223] : memref<4x1440x128xi32, #tpu.memory_space<hbm>> -> memref<1x9x128xi32, #tpu.memory_space<hbm>>
      %dma_wait3A_225 = tpu.memref_squeeze %dma_wait3A_224 : memref<1x9x128xi32, #tpu.memory_space<hbm>> -> memref<9x128xi32, #tpu.memory_space<hbm>>
      %dma_wait3A_226 = arith.constant 0 : i32
      %dma_wait3A_227 = arith.constant 0 : i32
      %dma_wait3A_228 = tpu.memref_slice %arg5[%and3A_144, %dma_wait3A_218, %dma_wait3A_226, %dma_wait3A_227] : memref<2x5x9x128xi32, #tpu.memory_space<vmem>> -> memref<1x1x9x128xi32, #tpu.memory_space<vmem>>
      %dma_wait3A_229 = tpu.memref_squeeze %dma_wait3A_228 : memref<1x1x9x128xi32, #tpu.memory_space<vmem>> -> memref<9x128xi32, #tpu.memory_space<vmem>>
      %dma_wait3A_230 = arith.constant 0 : i32
      %dma_wait3A_231 = tpu.memref_slice %arg2[%add3A_143, %add3A_154, %dma_wait3A_230] : memref<4x1440x128xi32, #tpu.memory_space<hbm>> -> memref<1x9x128xi32, #tpu.memory_space<hbm>>
      %dma_wait3A_232 = tpu.memref_squeeze %dma_wait3A_231 : memref<1x9x128xi32, #tpu.memory_space<hbm>> -> memref<9x128xi32, #tpu.memory_space<hbm>>
      tpu.wait_dma2 semaphore(%arg8 : memref<!tpu.dma_semaphore, #tpu.memory_space<semaphore_mem>>) src(%dma_wait3A_232 : memref<9x128xi32, #tpu.memory_space<hbm>>) dst(%dma_wait3A_229 : memref<9x128xi32, #tpu.memory_space<vmem>>)
      %dma_wait3A_233 = arith.constant 0 : i32
      %dma_wait3A_234 = arith.constant 0 : i32
      %dma_wait3A_235 = arith.constant 0 : i32
      %dma_wait3A_236 = tpu.memref_slice %arg6[%and3A_144, %dma_wait3A_233, %dma_wait3A_234, %dma_wait3A_235] : memref<2x2x9x128xi32, #tpu.memory_space<vmem>> -> memref<1x1x9x128xi32, #tpu.memory_space<vmem>>
      %dma_wait3A_237 = tpu.memref_squeeze %dma_wait3A_236 : memref<1x1x9x128xi32, #tpu.memory_space<vmem>> -> memref<9x128xi32, #tpu.memory_space<vmem>>
      %dma_wait3A_238 = arith.constant 0 : i32
      %dma_wait3A_239 = tpu.memref_slice %arg3[%add3A_143, %add3A_156, %dma_wait3A_238] : memref<4x576x128xi32, #tpu.memory_space<hbm>> -> memref<1x9x128xi32, #tpu.memory_space<hbm>>
      %dma_wait3A_240 = tpu.memref_squeeze %dma_wait3A_239 : memref<1x9x128xi32, #tpu.memory_space<hbm>> -> memref<9x128xi32, #tpu.memory_space<hbm>>
      %dma_wait3A_241 = arith.constant 0 : i32
      %dma_wait3A_242 = arith.constant 0 : i32
      %dma_wait3A_243 = tpu.memref_slice %arg6[%and3A_144, %dma_wait3A_233, %dma_wait3A_241, %dma_wait3A_242] : memref<2x2x9x128xi32, #tpu.memory_space<vmem>> -> memref<1x1x9x128xi32, #tpu.memory_space<vmem>>
      %dma_wait3A_244 = tpu.memref_squeeze %dma_wait3A_243 : memref<1x1x9x128xi32, #tpu.memory_space<vmem>> -> memref<9x128xi32, #tpu.memory_space<vmem>>
      %dma_wait3A_245 = arith.constant 0 : i32
      %dma_wait3A_246 = tpu.memref_slice %arg3[%add3A_143, %add3A_156, %dma_wait3A_245] : memref<4x576x128xi32, #tpu.memory_space<hbm>> -> memref<1x9x128xi32, #tpu.memory_space<hbm>>
      %dma_wait3A_247 = tpu.memref_squeeze %dma_wait3A_246 : memref<1x9x128xi32, #tpu.memory_space<hbm>> -> memref<9x128xi32, #tpu.memory_space<hbm>>
      tpu.wait_dma2 semaphore(%arg8 : memref<!tpu.dma_semaphore, #tpu.memory_space<semaphore_mem>>) src(%dma_wait3A_247 : memref<9x128xi32, #tpu.memory_space<hbm>>) dst(%dma_wait3A_244 : memref<9x128xi32, #tpu.memory_space<vmem>>)
      %dma_wait3A_248 = arith.constant 1 : i32
      %dma_wait3A_249 = arith.constant 0 : i32
      %dma_wait3A_250 = arith.constant 0 : i32
      %dma_wait3A_251 = tpu.memref_slice %arg6[%and3A_144, %dma_wait3A_248, %dma_wait3A_249, %dma_wait3A_250] : memref<2x2x9x128xi32, #tpu.memory_space<vmem>> -> memref<1x1x9x128xi32, #tpu.memory_space<vmem>>
      %dma_wait3A_252 = tpu.memref_squeeze %dma_wait3A_251 : memref<1x1x9x128xi32, #tpu.memory_space<vmem>> -> memref<9x128xi32, #tpu.memory_space<vmem>>
      %dma_wait3A_253 = arith.constant 0 : i32
      %dma_wait3A_254 = tpu.memref_slice %arg3[%add3A_143, %add3A_158, %dma_wait3A_253] : memref<4x576x128xi32, #tpu.memory_space<hbm>> -> memref<1x9x128xi32, #tpu.memory_space<hbm>>
      %dma_wait3A_255 = tpu.memref_squeeze %dma_wait3A_254 : memref<1x9x128xi32, #tpu.memory_space<hbm>> -> memref<9x128xi32, #tpu.memory_space<hbm>>
      %dma_wait3A_256 = arith.constant 0 : i32
      %dma_wait3A_257 = arith.constant 0 : i32
      %dma_wait3A_258 = tpu.memref_slice %arg6[%and3A_144, %dma_wait3A_248, %dma_wait3A_256, %dma_wait3A_257] : memref<2x2x9x128xi32, #tpu.memory_space<vmem>> -> memref<1x1x9x128xi32, #tpu.memory_space<vmem>>
      %dma_wait3A_259 = tpu.memref_squeeze %dma_wait3A_258 : memref<1x1x9x128xi32, #tpu.memory_space<vmem>> -> memref<9x128xi32, #tpu.memory_space<vmem>>
      %dma_wait3A_260 = arith.constant 0 : i32
      %dma_wait3A_261 = tpu.memref_slice %arg3[%add3A_143, %add3A_158, %dma_wait3A_260] : memref<4x576x128xi32, #tpu.memory_space<hbm>> -> memref<1x9x128xi32, #tpu.memory_space<hbm>>
      %dma_wait3A_262 = tpu.memref_squeeze %dma_wait3A_261 : memref<1x9x128xi32, #tpu.memory_space<hbm>> -> memref<9x128xi32, #tpu.memory_space<hbm>>
      tpu.wait_dma2 semaphore(%arg8 : memref<!tpu.dma_semaphore, #tpu.memory_space<semaphore_mem>>) src(%dma_wait3A_262 : memref<9x128xi32, #tpu.memory_space<hbm>>) dst(%dma_wait3A_259 : memref<9x128xi32, #tpu.memory_space<vmem>>)
      %add3A_263 = arith.constant 1 : i32
      %add3A_264 = arith.addi %add3A_143, %add3A_263 : i32
      %lt3A = arith.constant 4 : i32
      %lt3A_265 = arith.cmpi slt, %add3A_264, %lt3A : i32
      %convert_element_type3A = arith.extui %lt3A_265 : i1 to i32
      %cond3A = arith.constant 0 : i32
      %cond3A_266 = arith.cmpi ne, %convert_element_type3A, %cond3A : i32
      scf.if %cond3A_266 {
        %add3A_370 = arith.constant 1 : i32
        %add3A_371 = arith.addi %add3A_143, %add3A_370 : i32
        %sub3A = arith.constant 1 : i32
        %sub3A_372 = arith.subi %sub3A, %and3A_144 : i32
        %add3A_373 = arith.constant 0 : i32
        %add3A_374 = arith.addi %add3A_373, %mul3A_2 : i32
        %add3A_375 = arith.constant 288 : i32
        %add3A_376 = arith.addi %add3A_375, %mul3A_2 : i32
        %add3A_377 = arith.constant 576 : i32
        %add3A_378 = arith.addi %add3A_377, %mul3A_2 : i32
        %add3A_379 = arith.constant 864 : i32
        %add3A_380 = arith.addi %add3A_379, %mul3A_2 : i32
        %add3A_381 = arith.constant 1152 : i32
        %add3A_382 = arith.addi %add3A_381, %mul3A_2 : i32
        %add3A_383 = arith.constant 0 : i32
        %add3A_384 = arith.addi %add3A_383, %mul3A_2 : i32
        %add3A_385 = arith.constant 288 : i32
        %add3A_386 = arith.addi %add3A_385, %mul3A_2 : i32
        %dma_start3A_387 = arith.constant 0 : i32
        %dma_start3A_388 = arith.constant 0 : i32
        %dma_start3A_389 = arith.constant 0 : i32
        %dma_start3A_390 = tpu.memref_slice %arg5[%sub3A_372, %dma_start3A_387, %dma_start3A_388, %dma_start3A_389] : memref<2x5x9x128xi32, #tpu.memory_space<vmem>> -> memref<1x1x9x128xi32, #tpu.memory_space<vmem>>
        %dma_start3A_391 = tpu.memref_squeeze %dma_start3A_390 : memref<1x1x9x128xi32, #tpu.memory_space<vmem>> -> memref<9x128xi32, #tpu.memory_space<vmem>>
        %dma_start3A_392 = arith.constant 0 : i32
        %dma_start3A_393 = tpu.memref_slice %arg2[%add3A_371, %add3A_374, %dma_start3A_392] : memref<4x1440x128xi32, #tpu.memory_space<hbm>> -> memref<1x9x128xi32, #tpu.memory_space<hbm>>
        %dma_start3A_394 = tpu.memref_squeeze %dma_start3A_393 : memref<1x9x128xi32, #tpu.memory_space<hbm>> -> memref<9x128xi32, #tpu.memory_space<hbm>>
        %dma_start3A_395 = arith.constant 0 : i32
        %dma_start3A_396 = arith.constant 0 : i32
        %dma_start3A_397 = tpu.memref_slice %arg5[%sub3A_372, %dma_start3A_387, %dma_start3A_395, %dma_start3A_396] : memref<2x5x9x128xi32, #tpu.memory_space<vmem>> -> memref<1x1x9x128xi32, #tpu.memory_space<vmem>>
        %dma_start3A_398 = tpu.memref_squeeze %dma_start3A_397 : memref<1x1x9x128xi32, #tpu.memory_space<vmem>> -> memref<9x128xi32, #tpu.memory_space<vmem>>
        %dma_start3A_399 = arith.constant 0 : i32
        %dma_start3A_400 = tpu.memref_slice %arg2[%add3A_371, %add3A_374, %dma_start3A_399] : memref<4x1440x128xi32, #tpu.memory_space<hbm>> -> memref<1x9x128xi32, #tpu.memory_space<hbm>>
        %dma_start3A_401 = tpu.memref_squeeze %dma_start3A_400 : memref<1x9x128xi32, #tpu.memory_space<hbm>> -> memref<9x128xi32, #tpu.memory_space<hbm>>
        tpu.enqueue_dma source(%dma_start3A_401 : memref<9x128xi32, #tpu.memory_space<hbm>>) target(%dma_start3A_398 : memref<9x128xi32, #tpu.memory_space<vmem>>) target_semaphore(%arg8 : memref<!tpu.dma_semaphore, #tpu.memory_space<semaphore_mem>>)
        %dma_start3A_402 = arith.constant 1 : i32
        %dma_start3A_403 = arith.constant 0 : i32
        %dma_start3A_404 = arith.constant 0 : i32
        %dma_start3A_405 = tpu.memref_slice %arg5[%sub3A_372, %dma_start3A_402, %dma_start3A_403, %dma_start3A_404] : memref<2x5x9x128xi32, #tpu.memory_space<vmem>> -> memref<1x1x9x128xi32, #tpu.memory_space<vmem>>
        %dma_start3A_406 = tpu.memref_squeeze %dma_start3A_405 : memref<1x1x9x128xi32, #tpu.memory_space<vmem>> -> memref<9x128xi32, #tpu.memory_space<vmem>>
        %dma_start3A_407 = arith.constant 0 : i32
        %dma_start3A_408 = tpu.memref_slice %arg2[%add3A_371, %add3A_376, %dma_start3A_407] : memref<4x1440x128xi32, #tpu.memory_space<hbm>> -> memref<1x9x128xi32, #tpu.memory_space<hbm>>
        %dma_start3A_409 = tpu.memref_squeeze %dma_start3A_408 : memref<1x9x128xi32, #tpu.memory_space<hbm>> -> memref<9x128xi32, #tpu.memory_space<hbm>>
        %dma_start3A_410 = arith.constant 0 : i32
        %dma_start3A_411 = arith.constant 0 : i32
        %dma_start3A_412 = tpu.memref_slice %arg5[%sub3A_372, %dma_start3A_402, %dma_start3A_410, %dma_start3A_411] : memref<2x5x9x128xi32, #tpu.memory_space<vmem>> -> memref<1x1x9x128xi32, #tpu.memory_space<vmem>>
        %dma_start3A_413 = tpu.memref_squeeze %dma_start3A_412 : memref<1x1x9x128xi32, #tpu.memory_space<vmem>> -> memref<9x128xi32, #tpu.memory_space<vmem>>
        %dma_start3A_414 = arith.constant 0 : i32
        %dma_start3A_415 = tpu.memref_slice %arg2[%add3A_371, %add3A_376, %dma_start3A_414] : memref<4x1440x128xi32, #tpu.memory_space<hbm>> -> memref<1x9x128xi32, #tpu.memory_space<hbm>>
        %dma_start3A_416 = tpu.memref_squeeze %dma_start3A_415 : memref<1x9x128xi32, #tpu.memory_space<hbm>> -> memref<9x128xi32, #tpu.memory_space<hbm>>
        tpu.enqueue_dma source(%dma_start3A_416 : memref<9x128xi32, #tpu.memory_space<hbm>>) target(%dma_start3A_413 : memref<9x128xi32, #tpu.memory_space<vmem>>) target_semaphore(%arg8 : memref<!tpu.dma_semaphore, #tpu.memory_space<semaphore_mem>>)
        %dma_start3A_417 = arith.constant 2 : i32
        %dma_start3A_418 = arith.constant 0 : i32
        %dma_start3A_419 = arith.constant 0 : i32
        %dma_start3A_420 = tpu.memref_slice %arg5[%sub3A_372, %dma_start3A_417, %dma_start3A_418, %dma_start3A_419] : memref<2x5x9x128xi32, #tpu.memory_space<vmem>> -> memref<1x1x9x128xi32, #tpu.memory_space<vmem>>
        %dma_start3A_421 = tpu.memref_squeeze %dma_start3A_420 : memref<1x1x9x128xi32, #tpu.memory_space<vmem>> -> memref<9x128xi32, #tpu.memory_space<vmem>>
        %dma_start3A_422 = arith.constant 0 : i32
        %dma_start3A_423 = tpu.memref_slice %arg2[%add3A_371, %add3A_378, %dma_start3A_422] : memref<4x1440x128xi32, #tpu.memory_space<hbm>> -> memref<1x9x128xi32, #tpu.memory_space<hbm>>
        %dma_start3A_424 = tpu.memref_squeeze %dma_start3A_423 : memref<1x9x128xi32, #tpu.memory_space<hbm>> -> memref<9x128xi32, #tpu.memory_space<hbm>>
        %dma_start3A_425 = arith.constant 0 : i32
        %dma_start3A_426 = arith.constant 0 : i32
        %dma_start3A_427 = tpu.memref_slice %arg5[%sub3A_372, %dma_start3A_417, %dma_start3A_425, %dma_start3A_426] : memref<2x5x9x128xi32, #tpu.memory_space<vmem>> -> memref<1x1x9x128xi32, #tpu.memory_space<vmem>>
        %dma_start3A_428 = tpu.memref_squeeze %dma_start3A_427 : memref<1x1x9x128xi32, #tpu.memory_space<vmem>> -> memref<9x128xi32, #tpu.memory_space<vmem>>
        %dma_start3A_429 = arith.constant 0 : i32
        %dma_start3A_430 = tpu.memref_slice %arg2[%add3A_371, %add3A_378, %dma_start3A_429] : memref<4x1440x128xi32, #tpu.memory_space<hbm>> -> memref<1x9x128xi32, #tpu.memory_space<hbm>>
        %dma_start3A_431 = tpu.memref_squeeze %dma_start3A_430 : memref<1x9x128xi32, #tpu.memory_space<hbm>> -> memref<9x128xi32, #tpu.memory_space<hbm>>
        tpu.enqueue_dma source(%dma_start3A_431 : memref<9x128xi32, #tpu.memory_space<hbm>>) target(%dma_start3A_428 : memref<9x128xi32, #tpu.memory_space<vmem>>) target_semaphore(%arg8 : memref<!tpu.dma_semaphore, #tpu.memory_space<semaphore_mem>>)
        %dma_start3A_432 = arith.constant 3 : i32
        %dma_start3A_433 = arith.constant 0 : i32
        %dma_start3A_434 = arith.constant 0 : i32
        %dma_start3A_435 = tpu.memref_slice %arg5[%sub3A_372, %dma_start3A_432, %dma_start3A_433, %dma_start3A_434] : memref<2x5x9x128xi32, #tpu.memory_space<vmem>> -> memref<1x1x9x128xi32, #tpu.memory_space<vmem>>
        %dma_start3A_436 = tpu.memref_squeeze %dma_start3A_435 : memref<1x1x9x128xi32, #tpu.memory_space<vmem>> -> memref<9x128xi32, #tpu.memory_space<vmem>>
        %dma_start3A_437 = arith.constant 0 : i32
        %dma_start3A_438 = tpu.memref_slice %arg2[%add3A_371, %add3A_380, %dma_start3A_437] : memref<4x1440x128xi32, #tpu.memory_space<hbm>> -> memref<1x9x128xi32, #tpu.memory_space<hbm>>
        %dma_start3A_439 = tpu.memref_squeeze %dma_start3A_438 : memref<1x9x128xi32, #tpu.memory_space<hbm>> -> memref<9x128xi32, #tpu.memory_space<hbm>>
        %dma_start3A_440 = arith.constant 0 : i32
        %dma_start3A_441 = arith.constant 0 : i32
        %dma_start3A_442 = tpu.memref_slice %arg5[%sub3A_372, %dma_start3A_432, %dma_start3A_440, %dma_start3A_441] : memref<2x5x9x128xi32, #tpu.memory_space<vmem>> -> memref<1x1x9x128xi32, #tpu.memory_space<vmem>>
        %dma_start3A_443 = tpu.memref_squeeze %dma_start3A_442 : memref<1x1x9x128xi32, #tpu.memory_space<vmem>> -> memref<9x128xi32, #tpu.memory_space<vmem>>
        %dma_start3A_444 = arith.constant 0 : i32
        %dma_start3A_445 = tpu.memref_slice %arg2[%add3A_371, %add3A_380, %dma_start3A_444] : memref<4x1440x128xi32, #tpu.memory_space<hbm>> -> memref<1x9x128xi32, #tpu.memory_space<hbm>>
        %dma_start3A_446 = tpu.memref_squeeze %dma_start3A_445 : memref<1x9x128xi32, #tpu.memory_space<hbm>> -> memref<9x128xi32, #tpu.memory_space<hbm>>
        tpu.enqueue_dma source(%dma_start3A_446 : memref<9x128xi32, #tpu.memory_space<hbm>>) target(%dma_start3A_443 : memref<9x128xi32, #tpu.memory_space<vmem>>) target_semaphore(%arg8 : memref<!tpu.dma_semaphore, #tpu.memory_space<semaphore_mem>>)
        %dma_start3A_447 = arith.constant 4 : i32
        %dma_start3A_448 = arith.constant 0 : i32
        %dma_start3A_449 = arith.constant 0 : i32
        %dma_start3A_450 = tpu.memref_slice %arg5[%sub3A_372, %dma_start3A_447, %dma_start3A_448, %dma_start3A_449] : memref<2x5x9x128xi32, #tpu.memory_space<vmem>> -> memref<1x1x9x128xi32, #tpu.memory_space<vmem>>
        %dma_start3A_451 = tpu.memref_squeeze %dma_start3A_450 : memref<1x1x9x128xi32, #tpu.memory_space<vmem>> -> memref<9x128xi32, #tpu.memory_space<vmem>>
        %dma_start3A_452 = arith.constant 0 : i32
        %dma_start3A_453 = tpu.memref_slice %arg2[%add3A_371, %add3A_382, %dma_start3A_452] : memref<4x1440x128xi32, #tpu.memory_space<hbm>> -> memref<1x9x128xi32, #tpu.memory_space<hbm>>
        %dma_start3A_454 = tpu.memref_squeeze %dma_start3A_453 : memref<1x9x128xi32, #tpu.memory_space<hbm>> -> memref<9x128xi32, #tpu.memory_space<hbm>>
        %dma_start3A_455 = arith.constant 0 : i32
        %dma_start3A_456 = arith.constant 0 : i32
        %dma_start3A_457 = tpu.memref_slice %arg5[%sub3A_372, %dma_start3A_447, %dma_start3A_455, %dma_start3A_456] : memref<2x5x9x128xi32, #tpu.memory_space<vmem>> -> memref<1x1x9x128xi32, #tpu.memory_space<vmem>>
        %dma_start3A_458 = tpu.memref_squeeze %dma_start3A_457 : memref<1x1x9x128xi32, #tpu.memory_space<vmem>> -> memref<9x128xi32, #tpu.memory_space<vmem>>
        %dma_start3A_459 = arith.constant 0 : i32
        %dma_start3A_460 = tpu.memref_slice %arg2[%add3A_371, %add3A_382, %dma_start3A_459] : memref<4x1440x128xi32, #tpu.memory_space<hbm>> -> memref<1x9x128xi32, #tpu.memory_space<hbm>>
        %dma_start3A_461 = tpu.memref_squeeze %dma_start3A_460 : memref<1x9x128xi32, #tpu.memory_space<hbm>> -> memref<9x128xi32, #tpu.memory_space<hbm>>
        tpu.enqueue_dma source(%dma_start3A_461 : memref<9x128xi32, #tpu.memory_space<hbm>>) target(%dma_start3A_458 : memref<9x128xi32, #tpu.memory_space<vmem>>) target_semaphore(%arg8 : memref<!tpu.dma_semaphore, #tpu.memory_space<semaphore_mem>>)
        %dma_start3A_462 = arith.constant 0 : i32
        %dma_start3A_463 = arith.constant 0 : i32
        %dma_start3A_464 = arith.constant 0 : i32
        %dma_start3A_465 = tpu.memref_slice %arg6[%sub3A_372, %dma_start3A_462, %dma_start3A_463, %dma_start3A_464] : memref<2x2x9x128xi32, #tpu.memory_space<vmem>> -> memref<1x1x9x128xi32, #tpu.memory_space<vmem>>
        %dma_start3A_466 = tpu.memref_squeeze %dma_start3A_465 : memref<1x1x9x128xi32, #tpu.memory_space<vmem>> -> memref<9x128xi32, #tpu.memory_space<vmem>>
        %dma_start3A_467 = arith.constant 0 : i32
        %dma_start3A_468 = tpu.memref_slice %arg3[%add3A_371, %add3A_384, %dma_start3A_467] : memref<4x576x128xi32, #tpu.memory_space<hbm>> -> memref<1x9x128xi32, #tpu.memory_space<hbm>>
        %dma_start3A_469 = tpu.memref_squeeze %dma_start3A_468 : memref<1x9x128xi32, #tpu.memory_space<hbm>> -> memref<9x128xi32, #tpu.memory_space<hbm>>
        %dma_start3A_470 = arith.constant 0 : i32
        %dma_start3A_471 = arith.constant 0 : i32
        %dma_start3A_472 = tpu.memref_slice %arg6[%sub3A_372, %dma_start3A_462, %dma_start3A_470, %dma_start3A_471] : memref<2x2x9x128xi32, #tpu.memory_space<vmem>> -> memref<1x1x9x128xi32, #tpu.memory_space<vmem>>
        %dma_start3A_473 = tpu.memref_squeeze %dma_start3A_472 : memref<1x1x9x128xi32, #tpu.memory_space<vmem>> -> memref<9x128xi32, #tpu.memory_space<vmem>>
        %dma_start3A_474 = arith.constant 0 : i32
        %dma_start3A_475 = tpu.memref_slice %arg3[%add3A_371, %add3A_384, %dma_start3A_474] : memref<4x576x128xi32, #tpu.memory_space<hbm>> -> memref<1x9x128xi32, #tpu.memory_space<hbm>>
        %dma_start3A_476 = tpu.memref_squeeze %dma_start3A_475 : memref<1x9x128xi32, #tpu.memory_space<hbm>> -> memref<9x128xi32, #tpu.memory_space<hbm>>
        tpu.enqueue_dma source(%dma_start3A_476 : memref<9x128xi32, #tpu.memory_space<hbm>>) target(%dma_start3A_473 : memref<9x128xi32, #tpu.memory_space<vmem>>) target_semaphore(%arg8 : memref<!tpu.dma_semaphore, #tpu.memory_space<semaphore_mem>>)
        %dma_start3A_477 = arith.constant 1 : i32
        %dma_start3A_478 = arith.constant 0 : i32
        %dma_start3A_479 = arith.constant 0 : i32
        %dma_start3A_480 = tpu.memref_slice %arg6[%sub3A_372, %dma_start3A_477, %dma_start3A_478, %dma_start3A_479] : memref<2x2x9x128xi32, #tpu.memory_space<vmem>> -> memref<1x1x9x128xi32, #tpu.memory_space<vmem>>
        %dma_start3A_481 = tpu.memref_squeeze %dma_start3A_480 : memref<1x1x9x128xi32, #tpu.memory_space<vmem>> -> memref<9x128xi32, #tpu.memory_space<vmem>>
        %dma_start3A_482 = arith.constant 0 : i32
        %dma_start3A_483 = tpu.memref_slice %arg3[%add3A_371, %add3A_386, %dma_start3A_482] : memref<4x576x128xi32, #tpu.memory_space<hbm>> -> memref<1x9x128xi32, #tpu.memory_space<hbm>>
        %dma_start3A_484 = tpu.memref_squeeze %dma_start3A_483 : memref<1x9x128xi32, #tpu.memory_space<hbm>> -> memref<9x128xi32, #tpu.memory_space<hbm>>
        %dma_start3A_485 = arith.constant 0 : i32
        %dma_start3A_486 = arith.constant 0 : i32
        %dma_start3A_487 = tpu.memref_slice %arg6[%sub3A_372, %dma_start3A_477, %dma_start3A_485, %dma_start3A_486] : memref<2x2x9x128xi32, #tpu.memory_space<vmem>> -> memref<1x1x9x128xi32, #tpu.memory_space<vmem>>
        %dma_start3A_488 = tpu.memref_squeeze %dma_start3A_487 : memref<1x1x9x128xi32, #tpu.memory_space<vmem>> -> memref<9x128xi32, #tpu.memory_space<vmem>>
        %dma_start3A_489 = arith.constant 0 : i32
        %dma_start3A_490 = tpu.memref_slice %arg3[%add3A_371, %add3A_386, %dma_start3A_489] : memref<4x576x128xi32, #tpu.memory_space<hbm>> -> memref<1x9x128xi32, #tpu.memory_space<hbm>>
        %dma_start3A_491 = tpu.memref_squeeze %dma_start3A_490 : memref<1x9x128xi32, #tpu.memory_space<hbm>> -> memref<9x128xi32, #tpu.memory_space<hbm>>
        tpu.enqueue_dma source(%dma_start3A_491 : memref<9x128xi32, #tpu.memory_space<hbm>>) target(%dma_start3A_488 : memref<9x128xi32, #tpu.memory_space<vmem>>) target_semaphore(%arg8 : memref<!tpu.dma_semaphore, #tpu.memory_space<semaphore_mem>>)
      } else {
      }
      %broadcast_in_dim3A_267 = arith.constant 0.000000e+00 : f32
      %broadcast_in_dim3A_268 = vector.broadcast %broadcast_in_dim3A_267 : f32 to vector<16xf32>
      %broadcast_in_dim3A_269 = arith.constant 0.000000e+00 : f32
      %broadcast_in_dim3A_270 = vector.broadcast %broadcast_in_dim3A_269 : f32 to vector<16xf32>
      %broadcast_in_dim3A_271 = arith.constant 0.000000e+00 : f32
      %broadcast_in_dim3A_272 = vector.broadcast %broadcast_in_dim3A_271 : f32 to vector<16xf32>
      %broadcast_in_dim3A_273 = arith.constant 0.000000e+00 : f32
      %broadcast_in_dim3A_274 = vector.broadcast %broadcast_in_dim3A_273 : f32 to vector<16xf32>
      %broadcast_in_dim3A_275 = arith.constant 0.000000e+00 : f32
      %broadcast_in_dim3A_276 = vector.broadcast %broadcast_in_dim3A_275 : f32 to vector<16xf32>
      %broadcast_in_dim3A_277 = arith.constant 0.000000e+00 : f32
      %broadcast_in_dim3A_278 = vector.broadcast %broadcast_in_dim3A_277 : f32 to vector<16xf32>
      %broadcast_in_dim3A_279 = arith.constant 0.000000e+00 : f32
      %broadcast_in_dim3A_280 = vector.broadcast %broadcast_in_dim3A_279 : f32 to vector<16xf32>
      %broadcast_in_dim3A_281 = arith.constant 0.000000e+00 : f32
      %broadcast_in_dim3A_282 = vector.broadcast %broadcast_in_dim3A_281 : f32 to vector<16xf32>
      %broadcast_in_dim3A_283 = arith.constant 0.000000e+00 : f32
      %broadcast_in_dim3A_284 = vector.broadcast %broadcast_in_dim3A_283 : f32 to vector<16xf32>
      %broadcast_in_dim3A_285 = arith.constant 0.000000e+00 : f32
      %broadcast_in_dim3A_286 = vector.broadcast %broadcast_in_dim3A_285 : f32 to vector<16xf32>
      %broadcast_in_dim3A_287 = arith.constant 0.000000e+00 : f32
      %broadcast_in_dim3A_288 = vector.broadcast %broadcast_in_dim3A_287 : f32 to vector<16xf32>
      %broadcast_in_dim3A_289 = arith.constant 0.000000e+00 : f32
      %broadcast_in_dim3A_290 = vector.broadcast %broadcast_in_dim3A_289 : f32 to vector<16xf32>
      %broadcast_in_dim3A_291 = arith.constant 0.000000e+00 : f32
      %broadcast_in_dim3A_292 = vector.broadcast %broadcast_in_dim3A_291 : f32 to vector<16xf32>
      %broadcast_in_dim3A_293 = arith.constant 0.000000e+00 : f32
      %broadcast_in_dim3A_294 = vector.broadcast %broadcast_in_dim3A_293 : f32 to vector<16xf32>
      %broadcast_in_dim3A_295 = arith.constant 0.000000e+00 : f32
      %broadcast_in_dim3A_296 = vector.broadcast %broadcast_in_dim3A_295 : f32 to vector<16xf32>
      %broadcast_in_dim3A_297 = arith.constant 0.000000e+00 : f32
      %broadcast_in_dim3A_298 = vector.broadcast %broadcast_in_dim3A_297 : f32 to vector<16xf32>
      %scan3A_299 = arith.constant 0 : i32
      %scan3A_300 = arith.constant 9 : i32
      %scan3A_301 = arith.addi %scan3A_299, %scan3A_300 : i32
      %scan3A_302 = arith.constant 1 : i32
      %scan3A_303:16 = scf.for %scan3A_370 = %scan3A_299 to %scan3A_301 step %scan3A_302 iter_args(%scan3A_371 = %broadcast_in_dim3A_268, %scan3A_372 = %broadcast_in_dim3A_270, %scan3A_373 = %broadcast_in_dim3A_272, %scan3A_374 = %broadcast_in_dim3A_274, %scan3A_375 = %broadcast_in_dim3A_276, %scan3A_376 = %broadcast_in_dim3A_278, %scan3A_377 = %broadcast_in_dim3A_280, %scan3A_378 = %broadcast_in_dim3A_282, %scan3A_379 = %broadcast_in_dim3A_284, %scan3A_380 = %broadcast_in_dim3A_286, %scan3A_381 = %broadcast_in_dim3A_288, %scan3A_382 = %broadcast_in_dim3A_290, %scan3A_383 = %broadcast_in_dim3A_292, %scan3A_384 = %broadcast_in_dim3A_294, %scan3A_385 = %broadcast_in_dim3A_296, %scan3A_386 = %broadcast_in_dim3A_298) -> (vector<16xf32>, vector<16xf32>, vector<16xf32>, vector<16xf32>, vector<16xf32>, vector<16xf32>, vector<16xf32>, vector<16xf32>, vector<16xf32>, vector<16xf32>, vector<16xf32>, vector<16xf32>, vector<16xf32>, vector<16xf32>, vector<16xf32>, vector<16xf32>)  : i32 {
        %broadcast_in_dim3A_387 = vector.broadcast %scan3A_370 : i32 to vector<16xi32>
        %broadcast_in_dim3A_388 = arith.constant 0 : i32
        %broadcast_in_dim3A_389 = vector.broadcast %broadcast_in_dim3A_388 : i32 to vector<16xi32>
        %add3A_390 = arith.constant 0 : i32
        %add3A_391 = vector.broadcast %add3A_390 : i32 to vector<16xi32>
        %add3A_392 = arith.addi %iota3A, %add3A_391 : vector<16xi32>
        %gather3A = tpu.vector_load_idx %arg6[%broadcast_in_dim3A, %broadcast_in_dim3A_389, %broadcast_in_dim3A_387, %add3A_392] : memref<2x2x9x128xi32, #tpu.memory_space<vmem>>[vector<16xi32>, vector<16xi32>, vector<16xi32>, vector<16xi32>], vector<16xi32>,
        %and3A_393 = arith.constant 65535 : i32
        %and3A_394 = vector.broadcast %and3A_393 : i32 to vector<16xi32>
        %and3A_395 = arith.andi %gather3A, %and3A_394 : vector<16xi32>
        %shift_right_logical3A = arith.constant 16 : i32
        %shift_right_logical3A_396 = vector.broadcast %shift_right_logical3A : i32 to vector<16xi32>
        %shift_right_logical3A_397 = arith.shrui %gather3A, %shift_right_logical3A_396 : vector<16xi32>
        %shift_right_logical3A_398 = arith.constant 7 : i32
        %shift_right_logical3A_399 = vector.broadcast %shift_right_logical3A_398 : i32 to vector<16xi32>
        %shift_right_logical3A_400 = arith.shrui %and3A_395, %shift_right_logical3A_399 : vector<16xi32>
        %and3A_401 = arith.constant 127 : i32
        %and3A_402 = vector.broadcast %and3A_401 : i32 to vector<16xi32>
        %and3A_403 = arith.andi %and3A_395, %and3A_402 : vector<16xi32>
        %gather3A_404 = tpu.vector_load_idx %arg5[%broadcast_in_dim3A, %shift_right_logical3A_400, %broadcast_in_dim3A_387, %and3A_403] : memref<2x5x9x128xi32, #tpu.memory_space<vmem>>[vector<16xi32>, vector<16xi32>, vector<16xi32>, vector<16xi32>], vector<16xi32>,
        %shift_right_logical3A_405 = arith.constant 7 : i32
        %shift_right_logical3A_406 = vector.broadcast %shift_right_logical3A_405 : i32 to vector<16xi32>
        %shift_right_logical3A_407 = arith.shrui %shift_right_logical3A_397, %shift_right_logical3A_406 : vector<16xi32>
        %and3A_408 = arith.constant 127 : i32
        %and3A_409 = vector.broadcast %and3A_408 : i32 to vector<16xi32>
        %and3A_410 = arith.andi %shift_right_logical3A_397, %and3A_409 : vector<16xi32>
        %gather3A_411 = tpu.vector_load_idx %arg5[%broadcast_in_dim3A, %shift_right_logical3A_407, %broadcast_in_dim3A_387, %and3A_410] : memref<2x5x9x128xi32, #tpu.memory_space<vmem>>[vector<16xi32>, vector<16xi32>, vector<16xi32>, vector<16xi32>], vector<16xi32>,
        %shift_left3A = arith.constant 16 : i32
        %shift_left3A_412 = vector.broadcast %shift_left3A : i32 to vector<16xi32>
        %shift_left3A_413 = arith.shli %gather3A_404, %shift_left3A_412 : vector<16xi32>
        %bitcast3A = vector.bitcast %shift_left3A_413 : vector<16xi32> to vector<16xf32>
        %and3A_414 = arith.constant -65536 : i32
        %and3A_415 = vector.broadcast %and3A_414 : i32 to vector<16xi32>
        %and3A_416 = arith.andi %gather3A_411, %and3A_415 : vector<16xi32>
        %bitcast3A_417 = vector.bitcast %and3A_416 : vector<16xi32> to vector<16xf32>
        %add3A_418 = arith.addf %bitcast3A, %bitcast3A_417 : vector<16xf32>
        %add3A_419 = arith.addf %scan3A_371, %add3A_418 : vector<16xf32>
        %broadcast_in_dim3A_420 = arith.constant 0 : i32
        %broadcast_in_dim3A_421 = vector.broadcast %broadcast_in_dim3A_420 : i32 to vector<16xi32>
        %add3A_422 = arith.constant 16 : i32
        %add3A_423 = vector.broadcast %add3A_422 : i32 to vector<16xi32>
        %add3A_424 = arith.addi %iota3A, %add3A_423 : vector<16xi32>
        %gather3A_425 = tpu.vector_load_idx %arg6[%broadcast_in_dim3A, %broadcast_in_dim3A_421, %broadcast_in_dim3A_387, %add3A_424] : memref<2x2x9x128xi32, #tpu.memory_space<vmem>>[vector<16xi32>, vector<16xi32>, vector<16xi32>, vector<16xi32>], vector<16xi32>,
        %and3A_426 = arith.constant 65535 : i32
        %and3A_427 = vector.broadcast %and3A_426 : i32 to vector<16xi32>
        %and3A_428 = arith.andi %gather3A_425, %and3A_427 : vector<16xi32>
        %shift_right_logical3A_429 = arith.constant 16 : i32
        %shift_right_logical3A_430 = vector.broadcast %shift_right_logical3A_429 : i32 to vector<16xi32>
        %shift_right_logical3A_431 = arith.shrui %gather3A_425, %shift_right_logical3A_430 : vector<16xi32>
        %shift_right_logical3A_432 = arith.constant 7 : i32
        %shift_right_logical3A_433 = vector.broadcast %shift_right_logical3A_432 : i32 to vector<16xi32>
        %shift_right_logical3A_434 = arith.shrui %and3A_428, %shift_right_logical3A_433 : vector<16xi32>
        %and3A_435 = arith.constant 127 : i32
        %and3A_436 = vector.broadcast %and3A_435 : i32 to vector<16xi32>
        %and3A_437 = arith.andi %and3A_428, %and3A_436 : vector<16xi32>
        %gather3A_438 = tpu.vector_load_idx %arg5[%broadcast_in_dim3A, %shift_right_logical3A_434, %broadcast_in_dim3A_387, %and3A_437] : memref<2x5x9x128xi32, #tpu.memory_space<vmem>>[vector<16xi32>, vector<16xi32>, vector<16xi32>, vector<16xi32>], vector<16xi32>,
        %shift_right_logical3A_439 = arith.constant 7 : i32
        %shift_right_logical3A_440 = vector.broadcast %shift_right_logical3A_439 : i32 to vector<16xi32>
        %shift_right_logical3A_441 = arith.shrui %shift_right_logical3A_431, %shift_right_logical3A_440 : vector<16xi32>
        %and3A_442 = arith.constant 127 : i32
        %and3A_443 = vector.broadcast %and3A_442 : i32 to vector<16xi32>
        %and3A_444 = arith.andi %shift_right_logical3A_431, %and3A_443 : vector<16xi32>
        %gather3A_445 = tpu.vector_load_idx %arg5[%broadcast_in_dim3A, %shift_right_logical3A_441, %broadcast_in_dim3A_387, %and3A_444] : memref<2x5x9x128xi32, #tpu.memory_space<vmem>>[vector<16xi32>, vector<16xi32>, vector<16xi32>, vector<16xi32>], vector<16xi32>,
        %shift_left3A_446 = arith.constant 16 : i32
        %shift_left3A_447 = vector.broadcast %shift_left3A_446 : i32 to vector<16xi32>
        %shift_left3A_448 = arith.shli %gather3A_438, %shift_left3A_447 : vector<16xi32>
        %bitcast3A_449 = vector.bitcast %shift_left3A_448 : vector<16xi32> to vector<16xf32>
        %and3A_450 = arith.constant -65536 : i32
        %and3A_451 = vector.broadcast %and3A_450 : i32 to vector<16xi32>
        %and3A_452 = arith.andi %gather3A_445, %and3A_451 : vector<16xi32>
        %bitcast3A_453 = vector.bitcast %and3A_452 : vector<16xi32> to vector<16xf32>
        %add3A_454 = arith.addf %bitcast3A_449, %bitcast3A_453 : vector<16xf32>
        %add3A_455 = arith.addf %scan3A_372, %add3A_454 : vector<16xf32>
        %broadcast_in_dim3A_456 = arith.constant 0 : i32
        %broadcast_in_dim3A_457 = vector.broadcast %broadcast_in_dim3A_456 : i32 to vector<16xi32>
        %add3A_458 = arith.constant 32 : i32
        %add3A_459 = vector.broadcast %add3A_458 : i32 to vector<16xi32>
        %add3A_460 = arith.addi %iota3A, %add3A_459 : vector<16xi32>
        %gather3A_461 = tpu.vector_load_idx %arg6[%broadcast_in_dim3A, %broadcast_in_dim3A_457, %broadcast_in_dim3A_387, %add3A_460] : memref<2x2x9x128xi32, #tpu.memory_space<vmem>>[vector<16xi32>, vector<16xi32>, vector<16xi32>, vector<16xi32>], vector<16xi32>,
        %and3A_462 = arith.constant 65535 : i32
        %and3A_463 = vector.broadcast %and3A_462 : i32 to vector<16xi32>
        %and3A_464 = arith.andi %gather3A_461, %and3A_463 : vector<16xi32>
        %shift_right_logical3A_465 = arith.constant 16 : i32
        %shift_right_logical3A_466 = vector.broadcast %shift_right_logical3A_465 : i32 to vector<16xi32>
        %shift_right_logical3A_467 = arith.shrui %gather3A_461, %shift_right_logical3A_466 : vector<16xi32>
        %shift_right_logical3A_468 = arith.constant 7 : i32
        %shift_right_logical3A_469 = vector.broadcast %shift_right_logical3A_468 : i32 to vector<16xi32>
        %shift_right_logical3A_470 = arith.shrui %and3A_464, %shift_right_logical3A_469 : vector<16xi32>
        %and3A_471 = arith.constant 127 : i32
        %and3A_472 = vector.broadcast %and3A_471 : i32 to vector<16xi32>
        %and3A_473 = arith.andi %and3A_464, %and3A_472 : vector<16xi32>
        %gather3A_474 = tpu.vector_load_idx %arg5[%broadcast_in_dim3A, %shift_right_logical3A_470, %broadcast_in_dim3A_387, %and3A_473] : memref<2x5x9x128xi32, #tpu.memory_space<vmem>>[vector<16xi32>, vector<16xi32>, vector<16xi32>, vector<16xi32>], vector<16xi32>,
        %shift_right_logical3A_475 = arith.constant 7 : i32
        %shift_right_logical3A_476 = vector.broadcast %shift_right_logical3A_475 : i32 to vector<16xi32>
        %shift_right_logical3A_477 = arith.shrui %shift_right_logical3A_467, %shift_right_logical3A_476 : vector<16xi32>
        %and3A_478 = arith.constant 127 : i32
        %and3A_479 = vector.broadcast %and3A_478 : i32 to vector<16xi32>
        %and3A_480 = arith.andi %shift_right_logical3A_467, %and3A_479 : vector<16xi32>
        %gather3A_481 = tpu.vector_load_idx %arg5[%broadcast_in_dim3A, %shift_right_logical3A_477, %broadcast_in_dim3A_387, %and3A_480] : memref<2x5x9x128xi32, #tpu.memory_space<vmem>>[vector<16xi32>, vector<16xi32>, vector<16xi32>, vector<16xi32>], vector<16xi32>,
        %shift_left3A_482 = arith.constant 16 : i32
        %shift_left3A_483 = vector.broadcast %shift_left3A_482 : i32 to vector<16xi32>
        %shift_left3A_484 = arith.shli %gather3A_474, %shift_left3A_483 : vector<16xi32>
        %bitcast3A_485 = vector.bitcast %shift_left3A_484 : vector<16xi32> to vector<16xf32>
        %and3A_486 = arith.constant -65536 : i32
        %and3A_487 = vector.broadcast %and3A_486 : i32 to vector<16xi32>
        %and3A_488 = arith.andi %gather3A_481, %and3A_487 : vector<16xi32>
        %bitcast3A_489 = vector.bitcast %and3A_488 : vector<16xi32> to vector<16xf32>
        %add3A_490 = arith.addf %bitcast3A_485, %bitcast3A_489 : vector<16xf32>
        %add3A_491 = arith.addf %scan3A_373, %add3A_490 : vector<16xf32>
        %broadcast_in_dim3A_492 = arith.constant 0 : i32
        %broadcast_in_dim3A_493 = vector.broadcast %broadcast_in_dim3A_492 : i32 to vector<16xi32>
        %add3A_494 = arith.constant 48 : i32
        %add3A_495 = vector.broadcast %add3A_494 : i32 to vector<16xi32>
        %add3A_496 = arith.addi %iota3A, %add3A_495 : vector<16xi32>
        %gather3A_497 = tpu.vector_load_idx %arg6[%broadcast_in_dim3A, %broadcast_in_dim3A_493, %broadcast_in_dim3A_387, %add3A_496] : memref<2x2x9x128xi32, #tpu.memory_space<vmem>>[vector<16xi32>, vector<16xi32>, vector<16xi32>, vector<16xi32>], vector<16xi32>,
        %and3A_498 = arith.constant 65535 : i32
        %and3A_499 = vector.broadcast %and3A_498 : i32 to vector<16xi32>
        %and3A_500 = arith.andi %gather3A_497, %and3A_499 : vector<16xi32>
        %shift_right_logical3A_501 = arith.constant 16 : i32
        %shift_right_logical3A_502 = vector.broadcast %shift_right_logical3A_501 : i32 to vector<16xi32>
        %shift_right_logical3A_503 = arith.shrui %gather3A_497, %shift_right_logical3A_502 : vector<16xi32>
        %shift_right_logical3A_504 = arith.constant 7 : i32
        %shift_right_logical3A_505 = vector.broadcast %shift_right_logical3A_504 : i32 to vector<16xi32>
        %shift_right_logical3A_506 = arith.shrui %and3A_500, %shift_right_logical3A_505 : vector<16xi32>
        %and3A_507 = arith.constant 127 : i32
        %and3A_508 = vector.broadcast %and3A_507 : i32 to vector<16xi32>
        %and3A_509 = arith.andi %and3A_500, %and3A_508 : vector<16xi32>
        %gather3A_510 = tpu.vector_load_idx %arg5[%broadcast_in_dim3A, %shift_right_logical3A_506, %broadcast_in_dim3A_387, %and3A_509] : memref<2x5x9x128xi32, #tpu.memory_space<vmem>>[vector<16xi32>, vector<16xi32>, vector<16xi32>, vector<16xi32>], vector<16xi32>,
        %shift_right_logical3A_511 = arith.constant 7 : i32
        %shift_right_logical3A_512 = vector.broadcast %shift_right_logical3A_511 : i32 to vector<16xi32>
        %shift_right_logical3A_513 = arith.shrui %shift_right_logical3A_503, %shift_right_logical3A_512 : vector<16xi32>
        %and3A_514 = arith.constant 127 : i32
        %and3A_515 = vector.broadcast %and3A_514 : i32 to vector<16xi32>
        %and3A_516 = arith.andi %shift_right_logical3A_503, %and3A_515 : vector<16xi32>
        %gather3A_517 = tpu.vector_load_idx %arg5[%broadcast_in_dim3A, %shift_right_logical3A_513, %broadcast_in_dim3A_387, %and3A_516] : memref<2x5x9x128xi32, #tpu.memory_space<vmem>>[vector<16xi32>, vector<16xi32>, vector<16xi32>, vector<16xi32>], vector<16xi32>,
        %shift_left3A_518 = arith.constant 16 : i32
        %shift_left3A_519 = vector.broadcast %shift_left3A_518 : i32 to vector<16xi32>
        %shift_left3A_520 = arith.shli %gather3A_510, %shift_left3A_519 : vector<16xi32>
        %bitcast3A_521 = vector.bitcast %shift_left3A_520 : vector<16xi32> to vector<16xf32>
        %and3A_522 = arith.constant -65536 : i32
        %and3A_523 = vector.broadcast %and3A_522 : i32 to vector<16xi32>
        %and3A_524 = arith.andi %gather3A_517, %and3A_523 : vector<16xi32>
        %bitcast3A_525 = vector.bitcast %and3A_524 : vector<16xi32> to vector<16xf32>
        %add3A_526 = arith.addf %bitcast3A_521, %bitcast3A_525 : vector<16xf32>
        %add3A_527 = arith.addf %scan3A_374, %add3A_526 : vector<16xf32>
        %broadcast_in_dim3A_528 = arith.constant 0 : i32
        %broadcast_in_dim3A_529 = vector.broadcast %broadcast_in_dim3A_528 : i32 to vector<16xi32>
        %add3A_530 = arith.constant 64 : i32
        %add3A_531 = vector.broadcast %add3A_530 : i32 to vector<16xi32>
        %add3A_532 = arith.addi %iota3A, %add3A_531 : vector<16xi32>
        %gather3A_533 = tpu.vector_load_idx %arg6[%broadcast_in_dim3A, %broadcast_in_dim3A_529, %broadcast_in_dim3A_387, %add3A_532] : memref<2x2x9x128xi32, #tpu.memory_space<vmem>>[vector<16xi32>, vector<16xi32>, vector<16xi32>, vector<16xi32>], vector<16xi32>,
        %and3A_534 = arith.constant 65535 : i32
        %and3A_535 = vector.broadcast %and3A_534 : i32 to vector<16xi32>
        %and3A_536 = arith.andi %gather3A_533, %and3A_535 : vector<16xi32>
        %shift_right_logical3A_537 = arith.constant 16 : i32
        %shift_right_logical3A_538 = vector.broadcast %shift_right_logical3A_537 : i32 to vector<16xi32>
        %shift_right_logical3A_539 = arith.shrui %gather3A_533, %shift_right_logical3A_538 : vector<16xi32>
        %shift_right_logical3A_540 = arith.constant 7 : i32
        %shift_right_logical3A_541 = vector.broadcast %shift_right_logical3A_540 : i32 to vector<16xi32>
        %shift_right_logical3A_542 = arith.shrui %and3A_536, %shift_right_logical3A_541 : vector<16xi32>
        %and3A_543 = arith.constant 127 : i32
        %and3A_544 = vector.broadcast %and3A_543 : i32 to vector<16xi32>
        %and3A_545 = arith.andi %and3A_536, %and3A_544 : vector<16xi32>
        %gather3A_546 = tpu.vector_load_idx %arg5[%broadcast_in_dim3A, %shift_right_logical3A_542, %broadcast_in_dim3A_387, %and3A_545] : memref<2x5x9x128xi32, #tpu.memory_space<vmem>>[vector<16xi32>, vector<16xi32>, vector<16xi32>, vector<16xi32>], vector<16xi32>,
        %shift_right_logical3A_547 = arith.constant 7 : i32
        %shift_right_logical3A_548 = vector.broadcast %shift_right_logical3A_547 : i32 to vector<16xi32>
        %shift_right_logical3A_549 = arith.shrui %shift_right_logical3A_539, %shift_right_logical3A_548 : vector<16xi32>
        %and3A_550 = arith.constant 127 : i32
        %and3A_551 = vector.broadcast %and3A_550 : i32 to vector<16xi32>
        %and3A_552 = arith.andi %shift_right_logical3A_539, %and3A_551 : vector<16xi32>
        %gather3A_553 = tpu.vector_load_idx %arg5[%broadcast_in_dim3A, %shift_right_logical3A_549, %broadcast_in_dim3A_387, %and3A_552] : memref<2x5x9x128xi32, #tpu.memory_space<vmem>>[vector<16xi32>, vector<16xi32>, vector<16xi32>, vector<16xi32>], vector<16xi32>,
        %shift_left3A_554 = arith.constant 16 : i32
        %shift_left3A_555 = vector.broadcast %shift_left3A_554 : i32 to vector<16xi32>
        %shift_left3A_556 = arith.shli %gather3A_546, %shift_left3A_555 : vector<16xi32>
        %bitcast3A_557 = vector.bitcast %shift_left3A_556 : vector<16xi32> to vector<16xf32>
        %and3A_558 = arith.constant -65536 : i32
        %and3A_559 = vector.broadcast %and3A_558 : i32 to vector<16xi32>
        %and3A_560 = arith.andi %gather3A_553, %and3A_559 : vector<16xi32>
        %bitcast3A_561 = vector.bitcast %and3A_560 : vector<16xi32> to vector<16xf32>
        %add3A_562 = arith.addf %bitcast3A_557, %bitcast3A_561 : vector<16xf32>
        %add3A_563 = arith.addf %scan3A_375, %add3A_562 : vector<16xf32>
        %broadcast_in_dim3A_564 = arith.constant 0 : i32
        %broadcast_in_dim3A_565 = vector.broadcast %broadcast_in_dim3A_564 : i32 to vector<16xi32>
        %add3A_566 = arith.constant 80 : i32
        %add3A_567 = vector.broadcast %add3A_566 : i32 to vector<16xi32>
        %add3A_568 = arith.addi %iota3A, %add3A_567 : vector<16xi32>
        %gather3A_569 = tpu.vector_load_idx %arg6[%broadcast_in_dim3A, %broadcast_in_dim3A_565, %broadcast_in_dim3A_387, %add3A_568] : memref<2x2x9x128xi32, #tpu.memory_space<vmem>>[vector<16xi32>, vector<16xi32>, vector<16xi32>, vector<16xi32>], vector<16xi32>,
        %and3A_570 = arith.constant 65535 : i32
        %and3A_571 = vector.broadcast %and3A_570 : i32 to vector<16xi32>
        %and3A_572 = arith.andi %gather3A_569, %and3A_571 : vector<16xi32>
        %shift_right_logical3A_573 = arith.constant 16 : i32
        %shift_right_logical3A_574 = vector.broadcast %shift_right_logical3A_573 : i32 to vector<16xi32>
        %shift_right_logical3A_575 = arith.shrui %gather3A_569, %shift_right_logical3A_574 : vector<16xi32>
        %shift_right_logical3A_576 = arith.constant 7 : i32
        %shift_right_logical3A_577 = vector.broadcast %shift_right_logical3A_576 : i32 to vector<16xi32>
        %shift_right_logical3A_578 = arith.shrui %and3A_572, %shift_right_logical3A_577 : vector<16xi32>
        %and3A_579 = arith.constant 127 : i32
        %and3A_580 = vector.broadcast %and3A_579 : i32 to vector<16xi32>
        %and3A_581 = arith.andi %and3A_572, %and3A_580 : vector<16xi32>
        %gather3A_582 = tpu.vector_load_idx %arg5[%broadcast_in_dim3A, %shift_right_logical3A_578, %broadcast_in_dim3A_387, %and3A_581] : memref<2x5x9x128xi32, #tpu.memory_space<vmem>>[vector<16xi32>, vector<16xi32>, vector<16xi32>, vector<16xi32>], vector<16xi32>,
        %shift_right_logical3A_583 = arith.constant 7 : i32
        %shift_right_logical3A_584 = vector.broadcast %shift_right_logical3A_583 : i32 to vector<16xi32>
        %shift_right_logical3A_585 = arith.shrui %shift_right_logical3A_575, %shift_right_logical3A_584 : vector<16xi32>
        %and3A_586 = arith.constant 127 : i32
        %and3A_587 = vector.broadcast %and3A_586 : i32 to vector<16xi32>
        %and3A_588 = arith.andi %shift_right_logical3A_575, %and3A_587 : vector<16xi32>
        %gather3A_589 = tpu.vector_load_idx %arg5[%broadcast_in_dim3A, %shift_right_logical3A_585, %broadcast_in_dim3A_387, %and3A_588] : memref<2x5x9x128xi32, #tpu.memory_space<vmem>>[vector<16xi32>, vector<16xi32>, vector<16xi32>, vector<16xi32>], vector<16xi32>,
        %shift_left3A_590 = arith.constant 16 : i32
        %shift_left3A_591 = vector.broadcast %shift_left3A_590 : i32 to vector<16xi32>
        %shift_left3A_592 = arith.shli %gather3A_582, %shift_left3A_591 : vector<16xi32>
        %bitcast3A_593 = vector.bitcast %shift_left3A_592 : vector<16xi32> to vector<16xf32>
        %and3A_594 = arith.constant -65536 : i32
        %and3A_595 = vector.broadcast %and3A_594 : i32 to vector<16xi32>
        %and3A_596 = arith.andi %gather3A_589, %and3A_595 : vector<16xi32>
        %bitcast3A_597 = vector.bitcast %and3A_596 : vector<16xi32> to vector<16xf32>
        %add3A_598 = arith.addf %bitcast3A_593, %bitcast3A_597 : vector<16xf32>
        %add3A_599 = arith.addf %scan3A_376, %add3A_598 : vector<16xf32>
        %broadcast_in_dim3A_600 = arith.constant 0 : i32
        %broadcast_in_dim3A_601 = vector.broadcast %broadcast_in_dim3A_600 : i32 to vector<16xi32>
        %add3A_602 = arith.constant 96 : i32
        %add3A_603 = vector.broadcast %add3A_602 : i32 to vector<16xi32>
        %add3A_604 = arith.addi %iota3A, %add3A_603 : vector<16xi32>
        %gather3A_605 = tpu.vector_load_idx %arg6[%broadcast_in_dim3A, %broadcast_in_dim3A_601, %broadcast_in_dim3A_387, %add3A_604] : memref<2x2x9x128xi32, #tpu.memory_space<vmem>>[vector<16xi32>, vector<16xi32>, vector<16xi32>, vector<16xi32>], vector<16xi32>,
        %and3A_606 = arith.constant 65535 : i32
        %and3A_607 = vector.broadcast %and3A_606 : i32 to vector<16xi32>
        %and3A_608 = arith.andi %gather3A_605, %and3A_607 : vector<16xi32>
        %shift_right_logical3A_609 = arith.constant 16 : i32
        %shift_right_logical3A_610 = vector.broadcast %shift_right_logical3A_609 : i32 to vector<16xi32>
        %shift_right_logical3A_611 = arith.shrui %gather3A_605, %shift_right_logical3A_610 : vector<16xi32>
        %shift_right_logical3A_612 = arith.constant 7 : i32
        %shift_right_logical3A_613 = vector.broadcast %shift_right_logical3A_612 : i32 to vector<16xi32>
        %shift_right_logical3A_614 = arith.shrui %and3A_608, %shift_right_logical3A_613 : vector<16xi32>
        %and3A_615 = arith.constant 127 : i32
        %and3A_616 = vector.broadcast %and3A_615 : i32 to vector<16xi32>
        %and3A_617 = arith.andi %and3A_608, %and3A_616 : vector<16xi32>
        %gather3A_618 = tpu.vector_load_idx %arg5[%broadcast_in_dim3A, %shift_right_logical3A_614, %broadcast_in_dim3A_387, %and3A_617] : memref<2x5x9x128xi32, #tpu.memory_space<vmem>>[vector<16xi32>, vector<16xi32>, vector<16xi32>, vector<16xi32>], vector<16xi32>,
        %shift_right_logical3A_619 = arith.constant 7 : i32
        %shift_right_logical3A_620 = vector.broadcast %shift_right_logical3A_619 : i32 to vector<16xi32>
        %shift_right_logical3A_621 = arith.shrui %shift_right_logical3A_611, %shift_right_logical3A_620 : vector<16xi32>
        %and3A_622 = arith.constant 127 : i32
        %and3A_623 = vector.broadcast %and3A_622 : i32 to vector<16xi32>
        %and3A_624 = arith.andi %shift_right_logical3A_611, %and3A_623 : vector<16xi32>
        %gather3A_625 = tpu.vector_load_idx %arg5[%broadcast_in_dim3A, %shift_right_logical3A_621, %broadcast_in_dim3A_387, %and3A_624] : memref<2x5x9x128xi32, #tpu.memory_space<vmem>>[vector<16xi32>, vector<16xi32>, vector<16xi32>, vector<16xi32>], vector<16xi32>,
        %shift_left3A_626 = arith.constant 16 : i32
        %shift_left3A_627 = vector.broadcast %shift_left3A_626 : i32 to vector<16xi32>
        %shift_left3A_628 = arith.shli %gather3A_618, %shift_left3A_627 : vector<16xi32>
        %bitcast3A_629 = vector.bitcast %shift_left3A_628 : vector<16xi32> to vector<16xf32>
        %and3A_630 = arith.constant -65536 : i32
        %and3A_631 = vector.broadcast %and3A_630 : i32 to vector<16xi32>
        %and3A_632 = arith.andi %gather3A_625, %and3A_631 : vector<16xi32>
        %bitcast3A_633 = vector.bitcast %and3A_632 : vector<16xi32> to vector<16xf32>
        %add3A_634 = arith.addf %bitcast3A_629, %bitcast3A_633 : vector<16xf32>
        %add3A_635 = arith.addf %scan3A_377, %add3A_634 : vector<16xf32>
        %broadcast_in_dim3A_636 = arith.constant 0 : i32
        %broadcast_in_dim3A_637 = vector.broadcast %broadcast_in_dim3A_636 : i32 to vector<16xi32>
        %add3A_638 = arith.constant 112 : i32
        %add3A_639 = vector.broadcast %add3A_638 : i32 to vector<16xi32>
        %add3A_640 = arith.addi %iota3A, %add3A_639 : vector<16xi32>
        %gather3A_641 = tpu.vector_load_idx %arg6[%broadcast_in_dim3A, %broadcast_in_dim3A_637, %broadcast_in_dim3A_387, %add3A_640] : memref<2x2x9x128xi32, #tpu.memory_space<vmem>>[vector<16xi32>, vector<16xi32>, vector<16xi32>, vector<16xi32>], vector<16xi32>,
        %and3A_642 = arith.constant 65535 : i32
        %and3A_643 = vector.broadcast %and3A_642 : i32 to vector<16xi32>
        %and3A_644 = arith.andi %gather3A_641, %and3A_643 : vector<16xi32>
        %shift_right_logical3A_645 = arith.constant 16 : i32
        %shift_right_logical3A_646 = vector.broadcast %shift_right_logical3A_645 : i32 to vector<16xi32>
        %shift_right_logical3A_647 = arith.shrui %gather3A_641, %shift_right_logical3A_646 : vector<16xi32>
        %shift_right_logical3A_648 = arith.constant 7 : i32
        %shift_right_logical3A_649 = vector.broadcast %shift_right_logical3A_648 : i32 to vector<16xi32>
        %shift_right_logical3A_650 = arith.shrui %and3A_644, %shift_right_logical3A_649 : vector<16xi32>
        %and3A_651 = arith.constant 127 : i32
        %and3A_652 = vector.broadcast %and3A_651 : i32 to vector<16xi32>
        %and3A_653 = arith.andi %and3A_644, %and3A_652 : vector<16xi32>
        %gather3A_654 = tpu.vector_load_idx %arg5[%broadcast_in_dim3A, %shift_right_logical3A_650, %broadcast_in_dim3A_387, %and3A_653] : memref<2x5x9x128xi32, #tpu.memory_space<vmem>>[vector<16xi32>, vector<16xi32>, vector<16xi32>, vector<16xi32>], vector<16xi32>,
        %shift_right_logical3A_655 = arith.constant 7 : i32
        %shift_right_logical3A_656 = vector.broadcast %shift_right_logical3A_655 : i32 to vector<16xi32>
        %shift_right_logical3A_657 = arith.shrui %shift_right_logical3A_647, %shift_right_logical3A_656 : vector<16xi32>
        %and3A_658 = arith.constant 127 : i32
        %and3A_659 = vector.broadcast %and3A_658 : i32 to vector<16xi32>
        %and3A_660 = arith.andi %shift_right_logical3A_647, %and3A_659 : vector<16xi32>
        %gather3A_661 = tpu.vector_load_idx %arg5[%broadcast_in_dim3A, %shift_right_logical3A_657, %broadcast_in_dim3A_387, %and3A_660] : memref<2x5x9x128xi32, #tpu.memory_space<vmem>>[vector<16xi32>, vector<16xi32>, vector<16xi32>, vector<16xi32>], vector<16xi32>,
        %shift_left3A_662 = arith.constant 16 : i32
        %shift_left3A_663 = vector.broadcast %shift_left3A_662 : i32 to vector<16xi32>
        %shift_left3A_664 = arith.shli %gather3A_654, %shift_left3A_663 : vector<16xi32>
        %bitcast3A_665 = vector.bitcast %shift_left3A_664 : vector<16xi32> to vector<16xf32>
        %and3A_666 = arith.constant -65536 : i32
        %and3A_667 = vector.broadcast %and3A_666 : i32 to vector<16xi32>
        %and3A_668 = arith.andi %gather3A_661, %and3A_667 : vector<16xi32>
        %bitcast3A_669 = vector.bitcast %and3A_668 : vector<16xi32> to vector<16xf32>
        %add3A_670 = arith.addf %bitcast3A_665, %bitcast3A_669 : vector<16xf32>
        %add3A_671 = arith.addf %scan3A_378, %add3A_670 : vector<16xf32>
        %broadcast_in_dim3A_672 = arith.constant 1 : i32
        %broadcast_in_dim3A_673 = vector.broadcast %broadcast_in_dim3A_672 : i32 to vector<16xi32>
        %add3A_674 = arith.constant 0 : i32
        %add3A_675 = vector.broadcast %add3A_674 : i32 to vector<16xi32>
        %add3A_676 = arith.addi %iota3A, %add3A_675 : vector<16xi32>
        %gather3A_677 = tpu.vector_load_idx %arg6[%broadcast_in_dim3A, %broadcast_in_dim3A_673, %broadcast_in_dim3A_387, %add3A_676] : memref<2x2x9x128xi32, #tpu.memory_space<vmem>>[vector<16xi32>, vector<16xi32>, vector<16xi32>, vector<16xi32>], vector<16xi32>,
        %and3A_678 = arith.constant 65535 : i32
        %and3A_679 = vector.broadcast %and3A_678 : i32 to vector<16xi32>
        %and3A_680 = arith.andi %gather3A_677, %and3A_679 : vector<16xi32>
        %shift_right_logical3A_681 = arith.constant 16 : i32
        %shift_right_logical3A_682 = vector.broadcast %shift_right_logical3A_681 : i32 to vector<16xi32>
        %shift_right_logical3A_683 = arith.shrui %gather3A_677, %shift_right_logical3A_682 : vector<16xi32>
        %shift_right_logical3A_684 = arith.constant 7 : i32
        %shift_right_logical3A_685 = vector.broadcast %shift_right_logical3A_684 : i32 to vector<16xi32>
        %shift_right_logical3A_686 = arith.shrui %and3A_680, %shift_right_logical3A_685 : vector<16xi32>
        %and3A_687 = arith.constant 127 : i32
        %and3A_688 = vector.broadcast %and3A_687 : i32 to vector<16xi32>
        %and3A_689 = arith.andi %and3A_680, %and3A_688 : vector<16xi32>
        %gather3A_690 = tpu.vector_load_idx %arg5[%broadcast_in_dim3A, %shift_right_logical3A_686, %broadcast_in_dim3A_387, %and3A_689] : memref<2x5x9x128xi32, #tpu.memory_space<vmem>>[vector<16xi32>, vector<16xi32>, vector<16xi32>, vector<16xi32>], vector<16xi32>,
        %shift_right_logical3A_691 = arith.constant 7 : i32
        %shift_right_logical3A_692 = vector.broadcast %shift_right_logical3A_691 : i32 to vector<16xi32>
        %shift_right_logical3A_693 = arith.shrui %shift_right_logical3A_683, %shift_right_logical3A_692 : vector<16xi32>
        %and3A_694 = arith.constant 127 : i32
        %and3A_695 = vector.broadcast %and3A_694 : i32 to vector<16xi32>
        %and3A_696 = arith.andi %shift_right_logical3A_683, %and3A_695 : vector<16xi32>
        %gather3A_697 = tpu.vector_load_idx %arg5[%broadcast_in_dim3A, %shift_right_logical3A_693, %broadcast_in_dim3A_387, %and3A_696] : memref<2x5x9x128xi32, #tpu.memory_space<vmem>>[vector<16xi32>, vector<16xi32>, vector<16xi32>, vector<16xi32>], vector<16xi32>,
        %shift_left3A_698 = arith.constant 16 : i32
        %shift_left3A_699 = vector.broadcast %shift_left3A_698 : i32 to vector<16xi32>
        %shift_left3A_700 = arith.shli %gather3A_690, %shift_left3A_699 : vector<16xi32>
        %bitcast3A_701 = vector.bitcast %shift_left3A_700 : vector<16xi32> to vector<16xf32>
        %and3A_702 = arith.constant -65536 : i32
        %and3A_703 = vector.broadcast %and3A_702 : i32 to vector<16xi32>
        %and3A_704 = arith.andi %gather3A_697, %and3A_703 : vector<16xi32>
        %bitcast3A_705 = vector.bitcast %and3A_704 : vector<16xi32> to vector<16xf32>
        %add3A_706 = arith.addf %bitcast3A_701, %bitcast3A_705 : vector<16xf32>
        %add3A_707 = arith.addf %scan3A_379, %add3A_706 : vector<16xf32>
        %broadcast_in_dim3A_708 = arith.constant 1 : i32
        %broadcast_in_dim3A_709 = vector.broadcast %broadcast_in_dim3A_708 : i32 to vector<16xi32>
        %add3A_710 = arith.constant 16 : i32
        %add3A_711 = vector.broadcast %add3A_710 : i32 to vector<16xi32>
        %add3A_712 = arith.addi %iota3A, %add3A_711 : vector<16xi32>
        %gather3A_713 = tpu.vector_load_idx %arg6[%broadcast_in_dim3A, %broadcast_in_dim3A_709, %broadcast_in_dim3A_387, %add3A_712] : memref<2x2x9x128xi32, #tpu.memory_space<vmem>>[vector<16xi32>, vector<16xi32>, vector<16xi32>, vector<16xi32>], vector<16xi32>,
        %and3A_714 = arith.constant 65535 : i32
        %and3A_715 = vector.broadcast %and3A_714 : i32 to vector<16xi32>
        %and3A_716 = arith.andi %gather3A_713, %and3A_715 : vector<16xi32>
        %shift_right_logical3A_717 = arith.constant 16 : i32
        %shift_right_logical3A_718 = vector.broadcast %shift_right_logical3A_717 : i32 to vector<16xi32>
        %shift_right_logical3A_719 = arith.shrui %gather3A_713, %shift_right_logical3A_718 : vector<16xi32>
        %shift_right_logical3A_720 = arith.constant 7 : i32
        %shift_right_logical3A_721 = vector.broadcast %shift_right_logical3A_720 : i32 to vector<16xi32>
        %shift_right_logical3A_722 = arith.shrui %and3A_716, %shift_right_logical3A_721 : vector<16xi32>
        %and3A_723 = arith.constant 127 : i32
        %and3A_724 = vector.broadcast %and3A_723 : i32 to vector<16xi32>
        %and3A_725 = arith.andi %and3A_716, %and3A_724 : vector<16xi32>
        %gather3A_726 = tpu.vector_load_idx %arg5[%broadcast_in_dim3A, %shift_right_logical3A_722, %broadcast_in_dim3A_387, %and3A_725] : memref<2x5x9x128xi32, #tpu.memory_space<vmem>>[vector<16xi32>, vector<16xi32>, vector<16xi32>, vector<16xi32>], vector<16xi32>,
        %shift_right_logical3A_727 = arith.constant 7 : i32
        %shift_right_logical3A_728 = vector.broadcast %shift_right_logical3A_727 : i32 to vector<16xi32>
        %shift_right_logical3A_729 = arith.shrui %shift_right_logical3A_719, %shift_right_logical3A_728 : vector<16xi32>
        %and3A_730 = arith.constant 127 : i32
        %and3A_731 = vector.broadcast %and3A_730 : i32 to vector<16xi32>
        %and3A_732 = arith.andi %shift_right_logical3A_719, %and3A_731 : vector<16xi32>
        %gather3A_733 = tpu.vector_load_idx %arg5[%broadcast_in_dim3A, %shift_right_logical3A_729, %broadcast_in_dim3A_387, %and3A_732] : memref<2x5x9x128xi32, #tpu.memory_space<vmem>>[vector<16xi32>, vector<16xi32>, vector<16xi32>, vector<16xi32>], vector<16xi32>,
        %shift_left3A_734 = arith.constant 16 : i32
        %shift_left3A_735 = vector.broadcast %shift_left3A_734 : i32 to vector<16xi32>
        %shift_left3A_736 = arith.shli %gather3A_726, %shift_left3A_735 : vector<16xi32>
        %bitcast3A_737 = vector.bitcast %shift_left3A_736 : vector<16xi32> to vector<16xf32>
        %and3A_738 = arith.constant -65536 : i32
        %and3A_739 = vector.broadcast %and3A_738 : i32 to vector<16xi32>
        %and3A_740 = arith.andi %gather3A_733, %and3A_739 : vector<16xi32>
        %bitcast3A_741 = vector.bitcast %and3A_740 : vector<16xi32> to vector<16xf32>
        %add3A_742 = arith.addf %bitcast3A_737, %bitcast3A_741 : vector<16xf32>
        %add3A_743 = arith.addf %scan3A_380, %add3A_742 : vector<16xf32>
        %broadcast_in_dim3A_744 = arith.constant 1 : i32
        %broadcast_in_dim3A_745 = vector.broadcast %broadcast_in_dim3A_744 : i32 to vector<16xi32>
        %add3A_746 = arith.constant 32 : i32
        %add3A_747 = vector.broadcast %add3A_746 : i32 to vector<16xi32>
        %add3A_748 = arith.addi %iota3A, %add3A_747 : vector<16xi32>
        %gather3A_749 = tpu.vector_load_idx %arg6[%broadcast_in_dim3A, %broadcast_in_dim3A_745, %broadcast_in_dim3A_387, %add3A_748] : memref<2x2x9x128xi32, #tpu.memory_space<vmem>>[vector<16xi32>, vector<16xi32>, vector<16xi32>, vector<16xi32>], vector<16xi32>,
        %and3A_750 = arith.constant 65535 : i32
        %and3A_751 = vector.broadcast %and3A_750 : i32 to vector<16xi32>
        %and3A_752 = arith.andi %gather3A_749, %and3A_751 : vector<16xi32>
        %shift_right_logical3A_753 = arith.constant 16 : i32
        %shift_right_logical3A_754 = vector.broadcast %shift_right_logical3A_753 : i32 to vector<16xi32>
        %shift_right_logical3A_755 = arith.shrui %gather3A_749, %shift_right_logical3A_754 : vector<16xi32>
        %shift_right_logical3A_756 = arith.constant 7 : i32
        %shift_right_logical3A_757 = vector.broadcast %shift_right_logical3A_756 : i32 to vector<16xi32>
        %shift_right_logical3A_758 = arith.shrui %and3A_752, %shift_right_logical3A_757 : vector<16xi32>
        %and3A_759 = arith.constant 127 : i32
        %and3A_760 = vector.broadcast %and3A_759 : i32 to vector<16xi32>
        %and3A_761 = arith.andi %and3A_752, %and3A_760 : vector<16xi32>
        %gather3A_762 = tpu.vector_load_idx %arg5[%broadcast_in_dim3A, %shift_right_logical3A_758, %broadcast_in_dim3A_387, %and3A_761] : memref<2x5x9x128xi32, #tpu.memory_space<vmem>>[vector<16xi32>, vector<16xi32>, vector<16xi32>, vector<16xi32>], vector<16xi32>,
        %shift_right_logical3A_763 = arith.constant 7 : i32
        %shift_right_logical3A_764 = vector.broadcast %shift_right_logical3A_763 : i32 to vector<16xi32>
        %shift_right_logical3A_765 = arith.shrui %shift_right_logical3A_755, %shift_right_logical3A_764 : vector<16xi32>
        %and3A_766 = arith.constant 127 : i32
        %and3A_767 = vector.broadcast %and3A_766 : i32 to vector<16xi32>
        %and3A_768 = arith.andi %shift_right_logical3A_755, %and3A_767 : vector<16xi32>
        %gather3A_769 = tpu.vector_load_idx %arg5[%broadcast_in_dim3A, %shift_right_logical3A_765, %broadcast_in_dim3A_387, %and3A_768] : memref<2x5x9x128xi32, #tpu.memory_space<vmem>>[vector<16xi32>, vector<16xi32>, vector<16xi32>, vector<16xi32>], vector<16xi32>,
        %shift_left3A_770 = arith.constant 16 : i32
        %shift_left3A_771 = vector.broadcast %shift_left3A_770 : i32 to vector<16xi32>
        %shift_left3A_772 = arith.shli %gather3A_762, %shift_left3A_771 : vector<16xi32>
        %bitcast3A_773 = vector.bitcast %shift_left3A_772 : vector<16xi32> to vector<16xf32>
        %and3A_774 = arith.constant -65536 : i32
        %and3A_775 = vector.broadcast %and3A_774 : i32 to vector<16xi32>
        %and3A_776 = arith.andi %gather3A_769, %and3A_775 : vector<16xi32>
        %bitcast3A_777 = vector.bitcast %and3A_776 : vector<16xi32> to vector<16xf32>
        %add3A_778 = arith.addf %bitcast3A_773, %bitcast3A_777 : vector<16xf32>
        %add3A_779 = arith.addf %scan3A_381, %add3A_778 : vector<16xf32>
        %broadcast_in_dim3A_780 = arith.constant 1 : i32
        %broadcast_in_dim3A_781 = vector.broadcast %broadcast_in_dim3A_780 : i32 to vector<16xi32>
        %add3A_782 = arith.constant 48 : i32
        %add3A_783 = vector.broadcast %add3A_782 : i32 to vector<16xi32>
        %add3A_784 = arith.addi %iota3A, %add3A_783 : vector<16xi32>
        %gather3A_785 = tpu.vector_load_idx %arg6[%broadcast_in_dim3A, %broadcast_in_dim3A_781, %broadcast_in_dim3A_387, %add3A_784] : memref<2x2x9x128xi32, #tpu.memory_space<vmem>>[vector<16xi32>, vector<16xi32>, vector<16xi32>, vector<16xi32>], vector<16xi32>,
        %and3A_786 = arith.constant 65535 : i32
        %and3A_787 = vector.broadcast %and3A_786 : i32 to vector<16xi32>
        %and3A_788 = arith.andi %gather3A_785, %and3A_787 : vector<16xi32>
        %shift_right_logical3A_789 = arith.constant 16 : i32
        %shift_right_logical3A_790 = vector.broadcast %shift_right_logical3A_789 : i32 to vector<16xi32>
        %shift_right_logical3A_791 = arith.shrui %gather3A_785, %shift_right_logical3A_790 : vector<16xi32>
        %shift_right_logical3A_792 = arith.constant 7 : i32
        %shift_right_logical3A_793 = vector.broadcast %shift_right_logical3A_792 : i32 to vector<16xi32>
        %shift_right_logical3A_794 = arith.shrui %and3A_788, %shift_right_logical3A_793 : vector<16xi32>
        %and3A_795 = arith.constant 127 : i32
        %and3A_796 = vector.broadcast %and3A_795 : i32 to vector<16xi32>
        %and3A_797 = arith.andi %and3A_788, %and3A_796 : vector<16xi32>
        %gather3A_798 = tpu.vector_load_idx %arg5[%broadcast_in_dim3A, %shift_right_logical3A_794, %broadcast_in_dim3A_387, %and3A_797] : memref<2x5x9x128xi32, #tpu.memory_space<vmem>>[vector<16xi32>, vector<16xi32>, vector<16xi32>, vector<16xi32>], vector<16xi32>,
        %shift_right_logical3A_799 = arith.constant 7 : i32
        %shift_right_logical3A_800 = vector.broadcast %shift_right_logical3A_799 : i32 to vector<16xi32>
        %shift_right_logical3A_801 = arith.shrui %shift_right_logical3A_791, %shift_right_logical3A_800 : vector<16xi32>
        %and3A_802 = arith.constant 127 : i32
        %and3A_803 = vector.broadcast %and3A_802 : i32 to vector<16xi32>
        %and3A_804 = arith.andi %shift_right_logical3A_791, %and3A_803 : vector<16xi32>
        %gather3A_805 = tpu.vector_load_idx %arg5[%broadcast_in_dim3A, %shift_right_logical3A_801, %broadcast_in_dim3A_387, %and3A_804] : memref<2x5x9x128xi32, #tpu.memory_space<vmem>>[vector<16xi32>, vector<16xi32>, vector<16xi32>, vector<16xi32>], vector<16xi32>,
        %shift_left3A_806 = arith.constant 16 : i32
        %shift_left3A_807 = vector.broadcast %shift_left3A_806 : i32 to vector<16xi32>
        %shift_left3A_808 = arith.shli %gather3A_798, %shift_left3A_807 : vector<16xi32>
        %bitcast3A_809 = vector.bitcast %shift_left3A_808 : vector<16xi32> to vector<16xf32>
        %and3A_810 = arith.constant -65536 : i32
        %and3A_811 = vector.broadcast %and3A_810 : i32 to vector<16xi32>
        %and3A_812 = arith.andi %gather3A_805, %and3A_811 : vector<16xi32>
        %bitcast3A_813 = vector.bitcast %and3A_812 : vector<16xi32> to vector<16xf32>
        %add3A_814 = arith.addf %bitcast3A_809, %bitcast3A_813 : vector<16xf32>
        %add3A_815 = arith.addf %scan3A_382, %add3A_814 : vector<16xf32>
        %broadcast_in_dim3A_816 = arith.constant 1 : i32
        %broadcast_in_dim3A_817 = vector.broadcast %broadcast_in_dim3A_816 : i32 to vector<16xi32>
        %add3A_818 = arith.constant 64 : i32
        %add3A_819 = vector.broadcast %add3A_818 : i32 to vector<16xi32>
        %add3A_820 = arith.addi %iota3A, %add3A_819 : vector<16xi32>
        %gather3A_821 = tpu.vector_load_idx %arg6[%broadcast_in_dim3A, %broadcast_in_dim3A_817, %broadcast_in_dim3A_387, %add3A_820] : memref<2x2x9x128xi32, #tpu.memory_space<vmem>>[vector<16xi32>, vector<16xi32>, vector<16xi32>, vector<16xi32>], vector<16xi32>,
        %and3A_822 = arith.constant 65535 : i32
        %and3A_823 = vector.broadcast %and3A_822 : i32 to vector<16xi32>
        %and3A_824 = arith.andi %gather3A_821, %and3A_823 : vector<16xi32>
        %shift_right_logical3A_825 = arith.constant 16 : i32
        %shift_right_logical3A_826 = vector.broadcast %shift_right_logical3A_825 : i32 to vector<16xi32>
        %shift_right_logical3A_827 = arith.shrui %gather3A_821, %shift_right_logical3A_826 : vector<16xi32>
        %shift_right_logical3A_828 = arith.constant 7 : i32
        %shift_right_logical3A_829 = vector.broadcast %shift_right_logical3A_828 : i32 to vector<16xi32>
        %shift_right_logical3A_830 = arith.shrui %and3A_824, %shift_right_logical3A_829 : vector<16xi32>
        %and3A_831 = arith.constant 127 : i32
        %and3A_832 = vector.broadcast %and3A_831 : i32 to vector<16xi32>
        %and3A_833 = arith.andi %and3A_824, %and3A_832 : vector<16xi32>
        %gather3A_834 = tpu.vector_load_idx %arg5[%broadcast_in_dim3A, %shift_right_logical3A_830, %broadcast_in_dim3A_387, %and3A_833] : memref<2x5x9x128xi32, #tpu.memory_space<vmem>>[vector<16xi32>, vector<16xi32>, vector<16xi32>, vector<16xi32>], vector<16xi32>,
        %shift_right_logical3A_835 = arith.constant 7 : i32
        %shift_right_logical3A_836 = vector.broadcast %shift_right_logical3A_835 : i32 to vector<16xi32>
        %shift_right_logical3A_837 = arith.shrui %shift_right_logical3A_827, %shift_right_logical3A_836 : vector<16xi32>
        %and3A_838 = arith.constant 127 : i32
        %and3A_839 = vector.broadcast %and3A_838 : i32 to vector<16xi32>
        %and3A_840 = arith.andi %shift_right_logical3A_827, %and3A_839 : vector<16xi32>
        %gather3A_841 = tpu.vector_load_idx %arg5[%broadcast_in_dim3A, %shift_right_logical3A_837, %broadcast_in_dim3A_387, %and3A_840] : memref<2x5x9x128xi32, #tpu.memory_space<vmem>>[vector<16xi32>, vector<16xi32>, vector<16xi32>, vector<16xi32>], vector<16xi32>,
        %shift_left3A_842 = arith.constant 16 : i32
        %shift_left3A_843 = vector.broadcast %shift_left3A_842 : i32 to vector<16xi32>
        %shift_left3A_844 = arith.shli %gather3A_834, %shift_left3A_843 : vector<16xi32>
        %bitcast3A_845 = vector.bitcast %shift_left3A_844 : vector<16xi32> to vector<16xf32>
        %and3A_846 = arith.constant -65536 : i32
        %and3A_847 = vector.broadcast %and3A_846 : i32 to vector<16xi32>
        %and3A_848 = arith.andi %gather3A_841, %and3A_847 : vector<16xi32>
        %bitcast3A_849 = vector.bitcast %and3A_848 : vector<16xi32> to vector<16xf32>
        %add3A_850 = arith.addf %bitcast3A_845, %bitcast3A_849 : vector<16xf32>
        %add3A_851 = arith.addf %scan3A_383, %add3A_850 : vector<16xf32>
        %broadcast_in_dim3A_852 = arith.constant 1 : i32
        %broadcast_in_dim3A_853 = vector.broadcast %broadcast_in_dim3A_852 : i32 to vector<16xi32>
        %add3A_854 = arith.constant 80 : i32
        %add3A_855 = vector.broadcast %add3A_854 : i32 to vector<16xi32>
        %add3A_856 = arith.addi %iota3A, %add3A_855 : vector<16xi32>
        %gather3A_857 = tpu.vector_load_idx %arg6[%broadcast_in_dim3A, %broadcast_in_dim3A_853, %broadcast_in_dim3A_387, %add3A_856] : memref<2x2x9x128xi32, #tpu.memory_space<vmem>>[vector<16xi32>, vector<16xi32>, vector<16xi32>, vector<16xi32>], vector<16xi32>,
        %and3A_858 = arith.constant 65535 : i32
        %and3A_859 = vector.broadcast %and3A_858 : i32 to vector<16xi32>
        %and3A_860 = arith.andi %gather3A_857, %and3A_859 : vector<16xi32>
        %shift_right_logical3A_861 = arith.constant 16 : i32
        %shift_right_logical3A_862 = vector.broadcast %shift_right_logical3A_861 : i32 to vector<16xi32>
        %shift_right_logical3A_863 = arith.shrui %gather3A_857, %shift_right_logical3A_862 : vector<16xi32>
        %shift_right_logical3A_864 = arith.constant 7 : i32
        %shift_right_logical3A_865 = vector.broadcast %shift_right_logical3A_864 : i32 to vector<16xi32>
        %shift_right_logical3A_866 = arith.shrui %and3A_860, %shift_right_logical3A_865 : vector<16xi32>
        %and3A_867 = arith.constant 127 : i32
        %and3A_868 = vector.broadcast %and3A_867 : i32 to vector<16xi32>
        %and3A_869 = arith.andi %and3A_860, %and3A_868 : vector<16xi32>
        %gather3A_870 = tpu.vector_load_idx %arg5[%broadcast_in_dim3A, %shift_right_logical3A_866, %broadcast_in_dim3A_387, %and3A_869] : memref<2x5x9x128xi32, #tpu.memory_space<vmem>>[vector<16xi32>, vector<16xi32>, vector<16xi32>, vector<16xi32>], vector<16xi32>,
        %shift_right_logical3A_871 = arith.constant 7 : i32
        %shift_right_logical3A_872 = vector.broadcast %shift_right_logical3A_871 : i32 to vector<16xi32>
        %shift_right_logical3A_873 = arith.shrui %shift_right_logical3A_863, %shift_right_logical3A_872 : vector<16xi32>
        %and3A_874 = arith.constant 127 : i32
        %and3A_875 = vector.broadcast %and3A_874 : i32 to vector<16xi32>
        %and3A_876 = arith.andi %shift_right_logical3A_863, %and3A_875 : vector<16xi32>
        %gather3A_877 = tpu.vector_load_idx %arg5[%broadcast_in_dim3A, %shift_right_logical3A_873, %broadcast_in_dim3A_387, %and3A_876] : memref<2x5x9x128xi32, #tpu.memory_space<vmem>>[vector<16xi32>, vector<16xi32>, vector<16xi32>, vector<16xi32>], vector<16xi32>,
        %shift_left3A_878 = arith.constant 16 : i32
        %shift_left3A_879 = vector.broadcast %shift_left3A_878 : i32 to vector<16xi32>
        %shift_left3A_880 = arith.shli %gather3A_870, %shift_left3A_879 : vector<16xi32>
        %bitcast3A_881 = vector.bitcast %shift_left3A_880 : vector<16xi32> to vector<16xf32>
        %and3A_882 = arith.constant -65536 : i32
        %and3A_883 = vector.broadcast %and3A_882 : i32 to vector<16xi32>
        %and3A_884 = arith.andi %gather3A_877, %and3A_883 : vector<16xi32>
        %bitcast3A_885 = vector.bitcast %and3A_884 : vector<16xi32> to vector<16xf32>
        %add3A_886 = arith.addf %bitcast3A_881, %bitcast3A_885 : vector<16xf32>
        %add3A_887 = arith.addf %scan3A_384, %add3A_886 : vector<16xf32>
        %broadcast_in_dim3A_888 = arith.constant 1 : i32
        %broadcast_in_dim3A_889 = vector.broadcast %broadcast_in_dim3A_888 : i32 to vector<16xi32>
        %add3A_890 = arith.constant 96 : i32
        %add3A_891 = vector.broadcast %add3A_890 : i32 to vector<16xi32>
        %add3A_892 = arith.addi %iota3A, %add3A_891 : vector<16xi32>
        %gather3A_893 = tpu.vector_load_idx %arg6[%broadcast_in_dim3A, %broadcast_in_dim3A_889, %broadcast_in_dim3A_387, %add3A_892] : memref<2x2x9x128xi32, #tpu.memory_space<vmem>>[vector<16xi32>, vector<16xi32>, vector<16xi32>, vector<16xi32>], vector<16xi32>,
        %and3A_894 = arith.constant 65535 : i32
        %and3A_895 = vector.broadcast %and3A_894 : i32 to vector<16xi32>
        %and3A_896 = arith.andi %gather3A_893, %and3A_895 : vector<16xi32>
        %shift_right_logical3A_897 = arith.constant 16 : i32
        %shift_right_logical3A_898 = vector.broadcast %shift_right_logical3A_897 : i32 to vector<16xi32>
        %shift_right_logical3A_899 = arith.shrui %gather3A_893, %shift_right_logical3A_898 : vector<16xi32>
        %shift_right_logical3A_900 = arith.constant 7 : i32
        %shift_right_logical3A_901 = vector.broadcast %shift_right_logical3A_900 : i32 to vector<16xi32>
        %shift_right_logical3A_902 = arith.shrui %and3A_896, %shift_right_logical3A_901 : vector<16xi32>
        %and3A_903 = arith.constant 127 : i32
        %and3A_904 = vector.broadcast %and3A_903 : i32 to vector<16xi32>
        %and3A_905 = arith.andi %and3A_896, %and3A_904 : vector<16xi32>
        %gather3A_906 = tpu.vector_load_idx %arg5[%broadcast_in_dim3A, %shift_right_logical3A_902, %broadcast_in_dim3A_387, %and3A_905] : memref<2x5x9x128xi32, #tpu.memory_space<vmem>>[vector<16xi32>, vector<16xi32>, vector<16xi32>, vector<16xi32>], vector<16xi32>,
        %shift_right_logical3A_907 = arith.constant 7 : i32
        %shift_right_logical3A_908 = vector.broadcast %shift_right_logical3A_907 : i32 to vector<16xi32>
        %shift_right_logical3A_909 = arith.shrui %shift_right_logical3A_899, %shift_right_logical3A_908 : vector<16xi32>
        %and3A_910 = arith.constant 127 : i32
        %and3A_911 = vector.broadcast %and3A_910 : i32 to vector<16xi32>
        %and3A_912 = arith.andi %shift_right_logical3A_899, %and3A_911 : vector<16xi32>
        %gather3A_913 = tpu.vector_load_idx %arg5[%broadcast_in_dim3A, %shift_right_logical3A_909, %broadcast_in_dim3A_387, %and3A_912] : memref<2x5x9x128xi32, #tpu.memory_space<vmem>>[vector<16xi32>, vector<16xi32>, vector<16xi32>, vector<16xi32>], vector<16xi32>,
        %shift_left3A_914 = arith.constant 16 : i32
        %shift_left3A_915 = vector.broadcast %shift_left3A_914 : i32 to vector<16xi32>
        %shift_left3A_916 = arith.shli %gather3A_906, %shift_left3A_915 : vector<16xi32>
        %bitcast3A_917 = vector.bitcast %shift_left3A_916 : vector<16xi32> to vector<16xf32>
        %and3A_918 = arith.constant -65536 : i32
        %and3A_919 = vector.broadcast %and3A_918 : i32 to vector<16xi32>
        %and3A_920 = arith.andi %gather3A_913, %and3A_919 : vector<16xi32>
        %bitcast3A_921 = vector.bitcast %and3A_920 : vector<16xi32> to vector<16xf32>
        %add3A_922 = arith.addf %bitcast3A_917, %bitcast3A_921 : vector<16xf32>
        %add3A_923 = arith.addf %scan3A_385, %add3A_922 : vector<16xf32>
        %broadcast_in_dim3A_924 = arith.constant 1 : i32
        %broadcast_in_dim3A_925 = vector.broadcast %broadcast_in_dim3A_924 : i32 to vector<16xi32>
        %add3A_926 = arith.constant 112 : i32
        %add3A_927 = vector.broadcast %add3A_926 : i32 to vector<16xi32>
        %add3A_928 = arith.addi %iota3A, %add3A_927 : vector<16xi32>
        %gather3A_929 = tpu.vector_load_idx %arg6[%broadcast_in_dim3A, %broadcast_in_dim3A_925, %broadcast_in_dim3A_387, %add3A_928] : memref<2x2x9x128xi32, #tpu.memory_space<vmem>>[vector<16xi32>, vector<16xi32>, vector<16xi32>, vector<16xi32>], vector<16xi32>,
        %and3A_930 = arith.constant 65535 : i32
        %and3A_931 = vector.broadcast %and3A_930 : i32 to vector<16xi32>
        %and3A_932 = arith.andi %gather3A_929, %and3A_931 : vector<16xi32>
        %shift_right_logical3A_933 = arith.constant 16 : i32
        %shift_right_logical3A_934 = vector.broadcast %shift_right_logical3A_933 : i32 to vector<16xi32>
        %shift_right_logical3A_935 = arith.shrui %gather3A_929, %shift_right_logical3A_934 : vector<16xi32>
        %shift_right_logical3A_936 = arith.constant 7 : i32
        %shift_right_logical3A_937 = vector.broadcast %shift_right_logical3A_936 : i32 to vector<16xi32>
        %shift_right_logical3A_938 = arith.shrui %and3A_932, %shift_right_logical3A_937 : vector<16xi32>
        %and3A_939 = arith.constant 127 : i32
        %and3A_940 = vector.broadcast %and3A_939 : i32 to vector<16xi32>
        %and3A_941 = arith.andi %and3A_932, %and3A_940 : vector<16xi32>
        %gather3A_942 = tpu.vector_load_idx %arg5[%broadcast_in_dim3A, %shift_right_logical3A_938, %broadcast_in_dim3A_387, %and3A_941] : memref<2x5x9x128xi32, #tpu.memory_space<vmem>>[vector<16xi32>, vector<16xi32>, vector<16xi32>, vector<16xi32>], vector<16xi32>,
        %shift_right_logical3A_943 = arith.constant 7 : i32
        %shift_right_logical3A_944 = vector.broadcast %shift_right_logical3A_943 : i32 to vector<16xi32>
        %shift_right_logical3A_945 = arith.shrui %shift_right_logical3A_935, %shift_right_logical3A_944 : vector<16xi32>
        %and3A_946 = arith.constant 127 : i32
        %and3A_947 = vector.broadcast %and3A_946 : i32 to vector<16xi32>
        %and3A_948 = arith.andi %shift_right_logical3A_935, %and3A_947 : vector<16xi32>
        %gather3A_949 = tpu.vector_load_idx %arg5[%broadcast_in_dim3A, %shift_right_logical3A_945, %broadcast_in_dim3A_387, %and3A_948] : memref<2x5x9x128xi32, #tpu.memory_space<vmem>>[vector<16xi32>, vector<16xi32>, vector<16xi32>, vector<16xi32>], vector<16xi32>,
        %shift_left3A_950 = arith.constant 16 : i32
        %shift_left3A_951 = vector.broadcast %shift_left3A_950 : i32 to vector<16xi32>
        %shift_left3A_952 = arith.shli %gather3A_942, %shift_left3A_951 : vector<16xi32>
        %bitcast3A_953 = vector.bitcast %shift_left3A_952 : vector<16xi32> to vector<16xf32>
        %and3A_954 = arith.constant -65536 : i32
        %and3A_955 = vector.broadcast %and3A_954 : i32 to vector<16xi32>
        %and3A_956 = arith.andi %gather3A_949, %and3A_955 : vector<16xi32>
        %bitcast3A_957 = vector.bitcast %and3A_956 : vector<16xi32> to vector<16xf32>
        %add3A_958 = arith.addf %bitcast3A_953, %bitcast3A_957 : vector<16xf32>
        %add3A_959 = arith.addf %scan3A_386, %add3A_958 : vector<16xf32>
        scf.yield %add3A_419, %add3A_455, %add3A_491, %add3A_527, %add3A_563, %add3A_599, %add3A_635, %add3A_671, %add3A_707, %add3A_743, %add3A_779, %add3A_815, %add3A_851, %add3A_887, %add3A_923, %add3A_959 : vector<16xf32>, vector<16xf32>, vector<16xf32>, vector<16xf32>, vector<16xf32>, vector<16xf32>, vector<16xf32>, vector<16xf32>, vector<16xf32>, vector<16xf32>, vector<16xf32>, vector<16xf32>, vector<16xf32>, vector<16xf32>, vector<16xf32>, vector<16xf32>
      }
      %scan3A_304 = arith.constant 9 : i32
      %swap3A = arith.constant 0 : i32
      %swap3A_305 = arith.index_cast %swap3A : i32 to index
      %swap3A_306 = arith.constant 0 : index
      %swap3A_307 = tpu.vector_load %arg7[%swap3A_305, %swap3A_306] {strides = array<i32>} : memref<2x128xf32, #tpu.memory_space<vmem>>, vector<16xf32>,
      tpu.vector_store %arg7[%swap3A_305, %swap3A_306], %scan3A_303#0 {strides = array<i32>} : memref<2x128xf32, #tpu.memory_space<vmem>>, vector<16xf32>,
      %swap3A_308 = arith.constant 0 : i32
      %swap3A_309 = arith.index_cast %swap3A_308 : i32 to index
      %swap3A_310 = arith.constant 16 : index
      %swap3A_311 = tpu.vector_load %arg7[%swap3A_309, %swap3A_310] {strides = array<i32>} : memref<2x128xf32, #tpu.memory_space<vmem>>, vector<16xf32>,
      tpu.vector_store %arg7[%swap3A_309, %swap3A_310], %scan3A_303#1 {strides = array<i32>} : memref<2x128xf32, #tpu.memory_space<vmem>>, vector<16xf32>,
      %swap3A_312 = arith.constant 0 : i32
      %swap3A_313 = arith.index_cast %swap3A_312 : i32 to index
      %swap3A_314 = arith.constant 32 : index
      %swap3A_315 = tpu.vector_load %arg7[%swap3A_313, %swap3A_314] {strides = array<i32>} : memref<2x128xf32, #tpu.memory_space<vmem>>, vector<16xf32>,
      tpu.vector_store %arg7[%swap3A_313, %swap3A_314], %scan3A_303#2 {strides = array<i32>} : memref<2x128xf32, #tpu.memory_space<vmem>>, vector<16xf32>,
      %swap3A_316 = arith.constant 0 : i32
      %swap3A_317 = arith.index_cast %swap3A_316 : i32 to index
      %swap3A_318 = arith.constant 48 : index
      %swap3A_319 = tpu.vector_load %arg7[%swap3A_317, %swap3A_318] {strides = array<i32>} : memref<2x128xf32, #tpu.memory_space<vmem>>, vector<16xf32>,
      tpu.vector_store %arg7[%swap3A_317, %swap3A_318], %scan3A_303#3 {strides = array<i32>} : memref<2x128xf32, #tpu.memory_space<vmem>>, vector<16xf32>,
      %swap3A_320 = arith.constant 0 : i32
      %swap3A_321 = arith.index_cast %swap3A_320 : i32 to index
      %swap3A_322 = arith.constant 64 : index
      %swap3A_323 = tpu.vector_load %arg7[%swap3A_321, %swap3A_322] {strides = array<i32>} : memref<2x128xf32, #tpu.memory_space<vmem>>, vector<16xf32>,
      tpu.vector_store %arg7[%swap3A_321, %swap3A_322], %scan3A_303#4 {strides = array<i32>} : memref<2x128xf32, #tpu.memory_space<vmem>>, vector<16xf32>,
      %swap3A_324 = arith.constant 0 : i32
      %swap3A_325 = arith.index_cast %swap3A_324 : i32 to index
      %swap3A_326 = arith.constant 80 : index
      %swap3A_327 = tpu.vector_load %arg7[%swap3A_325, %swap3A_326] {strides = array<i32>} : memref<2x128xf32, #tpu.memory_space<vmem>>, vector<16xf32>,
      tpu.vector_store %arg7[%swap3A_325, %swap3A_326], %scan3A_303#5 {strides = array<i32>} : memref<2x128xf32, #tpu.memory_space<vmem>>, vector<16xf32>,
      %swap3A_328 = arith.constant 0 : i32
      %swap3A_329 = arith.index_cast %swap3A_328 : i32 to index
      %swap3A_330 = arith.constant 96 : index
      %swap3A_331 = tpu.vector_load %arg7[%swap3A_329, %swap3A_330] {strides = array<i32>} : memref<2x128xf32, #tpu.memory_space<vmem>>, vector<16xf32>,
      tpu.vector_store %arg7[%swap3A_329, %swap3A_330], %scan3A_303#6 {strides = array<i32>} : memref<2x128xf32, #tpu.memory_space<vmem>>, vector<16xf32>,
      %swap3A_332 = arith.constant 0 : i32
      %swap3A_333 = arith.index_cast %swap3A_332 : i32 to index
      %swap3A_334 = arith.constant 112 : index
      %swap3A_335 = tpu.vector_load %arg7[%swap3A_333, %swap3A_334] {strides = array<i32>} : memref<2x128xf32, #tpu.memory_space<vmem>>, vector<16xf32>,
      tpu.vector_store %arg7[%swap3A_333, %swap3A_334], %scan3A_303#7 {strides = array<i32>} : memref<2x128xf32, #tpu.memory_space<vmem>>, vector<16xf32>,
      %swap3A_336 = arith.constant 1 : i32
      %swap3A_337 = arith.index_cast %swap3A_336 : i32 to index
      %swap3A_338 = arith.constant 0 : index
      %swap3A_339 = tpu.vector_load %arg7[%swap3A_337, %swap3A_338] {strides = array<i32>} : memref<2x128xf32, #tpu.memory_space<vmem>>, vector<16xf32>,
      tpu.vector_store %arg7[%swap3A_337, %swap3A_338], %scan3A_303#8 {strides = array<i32>} : memref<2x128xf32, #tpu.memory_space<vmem>>, vector<16xf32>,
      %swap3A_340 = arith.constant 1 : i32
      %swap3A_341 = arith.index_cast %swap3A_340 : i32 to index
      %swap3A_342 = arith.constant 16 : index
      %swap3A_343 = tpu.vector_load %arg7[%swap3A_341, %swap3A_342] {strides = array<i32>} : memref<2x128xf32, #tpu.memory_space<vmem>>, vector<16xf32>,
      tpu.vector_store %arg7[%swap3A_341, %swap3A_342], %scan3A_303#9 {strides = array<i32>} : memref<2x128xf32, #tpu.memory_space<vmem>>, vector<16xf32>,
      %swap3A_344 = arith.constant 1 : i32
      %swap3A_345 = arith.index_cast %swap3A_344 : i32 to index
      %swap3A_346 = arith.constant 32 : index
      %swap3A_347 = tpu.vector_load %arg7[%swap3A_345, %swap3A_346] {strides = array<i32>} : memref<2x128xf32, #tpu.memory_space<vmem>>, vector<16xf32>,
      tpu.vector_store %arg7[%swap3A_345, %swap3A_346], %scan3A_303#10 {strides = array<i32>} : memref<2x128xf32, #tpu.memory_space<vmem>>, vector<16xf32>,
      %swap3A_348 = arith.constant 1 : i32
      %swap3A_349 = arith.index_cast %swap3A_348 : i32 to index
      %swap3A_350 = arith.constant 48 : index
      %swap3A_351 = tpu.vector_load %arg7[%swap3A_349, %swap3A_350] {strides = array<i32>} : memref<2x128xf32, #tpu.memory_space<vmem>>, vector<16xf32>,
      tpu.vector_store %arg7[%swap3A_349, %swap3A_350], %scan3A_303#11 {strides = array<i32>} : memref<2x128xf32, #tpu.memory_space<vmem>>, vector<16xf32>,
      %swap3A_352 = arith.constant 1 : i32
      %swap3A_353 = arith.index_cast %swap3A_352 : i32 to index
      %swap3A_354 = arith.constant 64 : index
      %swap3A_355 = tpu.vector_load %arg7[%swap3A_353, %swap3A_354] {strides = array<i32>} : memref<2x128xf32, #tpu.memory_space<vmem>>, vector<16xf32>,
      tpu.vector_store %arg7[%swap3A_353, %swap3A_354], %scan3A_303#12 {strides = array<i32>} : memref<2x128xf32, #tpu.memory_space<vmem>>, vector<16xf32>,
      %swap3A_356 = arith.constant 1 : i32
      %swap3A_357 = arith.index_cast %swap3A_356 : i32 to index
      %swap3A_358 = arith.constant 80 : index
      %swap3A_359 = tpu.vector_load %arg7[%swap3A_357, %swap3A_358] {strides = array<i32>} : memref<2x128xf32, #tpu.memory_space<vmem>>, vector<16xf32>,
      tpu.vector_store %arg7[%swap3A_357, %swap3A_358], %scan3A_303#13 {strides = array<i32>} : memref<2x128xf32, #tpu.memory_space<vmem>>, vector<16xf32>,
      %swap3A_360 = arith.constant 1 : i32
      %swap3A_361 = arith.index_cast %swap3A_360 : i32 to index
      %swap3A_362 = arith.constant 96 : index
      %swap3A_363 = tpu.vector_load %arg7[%swap3A_361, %swap3A_362] {strides = array<i32>} : memref<2x128xf32, #tpu.memory_space<vmem>>, vector<16xf32>,
      tpu.vector_store %arg7[%swap3A_361, %swap3A_362], %scan3A_303#14 {strides = array<i32>} : memref<2x128xf32, #tpu.memory_space<vmem>>, vector<16xf32>,
      %swap3A_364 = arith.constant 1 : i32
      %swap3A_365 = arith.index_cast %swap3A_364 : i32 to index
      %swap3A_366 = arith.constant 112 : index
      %swap3A_367 = tpu.vector_load %arg7[%swap3A_365, %swap3A_366] {strides = array<i32>} : memref<2x128xf32, #tpu.memory_space<vmem>>, vector<16xf32>,
      tpu.vector_store %arg7[%swap3A_365, %swap3A_366], %scan3A_303#15 {strides = array<i32>} : memref<2x128xf32, #tpu.memory_space<vmem>>, vector<16xf32>,
      %mul3A_368 = arith.constant 2 : i32
      %mul3A_369 = arith.muli %add3A, %mul3A_368 : i32
      "tpu.region"() ({
        %run_scoped3A = tpu.sem_alloc : memref<!tpu.dma_semaphore, #tpu.memory_space<semaphore_mem>>
        %dma_start3A_370 = arith.constant 0 : i32
        %dma_start3A_371 = tpu.memref_slice %arg4[%add3A_143, %mul3A_369, %dma_start3A_370] : memref<4x64x128xf32, #tpu.memory_space<hbm>> -> memref<1x2x128xf32, #tpu.memory_space<hbm>>
        %dma_start3A_372 = tpu.memref_squeeze %dma_start3A_371 : memref<1x2x128xf32, #tpu.memory_space<hbm>> -> memref<2x128xf32, #tpu.memory_space<hbm>>
        %dma_start3A_373 = arith.constant 0 : i32
        %dma_start3A_374 = tpu.memref_slice %arg4[%add3A_143, %mul3A_369, %dma_start3A_373] : memref<4x64x128xf32, #tpu.memory_space<hbm>> -> memref<1x2x128xf32, #tpu.memory_space<hbm>>
        %dma_start3A_375 = tpu.memref_squeeze %dma_start3A_374 : memref<1x2x128xf32, #tpu.memory_space<hbm>> -> memref<2x128xf32, #tpu.memory_space<hbm>>
        tpu.enqueue_dma source(%arg7 : memref<2x128xf32, #tpu.memory_space<vmem>>) target(%dma_start3A_375 : memref<2x128xf32, #tpu.memory_space<hbm>>) target_semaphore(%run_scoped3A : memref<!tpu.dma_semaphore, #tpu.memory_space<semaphore_mem>>)
        %dma_wait3A_376 = arith.constant 0 : i32
        %dma_wait3A_377 = tpu.memref_slice %arg4[%add3A_143, %mul3A_369, %dma_wait3A_376] : memref<4x64x128xf32, #tpu.memory_space<hbm>> -> memref<1x2x128xf32, #tpu.memory_space<hbm>>
        %dma_wait3A_378 = tpu.memref_squeeze %dma_wait3A_377 : memref<1x2x128xf32, #tpu.memory_space<hbm>> -> memref<2x128xf32, #tpu.memory_space<hbm>>
        %dma_wait3A_379 = arith.constant 0 : i32
        %dma_wait3A_380 = tpu.memref_slice %arg4[%add3A_143, %mul3A_369, %dma_wait3A_379] : memref<4x64x128xf32, #tpu.memory_space<hbm>> -> memref<1x2x128xf32, #tpu.memory_space<hbm>>
        %dma_wait3A_381 = tpu.memref_squeeze %dma_wait3A_380 : memref<1x2x128xf32, #tpu.memory_space<hbm>> -> memref<2x128xf32, #tpu.memory_space<hbm>>
        tpu.wait_dma2 semaphore(%run_scoped3A : memref<!tpu.dma_semaphore, #tpu.memory_space<semaphore_mem>>) src(%arg7 : memref<2x128xf32, #tpu.memory_space<vmem>>) dst(%dma_wait3A_381 : memref<2x128xf32, #tpu.memory_space<hbm>>)
        tpu.yield
      }) : () -> ()
    }
    %scan3A_138 = arith.constant 4 : i32
    return
  }
}

module attributes {stable_mosaic.version = 14 : i64} {
  func.func @_prep_body(%arg0: i32, %arg1: memref<1x576x192xf32, #tpu.memory_space<vmem>>, %arg2: memref<1x576x192xf32, #tpu.memory_space<vmem>>, %arg3: memref<3x576xf32, #tpu.memory_space<vmem>>, %arg4: memref<1x2x576x256xi32, #tpu.memory_space<vmem>>, %arg5: memref<1x1440x128xi32, #tpu.memory_space<vmem>>, %arg6: memref<1x576x128xi32, #tpu.memory_space<vmem>>, %arg7: memref<1x1x128xf32, #tpu.memory_space<vmem>>, %arg8: memref<576x576xf32, #tpu.memory_space<vmem>>) attributes {dimension_semantics = [#tpu.dimension_semantics<arbitrary>], iteration_bounds = array<i64: 4>, scalar_prefetch = 0 : i64, scratch_operands = 1 : i64, tpu.core_type = #tpu.core_type<tc>, window_params = [{transform_indices = @transform_0, window_bounds = array<i64: 1, 576, 192>}, {transform_indices = @transform_1, window_bounds = array<i64: 1, 576, 192>}, {pipeline_mode = #tpu.pipeline_mode<synchronous>, transform_indices = @transform_2, window_bounds = array<i64: 3, 576>}, {transform_indices = @transform_3, window_bounds = array<i64: 1, 2, 576, 256>}, {transform_indices = @transform_4, window_bounds = array<i64: 1, 1440, 128>}, {transform_indices = @transform_5, window_bounds = array<i64: 1, 576, 128>}, {transform_indices = @transform_6, window_bounds = array<i64: 1, 1, 128>}]} {
    %eq3A = arith.constant 0 : i32
    %eq3A_0 = arith.cmpi eq, %arg0, %eq3A : i32
    %convert_element_type3A = arith.extui %eq3A_0 : i1 to i32
    %cond3A = arith.constant 0 : i32
    %cond3A_1 = arith.cmpi ne, %convert_element_type3A, %cond3A : i32
    scf.if %cond3A_1 {
      %iota3A = tpu.iota {dimensions = array<i32: 1>} : vector<1x576xi32>
      %iota3A_126 = vector.shape_cast %iota3A : vector<1x576xi32> to vector<576xi32>
      %jit3A = arith.constant 24 : i32
      %div3A_127 = vector.broadcast %jit3A : i32 to vector<576xi32>
      %div3A_128 = arith.divsi %iota3A_126, %div3A_127 : vector<576xi32>
      %sign3A = arith.constant 0 : i32
      %sign3A_129 = vector.broadcast %sign3A : i32 to vector<576xi32>
      %sign3A_130 = arith.cmpi sgt, %iota3A_126, %sign3A_129 : vector<576xi32>
      %sign3A_131 = arith.extui %sign3A_130 : vector<576xi1> to vector<576xi32>
      %sign3A_132 = arith.constant 0 : i32
      %sign3A_133 = vector.broadcast %sign3A_132 : i32 to vector<576xi32>
      %sign3A_134 = arith.cmpi slt, %iota3A_126, %sign3A_133 : vector<576xi32>
      %sign3A_135 = arith.extui %sign3A_134 : vector<576xi1> to vector<576xi32>
      %sign3A_136 = arith.subi %sign3A_131, %sign3A_135 : vector<576xi32>
      %sign3A_137 = arith.constant 0 : i32
      %sign3A_138 = arith.cmpi sgt, %jit3A, %sign3A_137 : i32
      %sign3A_139 = arith.extui %sign3A_138 : i1 to i32
      %sign3A_140 = arith.constant 0 : i32
      %sign3A_141 = arith.cmpi slt, %jit3A, %sign3A_140 : i32
      %sign3A_142 = arith.extui %sign3A_141 : i1 to i32
      %sign3A_143 = arith.subi %sign3A_139, %sign3A_142 : i32
      %ne3A = vector.broadcast %sign3A_143 : i32 to vector<576xi32>
      %ne3A_144 = arith.cmpi ne, %sign3A_136, %ne3A : vector<576xi32>
      %rem3A = vector.broadcast %jit3A : i32 to vector<576xi32>
      %rem3A_145 = arith.remsi %iota3A_126, %rem3A : vector<576xi32>
      %ne3A_146 = arith.constant 0 : i32
      %ne3A_147 = vector.broadcast %ne3A_146 : i32 to vector<576xi32>
      %ne3A_148 = arith.cmpi ne, %rem3A_145, %ne3A_147 : vector<576xi32>
      %and3A = arith.andi %ne3A_144, %ne3A_148 : vector<576xi1>
      %sub3A = arith.constant 1 : i32
      %sub3A_149 = vector.broadcast %sub3A : i32 to vector<576xi32>
      %sub3A_150 = arith.subi %div3A_128, %sub3A_149 : vector<576xi32>
      %select_n3A_151 = arith.select %and3A, %sub3A_150, %div3A_128 : vector<576xi1>, vector<576xi32>
      %convert_element_type3A_152 = arith.sitofp %select_n3A_151 : vector<576xi32> to vector<576xf32>
      %jit3A_153 = arith.constant 24 : i32
      %eq3A_154 = arith.constant 0 : i32
      %eq3A_155 = arith.cmpi eq, %jit3A_153, %eq3A_154 : i32
      %jit3A_156 = arith.constant 1 : i32
      %select_n3A_157 = arith.select %eq3A_155, %jit3A_156, %jit3A_153 : i32
      %rem3A_158 = vector.broadcast %select_n3A_157 : i32 to vector<576xi32>
      %rem3A_159 = arith.remsi %iota3A_126, %rem3A_158 : vector<576xi32>
      %ne3A_160 = arith.constant 0 : i32
      %ne3A_161 = vector.broadcast %ne3A_160 : i32 to vector<576xi32>
      %ne3A_162 = arith.cmpi ne, %rem3A_159, %ne3A_161 : vector<576xi32>
      %lt3A_163 = arith.constant 0 : i32
      %lt3A_164 = vector.broadcast %lt3A_163 : i32 to vector<576xi32>
      %lt3A_165 = arith.cmpi slt, %rem3A_159, %lt3A_164 : vector<576xi32>
      %lt3A_166 = arith.constant 0 : i32
      %lt3A_167 = arith.cmpi slt, %select_n3A_157, %lt3A_166 : i32
      %ne3A_168 = vector.broadcast %lt3A_167 : i1 to vector<576xi1>
      %ne3A_169 = vector.broadcast %ne3A_168 : vector<576xi1> to vector<576xi1>
      %ne3A_170 = arith.xori %lt3A_165, %ne3A_169 : vector<576xi1>
      %and3A_171 = arith.andi %ne3A_170, %ne3A_162 : vector<576xi1>
      %add3A_172 = vector.broadcast %select_n3A_157 : i32 to vector<576xi32>
      %add3A_173 = arith.addi %rem3A_159, %add3A_172 : vector<576xi32>
      %select_n3A_174 = arith.select %and3A_171, %add3A_173, %rem3A_159 : vector<576xi1>, vector<576xi32>
      %convert_element_type3A_175 = arith.sitofp %select_n3A_174 : vector<576xi32> to vector<576xf32>
      %broadcast_in_dim3A_176 = vector.shape_cast %convert_element_type3A_152 : vector<576xf32> to vector<576x1xf32>
      %broadcast_in_dim3A_177 = vector.broadcast %broadcast_in_dim3A_176 : vector<576x1xf32> to vector<576x576xf32>
      %broadcast_in_dim3A_178 = vector.shape_cast %convert_element_type3A_152 : vector<576xf32> to vector<1x576xf32>
      %broadcast_in_dim3A_179 = vector.broadcast %broadcast_in_dim3A_178 : vector<1x576xf32> to vector<576x576xf32>
      %sub3A_180 = arith.subf %broadcast_in_dim3A_177, %broadcast_in_dim3A_179 : vector<576x576xf32>
      %broadcast_in_dim3A_181 = vector.shape_cast %convert_element_type3A_175 : vector<576xf32> to vector<576x1xf32>
      %broadcast_in_dim3A_182 = vector.broadcast %broadcast_in_dim3A_181 : vector<576x1xf32> to vector<576x576xf32>
      %broadcast_in_dim3A_183 = vector.shape_cast %convert_element_type3A_175 : vector<576xf32> to vector<1x576xf32>
      %broadcast_in_dim3A_184 = vector.broadcast %broadcast_in_dim3A_183 : vector<1x576xf32> to vector<576x576xf32>
      %sub3A_185 = arith.subf %broadcast_in_dim3A_182, %broadcast_in_dim3A_184 : vector<576x576xf32>
      %mul3A_186 = arith.mulf %sub3A_180, %sub3A_180 : vector<576x576xf32>
      %mul3A_187 = arith.mulf %sub3A_185, %sub3A_185 : vector<576x576xf32>
      %add3A_188 = arith.addf %mul3A_186, %mul3A_187 : vector<576x576xf32>
      %sqrt3A_189 = math.sqrt %add3A_188 : vector<576x576xf32>
      %mul3A_190 = arith.constant 0.0307437722 : f32
      %mul3A_191 = vector.broadcast %mul3A_190 : f32 to vector<576x576xf32>
      %mul3A_192 = arith.mulf %sqrt3A_189, %mul3A_191 : vector<576x576xf32>
      %broadcast_in_dim3A_193 = arith.constant 0.000000e+00 : f32
      %broadcast_in_dim3A_194 = vector.broadcast %broadcast_in_dim3A_193 : f32 to vector<576x576xf32>
      %get3A_195 = arith.constant 0 : index
      %get3A_196 = arith.constant 0 : index
      %get3A_197 = vector.load %arg3[%get3A_195, %get3A_196] : memref<3x576xf32, #tpu.memory_space<vmem>>, vector<1x576xf32>
      %get3A_198 = vector.shape_cast %get3A_197 : vector<1x576xf32> to vector<576xf32>
      %broadcast_in_dim3A_199 = vector.shape_cast %get3A_198 : vector<576xf32> to vector<576x1xf32>
      %broadcast_in_dim3A_200 = vector.broadcast %broadcast_in_dim3A_199 : vector<576x1xf32> to vector<576x576xf32>
      %broadcast_in_dim3A_201 = vector.shape_cast %get3A_198 : vector<576xf32> to vector<1x576xf32>
      %broadcast_in_dim3A_202 = vector.broadcast %broadcast_in_dim3A_201 : vector<1x576xf32> to vector<576x576xf32>
      %sub3A_203 = arith.subf %broadcast_in_dim3A_200, %broadcast_in_dim3A_202 : vector<576x576xf32>
      %sub3A_204 = arith.subf %broadcast_in_dim3A_200, %broadcast_in_dim3A_202 : vector<576x576xf32>
      %mul3A_205 = arith.mulf %sub3A_203, %sub3A_204 : vector<576x576xf32>
      %add3A_206 = arith.addf %broadcast_in_dim3A_194, %mul3A_205 : vector<576x576xf32>
      %get3A_207 = arith.constant 1 : index
      %get3A_208 = arith.constant 0 : index
      %get3A_209 = vector.load %arg3[%get3A_207, %get3A_208] : memref<3x576xf32, #tpu.memory_space<vmem>>, vector<1x576xf32>
      %get3A_210 = vector.shape_cast %get3A_209 : vector<1x576xf32> to vector<576xf32>
      %broadcast_in_dim3A_211 = vector.shape_cast %get3A_210 : vector<576xf32> to vector<576x1xf32>
      %broadcast_in_dim3A_212 = vector.broadcast %broadcast_in_dim3A_211 : vector<576x1xf32> to vector<576x576xf32>
      %broadcast_in_dim3A_213 = vector.shape_cast %get3A_210 : vector<576xf32> to vector<1x576xf32>
      %broadcast_in_dim3A_214 = vector.broadcast %broadcast_in_dim3A_213 : vector<1x576xf32> to vector<576x576xf32>
      %sub3A_215 = arith.subf %broadcast_in_dim3A_212, %broadcast_in_dim3A_214 : vector<576x576xf32>
      %sub3A_216 = arith.subf %broadcast_in_dim3A_212, %broadcast_in_dim3A_214 : vector<576x576xf32>
      %mul3A_217 = arith.mulf %sub3A_215, %sub3A_216 : vector<576x576xf32>
      %add3A_218 = arith.addf %add3A_206, %mul3A_217 : vector<576x576xf32>
      %get3A_219 = arith.constant 2 : index
      %get3A_220 = arith.constant 0 : index
      %get3A_221 = vector.load %arg3[%get3A_219, %get3A_220] : memref<3x576xf32, #tpu.memory_space<vmem>>, vector<1x576xf32>
      %get3A_222 = vector.shape_cast %get3A_221 : vector<1x576xf32> to vector<576xf32>
      %broadcast_in_dim3A_223 = vector.shape_cast %get3A_222 : vector<576xf32> to vector<576x1xf32>
      %broadcast_in_dim3A_224 = vector.broadcast %broadcast_in_dim3A_223 : vector<576x1xf32> to vector<576x576xf32>
      %broadcast_in_dim3A_225 = vector.shape_cast %get3A_222 : vector<576xf32> to vector<1x576xf32>
      %broadcast_in_dim3A_226 = vector.broadcast %broadcast_in_dim3A_225 : vector<1x576xf32> to vector<576x576xf32>
      %sub3A_227 = arith.subf %broadcast_in_dim3A_224, %broadcast_in_dim3A_226 : vector<576x576xf32>
      %sub3A_228 = arith.subf %broadcast_in_dim3A_224, %broadcast_in_dim3A_226 : vector<576x576xf32>
      %mul3A_229 = arith.mulf %sub3A_227, %sub3A_228 : vector<576x576xf32>
      %add3A_230 = arith.addf %add3A_218, %mul3A_229 : vector<576x576xf32>
      %sqrt3A_231 = math.sqrt %add3A_230 : vector<576x576xf32>
      %mul3A_232 = arith.constant 0.577350259 : f32
      %mul3A_233 = vector.broadcast %mul3A_232 : f32 to vector<576x576xf32>
      %mul3A_234 = arith.mulf %sqrt3A_231, %mul3A_233 : vector<576x576xf32>
      %mul3A_235 = arith.constant 8.000000e-01 : f32
      %mul3A_236 = vector.broadcast %mul3A_235 : f32 to vector<576x576xf32>
      %mul3A_237 = arith.mulf %mul3A_192, %mul3A_236 : vector<576x576xf32>
      %mul3A_238 = arith.constant 2.000000e-01 : f32
      %mul3A_239 = vector.broadcast %mul3A_238 : f32 to vector<576x576xf32>
      %mul3A_240 = arith.mulf %mul3A_234, %mul3A_239 : vector<576x576xf32>
      %add3A_241 = arith.addf %mul3A_237, %mul3A_240 : vector<576x576xf32>
      %swap3A_242 = arith.constant 0 : index
      %swap3A_243 = arith.constant 0 : index
      %swap3A_244 = vector.load %arg8[%swap3A_242, %swap3A_243] : memref<576x576xf32, #tpu.memory_space<vmem>>, vector<576x576xf32>
      tpu.vector_store %arg8[%swap3A_242, %swap3A_243], %add3A_241 {strides = array<i32>} : memref<576x576xf32, #tpu.memory_space<vmem>>, vector<576x576xf32>,
    } else {
    }
    %get3A = arith.constant 0 : index
    %get3A_2 = arith.constant 0 : index
    %get3A_3 = arith.constant 0 : index
    %get3A_4 = vector.load %arg1[%get3A, %get3A_2, %get3A_3] : memref<1x576x192xf32, #tpu.memory_space<vmem>>, vector<1x576x192xf32>
    %get3A_5 = vector.shape_cast %get3A_4 : vector<1x576x192xf32> to vector<576x192xf32>
    %get3A_6 = arith.constant 0 : index
    %get3A_7 = arith.constant 0 : index
    %get3A_8 = arith.constant 0 : index
    %get3A_9 = vector.load %arg2[%get3A_6, %get3A_7, %get3A_8] : memref<1x576x192xf32, #tpu.memory_space<vmem>>, vector<1x576x192xf32>
    %get3A_10 = vector.shape_cast %get3A_9 : vector<1x576x192xf32> to vector<576x192xf32>
    %dot_general3A = arith.constant dense<0.000000e+00> : vector<576x576xf32>
    %dot_general3A_11 = tpu.matmul %get3A_5, %get3A_10, %dot_general3A {dimension_numbers = #tpu.dot_dimension_numbers<[1], [1], [0], [0], [0, 0, 1, 0], [], []>, transpose_lhs_hint = false} : vector<576x192xf32>, vector<576x192xf32>, vector<576x576xf32> -> vector<576x576xf32>
    %mul3A = arith.mulf %get3A_5, %get3A_5 : vector<576x192xf32>
    %reduce_sum3A = arith.constant dense<0.000000e+00> : vector<576xf32>
    %reduce_sum3A_12 = vector.multi_reduction <add>, %mul3A, %reduce_sum3A [1] : vector<576x192xf32> to vector<576xf32>
    %mul3A_13 = arith.mulf %get3A_10, %get3A_10 : vector<576x192xf32>
    %reduce_sum3A_14 = arith.constant dense<0.000000e+00> : vector<576xf32>
    %reduce_sum3A_15 = vector.multi_reduction <add>, %mul3A_13, %reduce_sum3A_14 [1] : vector<576x192xf32> to vector<576xf32>
    %sqrt3A = math.sqrt %reduce_sum3A_12 : vector<576xf32>
    %sqrt3A_16 = math.sqrt %reduce_sum3A_15 : vector<576xf32>
    %broadcast_in_dim3A = vector.shape_cast %sqrt3A : vector<576xf32> to vector<576x1xf32>
    %broadcast_in_dim3A_17 = vector.broadcast %broadcast_in_dim3A : vector<576x1xf32> to vector<576x576xf32>
    %broadcast_in_dim3A_18 = vector.shape_cast %sqrt3A_16 : vector<576xf32> to vector<1x576xf32>
    %broadcast_in_dim3A_19 = vector.broadcast %broadcast_in_dim3A_18 : vector<1x576xf32> to vector<576x576xf32>
    %div3A = arith.constant 1.000000e+00 : f32
    %div3A_20 = vector.broadcast %div3A : f32 to vector<576xf32>
    %div3A_21 = arith.divf %div3A_20, %sqrt3A : vector<576xf32>
    %broadcast_in_dim3A_22 = vector.shape_cast %div3A_21 : vector<576xf32> to vector<576x1xf32>
    %broadcast_in_dim3A_23 = vector.broadcast %broadcast_in_dim3A_22 : vector<576x1xf32> to vector<576x576xf32>
    %div3A_24 = arith.constant 1.000000e+00 : f32
    %div3A_25 = vector.broadcast %div3A_24 : f32 to vector<576xf32>
    %div3A_26 = arith.divf %div3A_25, %sqrt3A_16 : vector<576xf32>
    %broadcast_in_dim3A_27 = vector.shape_cast %div3A_26 : vector<576xf32> to vector<1x576xf32>
    %broadcast_in_dim3A_28 = vector.broadcast %broadcast_in_dim3A_27 : vector<1x576xf32> to vector<576x576xf32>
    %abs3A = math.absf %dot_general3A_11 : vector<576x576xf32>
    %get3A_29 = arith.constant 0 : index
    %get3A_30 = arith.constant 0 : index
    %get3A_31 = vector.load %arg8[%get3A_29, %get3A_30] : memref<576x576xf32, #tpu.memory_space<vmem>>, vector<576x576xf32>
    %mul3A_32 = arith.mulf %abs3A, %get3A_31 : vector<576x576xf32>
    %mul3A_33 = arith.mulf %broadcast_in_dim3A_17, %broadcast_in_dim3A_19 : vector<576x576xf32>
    %lt3A = arith.constant 9.99999993E-9 : f32
    %lt3A_34 = vector.broadcast %lt3A : f32 to vector<576x576xf32>
    %lt3A_35 = arith.cmpf olt, %mul3A_33, %lt3A_34 : vector<576x576xf32>
    %mul3A_36 = arith.constant 1.000000e+08 : f32
    %mul3A_37 = vector.broadcast %mul3A_36 : f32 to vector<576x576xf32>
    %mul3A_38 = arith.mulf %mul3A_32, %mul3A_37 : vector<576x576xf32>
    %mul3A_39 = arith.mulf %mul3A_32, %broadcast_in_dim3A_23 : vector<576x576xf32>
    %mul3A_40 = arith.mulf %mul3A_39, %broadcast_in_dim3A_28 : vector<576x576xf32>
    %select_n3A = arith.select %lt3A_35, %mul3A_38, %mul3A_40 : vector<576x576xi1>, vector<576x576xf32>
    %min3A = arith.constant 1.000000e+00 : f32
    %min3A_41 = vector.broadcast %min3A : f32 to vector<576x576xf32>
    %min3A_42 = arith.minimumf %select_n3A, %min3A_41 : vector<576x576xf32>
    %convert_element_type3A_43 = arith.truncf %min3A_42 : vector<576x576xf32> to vector<576x576xbf16>
    %bitcast3A = tpu.bitcast %convert_element_type3A_43 : vector<576x576xbf16> -> vector<288x576xi32>
    %slice3A = vector.extract_strided_slice %bitcast3A {offsets = [0, 0], sizes = [288, 128], strides = [1, 1]} : vector<288x576xi32> to vector<288x128xi32>
    %swap3A = arith.constant 0 : index
    %swap3A_44 = arith.constant 0 : index
    %swap3A_45 = arith.constant 0 : index
    %swap3A_46 = vector.load %arg5[%swap3A, %swap3A_44, %swap3A_45] : memref<1x1440x128xi32, #tpu.memory_space<vmem>>, vector<1x288x128xi32>
    %swap3A_47 = vector.shape_cast %swap3A_46 : vector<1x288x128xi32> to vector<288x128xi32>
    %swap3A_48 = vector.shape_cast %slice3A : vector<288x128xi32> to vector<1x288x128xi32>
    tpu.vector_store %arg5[%swap3A, %swap3A_44, %swap3A_45], %swap3A_48 {strides = array<i32>} : memref<1x1440x128xi32, #tpu.memory_space<vmem>>, vector<1x288x128xi32>,
    %slice3A_49 = vector.extract_strided_slice %bitcast3A {offsets = [0, 128], sizes = [288, 128], strides = [1, 1]} : vector<288x576xi32> to vector<288x128xi32>
    %swap3A_50 = arith.constant 0 : index
    %swap3A_51 = arith.constant 288 : index
    %swap3A_52 = arith.constant 0 : index
    %swap3A_53 = vector.load %arg5[%swap3A_50, %swap3A_51, %swap3A_52] : memref<1x1440x128xi32, #tpu.memory_space<vmem>>, vector<1x288x128xi32>
    %swap3A_54 = vector.shape_cast %swap3A_53 : vector<1x288x128xi32> to vector<288x128xi32>
    %swap3A_55 = vector.shape_cast %slice3A_49 : vector<288x128xi32> to vector<1x288x128xi32>
    tpu.vector_store %arg5[%swap3A_50, %swap3A_51, %swap3A_52], %swap3A_55 {strides = array<i32>} : memref<1x1440x128xi32, #tpu.memory_space<vmem>>, vector<1x288x128xi32>,
    %slice3A_56 = vector.extract_strided_slice %bitcast3A {offsets = [0, 256], sizes = [288, 128], strides = [1, 1]} : vector<288x576xi32> to vector<288x128xi32>
    %swap3A_57 = arith.constant 0 : index
    %swap3A_58 = arith.constant 576 : index
    %swap3A_59 = arith.constant 0 : index
    %swap3A_60 = vector.load %arg5[%swap3A_57, %swap3A_58, %swap3A_59] : memref<1x1440x128xi32, #tpu.memory_space<vmem>>, vector<1x288x128xi32>
    %swap3A_61 = vector.shape_cast %swap3A_60 : vector<1x288x128xi32> to vector<288x128xi32>
    %swap3A_62 = vector.shape_cast %slice3A_56 : vector<288x128xi32> to vector<1x288x128xi32>
    tpu.vector_store %arg5[%swap3A_57, %swap3A_58, %swap3A_59], %swap3A_62 {strides = array<i32>} : memref<1x1440x128xi32, #tpu.memory_space<vmem>>, vector<1x288x128xi32>,
    %slice3A_63 = vector.extract_strided_slice %bitcast3A {offsets = [0, 384], sizes = [288, 128], strides = [1, 1]} : vector<288x576xi32> to vector<288x128xi32>
    %swap3A_64 = arith.constant 0 : index
    %swap3A_65 = arith.constant 864 : index
    %swap3A_66 = arith.constant 0 : index
    %swap3A_67 = vector.load %arg5[%swap3A_64, %swap3A_65, %swap3A_66] : memref<1x1440x128xi32, #tpu.memory_space<vmem>>, vector<1x288x128xi32>
    %swap3A_68 = vector.shape_cast %swap3A_67 : vector<1x288x128xi32> to vector<288x128xi32>
    %swap3A_69 = vector.shape_cast %slice3A_63 : vector<288x128xi32> to vector<1x288x128xi32>
    tpu.vector_store %arg5[%swap3A_64, %swap3A_65, %swap3A_66], %swap3A_69 {strides = array<i32>} : memref<1x1440x128xi32, #tpu.memory_space<vmem>>, vector<1x288x128xi32>,
    %slice3A_70 = vector.extract_strided_slice %bitcast3A {offsets = [0, 512], sizes = [288, 64], strides = [1, 1]} : vector<288x576xi32> to vector<288x64xi32>
    %swap3A_71 = arith.constant 0 : index
    %swap3A_72 = arith.constant 1152 : index
    %swap3A_73 = arith.constant 0 : index
    %swap3A_74 = vector.load %arg5[%swap3A_71, %swap3A_72, %swap3A_73] : memref<1x1440x128xi32, #tpu.memory_space<vmem>>, vector<1x288x64xi32>
    %swap3A_75 = vector.shape_cast %swap3A_74 : vector<1x288x64xi32> to vector<288x64xi32>
    %swap3A_76 = vector.shape_cast %slice3A_70 : vector<288x64xi32> to vector<1x288x64xi32>
    tpu.vector_store %arg5[%swap3A_71, %swap3A_72, %swap3A_73], %swap3A_76 {strides = array<i32>} : memref<1x1440x128xi32, #tpu.memory_space<vmem>>, vector<1x288x64xi32>,
    %get3A_77 = arith.constant 0 : index
    %get3A_78 = arith.constant 0 : index
    %get3A_79 = arith.constant 0 : index
    %get3A_80 = arith.constant 0 : index
    %get3A_81 = vector.load %arg4[%get3A_77, %get3A_78, %get3A_79, %get3A_80] : memref<1x2x576x256xi32, #tpu.memory_space<vmem>>, vector<1x1x576x256xi32>
    %get3A_82 = vector.shape_cast %get3A_81 : vector<1x1x576x256xi32> to vector<576x256xi32>
    %mul3A_83 = arith.constant 24 : i32
    %mul3A_84 = vector.broadcast %mul3A_83 : i32 to vector<576x256xi32>
    %mul3A_85 = arith.muli %get3A_82, %mul3A_84 : vector<576x256xi32>
    %get3A_86 = arith.constant 0 : index
    %get3A_87 = arith.constant 1 : index
    %get3A_88 = arith.constant 0 : index
    %get3A_89 = arith.constant 0 : index
    %get3A_90 = vector.load %arg4[%get3A_86, %get3A_87, %get3A_88, %get3A_89] : memref<1x2x576x256xi32, #tpu.memory_space<vmem>>, vector<1x1x576x256xi32>
    %get3A_91 = vector.shape_cast %get3A_90 : vector<1x1x576x256xi32> to vector<576x256xi32>
    %add3A = arith.addi %mul3A_85, %get3A_91 : vector<576x256xi32>
    %convert_element_type3A_92 = arith.trunci %add3A : vector<576x256xi32> to vector<576x256xi16>
    %bitcast3A_93 = tpu.bitcast %convert_element_type3A_92 : vector<576x256xi16> -> vector<288x256xi32>
    %slice3A_94 = vector.extract_strided_slice %bitcast3A_93 {offsets = [0, 0], sizes = [288, 128], strides = [1, 1]} : vector<288x256xi32> to vector<288x128xi32>
    %swap3A_95 = arith.constant 0 : index
    %swap3A_96 = arith.constant 0 : index
    %swap3A_97 = arith.constant 0 : index
    %swap3A_98 = vector.load %arg6[%swap3A_95, %swap3A_96, %swap3A_97] : memref<1x576x128xi32, #tpu.memory_space<vmem>>, vector<1x288x128xi32>
    %swap3A_99 = vector.shape_cast %swap3A_98 : vector<1x288x128xi32> to vector<288x128xi32>
    %swap3A_100 = vector.shape_cast %slice3A_94 : vector<288x128xi32> to vector<1x288x128xi32>
    tpu.vector_store %arg6[%swap3A_95, %swap3A_96, %swap3A_97], %swap3A_100 {strides = array<i32>} : memref<1x576x128xi32, #tpu.memory_space<vmem>>, vector<1x288x128xi32>,
    %slice3A_101 = vector.extract_strided_slice %bitcast3A_93 {offsets = [0, 128], sizes = [288, 128], strides = [1, 1]} : vector<288x256xi32> to vector<288x128xi32>
    %swap3A_102 = arith.constant 0 : index
    %swap3A_103 = arith.constant 288 : index
    %swap3A_104 = arith.constant 0 : index
    %swap3A_105 = vector.load %arg6[%swap3A_102, %swap3A_103, %swap3A_104] : memref<1x576x128xi32, #tpu.memory_space<vmem>>, vector<1x288x128xi32>
    %swap3A_106 = vector.shape_cast %swap3A_105 : vector<1x288x128xi32> to vector<288x128xi32>
    %swap3A_107 = vector.shape_cast %slice3A_101 : vector<288x128xi32> to vector<1x288x128xi32>
    tpu.vector_store %arg6[%swap3A_102, %swap3A_103, %swap3A_104], %swap3A_107 {strides = array<i32>} : memref<1x576x128xi32, #tpu.memory_space<vmem>>, vector<1x288x128xi32>,
    %max3A = arith.constant 9.99999993E-9 : f32
    %max3A_108 = vector.broadcast %max3A : f32 to vector<576xf32>
    %max3A_109 = arith.maximumf %reduce_sum3A_12, %max3A_108 : vector<576xf32>
    %div3A_110 = arith.divf %reduce_sum3A_12, %max3A_109 : vector<576xf32>
    %min3A_111 = arith.constant 1.000000e+00 : f32
    %min3A_112 = vector.broadcast %min3A_111 : f32 to vector<576xf32>
    %min3A_113 = arith.minimumf %div3A_110, %min3A_112 : vector<576xf32>
    %reduce_sum3A_114 = vector.shape_cast %min3A_113 : vector<576xf32> to vector<1x576xf32>
    %reduce_sum3A_115 = arith.constant dense<0.000000e+00> : vector<1xf32>
    %reduce_sum3A_116 = vector.multi_reduction <add>, %reduce_sum3A_114, %reduce_sum3A_115 [1] : vector<1x576xf32> to vector<1xf32>
    %reduce_sum3A_117 = vector.shape_cast %reduce_sum3A_116 : vector<1xf32> to vector<1x1xf32>
    %reduce_sum3A_118 = vector.extract %reduce_sum3A_117[0, 0] : f32 from vector<1x1xf32>
    %mul3A_119 = arith.constant 0.00173611112 : f32
    %mul3A_120 = arith.mulf %reduce_sum3A_118, %mul3A_119 : f32
    %broadcast_in_dim3A_121 = vector.broadcast %mul3A_120 : f32 to vector<1x1x128xf32>
    %swap3A_122 = arith.constant 0 : index
    %swap3A_123 = arith.constant 0 : index
    %swap3A_124 = arith.constant 0 : index
    %swap3A_125 = vector.load %arg7[%swap3A_122, %swap3A_123, %swap3A_124] : memref<1x1x128xf32, #tpu.memory_space<vmem>>, vector<1x1x128xf32>
    tpu.vector_store %arg7[%swap3A_122, %swap3A_123, %swap3A_124], %broadcast_in_dim3A_121 {strides = array<i32>} : memref<1x1x128xf32, #tpu.memory_space<vmem>>, vector<1x1x128xf32>,
    return
  }
  func.func @transform_0(%arg0: i32) -> (i32, i32, i32) {
    %c0_i32 = arith.constant 0 : i32
    %c0_i32_0 = arith.constant 0 : i32
    %c0_i32_1 = arith.constant 0 : i32
    return %arg0, %c0_i32, %c0_i32_0 : i32, i32, i32
  }
  func.func @transform_1(%arg0: i32) -> (i32, i32, i32) {
    %c0_i32 = arith.constant 0 : i32
    %c0_i32_0 = arith.constant 0 : i32
    %c0_i32_1 = arith.constant 0 : i32
    return %arg0, %c0_i32, %c0_i32_0 : i32, i32, i32
  }
  func.func @transform_2(%arg0: i32) -> (i32, i32) {
    %c0_i32 = arith.constant 0 : i32
    %c0_i32_0 = arith.constant 0 : i32
    %c0_i32_1 = arith.constant 0 : i32
    return %c0_i32, %c0_i32_0 : i32, i32
  }
  func.func @transform_3(%arg0: i32) -> (i32, i32, i32, i32) {
    %c0_i32 = arith.constant 0 : i32
    %c0_i32_0 = arith.constant 0 : i32
    %c0_i32_1 = arith.constant 0 : i32
    %c0_i32_2 = arith.constant 0 : i32
    return %arg0, %c0_i32, %c0_i32_0, %c0_i32_1 : i32, i32, i32, i32
  }
  func.func @transform_4(%arg0: i32) -> (i32, i32, i32) {
    %c0_i32 = arith.constant 0 : i32
    %c0_i32_0 = arith.constant 0 : i32
    %c0_i32_1 = arith.constant 0 : i32
    return %arg0, %c0_i32, %c0_i32_0 : i32, i32, i32
  }
  func.func @transform_5(%arg0: i32) -> (i32, i32, i32) {
    %c0_i32 = arith.constant 0 : i32
    %c0_i32_0 = arith.constant 0 : i32
    %c0_i32_1 = arith.constant 0 : i32
    return %arg0, %c0_i32, %c0_i32_0 : i32, i32, i32
  }
  func.func @transform_6(%arg0: i32) -> (i32, i32, i32) {
    %c0_i32 = arith.constant 0 : i32
    %c0_i32_0 = arith.constant 0 : i32
    %c0_i32_1 = arith.constant 0 : i32
    return %arg0, %c0_i32, %c0_i32_0 : i32, i32, i32
  }
}

module attributes {stable_mosaic.version = 14 : i64} {
  func.func @_finish_body(%arg0: memref<4x64x128xf32, #tpu.memory_space<vmem>>, %arg1: memref<4x1x128xf32, #tpu.memory_space<vmem>>, %arg2: memref<1x1xf32, #tpu.memory_space<smem>>, %arg3: memref<1x1xf32, #tpu.memory_space<smem>>, %arg4: memref<1x1xf32, #tpu.memory_space<smem>>) attributes {dimension_semantics = [], scalar_prefetch = 0 : i64, scratch_operands = 0 : i64, tpu.core_type = #tpu.core_type<tc>} {
    %get3A = arith.constant 0 : index
    %get3A_0 = arith.constant 0 : index
    %get3A_1 = arith.constant 0 : index
    %get3A_2 = vector.load %arg0[%get3A, %get3A_0, %get3A_1] : memref<4x64x128xf32, #tpu.memory_space<vmem>>, vector<4x64x128xf32>
    %broadcast_in_dim3A = arith.constant 0.000000e+00 : f32
    %broadcast_in_dim3A_3 = vector.broadcast %broadcast_in_dim3A : f32 to vector<4x128xf32>
    %broadcast_in_dim3A_4 = arith.constant 0.000000e+00 : f32
    %broadcast_in_dim3A_5 = vector.broadcast %broadcast_in_dim3A_4 : f32 to vector<4x128xf32>
    %slice3A = vector.extract_strided_slice %get3A_2 {offsets = [0, 0, 0], sizes = [4, 1, 128], strides = [1, 1, 1]} : vector<4x64x128xf32> to vector<4x1x128xf32>
    %squeeze3A = vector.shape_cast %slice3A : vector<4x1x128xf32> to vector<4x128xf32>
    %add3A = arith.addf %broadcast_in_dim3A_3, %squeeze3A : vector<4x128xf32>
    %slice3A_6 = vector.extract_strided_slice %get3A_2 {offsets = [0, 1, 0], sizes = [4, 1, 128], strides = [1, 1, 1]} : vector<4x64x128xf32> to vector<4x1x128xf32>
    %squeeze3A_7 = vector.shape_cast %slice3A_6 : vector<4x1x128xf32> to vector<4x128xf32>
    %add3A_8 = arith.addf %broadcast_in_dim3A_5, %squeeze3A_7 : vector<4x128xf32>
    %slice3A_9 = vector.extract_strided_slice %get3A_2 {offsets = [0, 2, 0], sizes = [4, 1, 128], strides = [1, 1, 1]} : vector<4x64x128xf32> to vector<4x1x128xf32>
    %squeeze3A_10 = vector.shape_cast %slice3A_9 : vector<4x1x128xf32> to vector<4x128xf32>
    %add3A_11 = arith.addf %add3A, %squeeze3A_10 : vector<4x128xf32>
    %slice3A_12 = vector.extract_strided_slice %get3A_2 {offsets = [0, 3, 0], sizes = [4, 1, 128], strides = [1, 1, 1]} : vector<4x64x128xf32> to vector<4x1x128xf32>
    %squeeze3A_13 = vector.shape_cast %slice3A_12 : vector<4x1x128xf32> to vector<4x128xf32>
    %add3A_14 = arith.addf %add3A_8, %squeeze3A_13 : vector<4x128xf32>
    %slice3A_15 = vector.extract_strided_slice %get3A_2 {offsets = [0, 4, 0], sizes = [4, 1, 128], strides = [1, 1, 1]} : vector<4x64x128xf32> to vector<4x1x128xf32>
    %squeeze3A_16 = vector.shape_cast %slice3A_15 : vector<4x1x128xf32> to vector<4x128xf32>
    %add3A_17 = arith.addf %add3A_11, %squeeze3A_16 : vector<4x128xf32>
    %slice3A_18 = vector.extract_strided_slice %get3A_2 {offsets = [0, 5, 0], sizes = [4, 1, 128], strides = [1, 1, 1]} : vector<4x64x128xf32> to vector<4x1x128xf32>
    %squeeze3A_19 = vector.shape_cast %slice3A_18 : vector<4x1x128xf32> to vector<4x128xf32>
    %add3A_20 = arith.addf %add3A_14, %squeeze3A_19 : vector<4x128xf32>
    %slice3A_21 = vector.extract_strided_slice %get3A_2 {offsets = [0, 6, 0], sizes = [4, 1, 128], strides = [1, 1, 1]} : vector<4x64x128xf32> to vector<4x1x128xf32>
    %squeeze3A_22 = vector.shape_cast %slice3A_21 : vector<4x1x128xf32> to vector<4x128xf32>
    %add3A_23 = arith.addf %add3A_17, %squeeze3A_22 : vector<4x128xf32>
    %slice3A_24 = vector.extract_strided_slice %get3A_2 {offsets = [0, 7, 0], sizes = [4, 1, 128], strides = [1, 1, 1]} : vector<4x64x128xf32> to vector<4x1x128xf32>
    %squeeze3A_25 = vector.shape_cast %slice3A_24 : vector<4x1x128xf32> to vector<4x128xf32>
    %add3A_26 = arith.addf %add3A_20, %squeeze3A_25 : vector<4x128xf32>
    %slice3A_27 = vector.extract_strided_slice %get3A_2 {offsets = [0, 8, 0], sizes = [4, 1, 128], strides = [1, 1, 1]} : vector<4x64x128xf32> to vector<4x1x128xf32>
    %squeeze3A_28 = vector.shape_cast %slice3A_27 : vector<4x1x128xf32> to vector<4x128xf32>
    %add3A_29 = arith.addf %add3A_23, %squeeze3A_28 : vector<4x128xf32>
    %slice3A_30 = vector.extract_strided_slice %get3A_2 {offsets = [0, 9, 0], sizes = [4, 1, 128], strides = [1, 1, 1]} : vector<4x64x128xf32> to vector<4x1x128xf32>
    %squeeze3A_31 = vector.shape_cast %slice3A_30 : vector<4x1x128xf32> to vector<4x128xf32>
    %add3A_32 = arith.addf %add3A_26, %squeeze3A_31 : vector<4x128xf32>
    %slice3A_33 = vector.extract_strided_slice %get3A_2 {offsets = [0, 10, 0], sizes = [4, 1, 128], strides = [1, 1, 1]} : vector<4x64x128xf32> to vector<4x1x128xf32>
    %squeeze3A_34 = vector.shape_cast %slice3A_33 : vector<4x1x128xf32> to vector<4x128xf32>
    %add3A_35 = arith.addf %add3A_29, %squeeze3A_34 : vector<4x128xf32>
    %slice3A_36 = vector.extract_strided_slice %get3A_2 {offsets = [0, 11, 0], sizes = [4, 1, 128], strides = [1, 1, 1]} : vector<4x64x128xf32> to vector<4x1x128xf32>
    %squeeze3A_37 = vector.shape_cast %slice3A_36 : vector<4x1x128xf32> to vector<4x128xf32>
    %add3A_38 = arith.addf %add3A_32, %squeeze3A_37 : vector<4x128xf32>
    %slice3A_39 = vector.extract_strided_slice %get3A_2 {offsets = [0, 12, 0], sizes = [4, 1, 128], strides = [1, 1, 1]} : vector<4x64x128xf32> to vector<4x1x128xf32>
    %squeeze3A_40 = vector.shape_cast %slice3A_39 : vector<4x1x128xf32> to vector<4x128xf32>
    %add3A_41 = arith.addf %add3A_35, %squeeze3A_40 : vector<4x128xf32>
    %slice3A_42 = vector.extract_strided_slice %get3A_2 {offsets = [0, 13, 0], sizes = [4, 1, 128], strides = [1, 1, 1]} : vector<4x64x128xf32> to vector<4x1x128xf32>
    %squeeze3A_43 = vector.shape_cast %slice3A_42 : vector<4x1x128xf32> to vector<4x128xf32>
    %add3A_44 = arith.addf %add3A_38, %squeeze3A_43 : vector<4x128xf32>
    %slice3A_45 = vector.extract_strided_slice %get3A_2 {offsets = [0, 14, 0], sizes = [4, 1, 128], strides = [1, 1, 1]} : vector<4x64x128xf32> to vector<4x1x128xf32>
    %squeeze3A_46 = vector.shape_cast %slice3A_45 : vector<4x1x128xf32> to vector<4x128xf32>
    %add3A_47 = arith.addf %add3A_41, %squeeze3A_46 : vector<4x128xf32>
    %slice3A_48 = vector.extract_strided_slice %get3A_2 {offsets = [0, 15, 0], sizes = [4, 1, 128], strides = [1, 1, 1]} : vector<4x64x128xf32> to vector<4x1x128xf32>
    %squeeze3A_49 = vector.shape_cast %slice3A_48 : vector<4x1x128xf32> to vector<4x128xf32>
    %add3A_50 = arith.addf %add3A_44, %squeeze3A_49 : vector<4x128xf32>
    %slice3A_51 = vector.extract_strided_slice %get3A_2 {offsets = [0, 16, 0], sizes = [4, 1, 128], strides = [1, 1, 1]} : vector<4x64x128xf32> to vector<4x1x128xf32>
    %squeeze3A_52 = vector.shape_cast %slice3A_51 : vector<4x1x128xf32> to vector<4x128xf32>
    %add3A_53 = arith.addf %add3A_47, %squeeze3A_52 : vector<4x128xf32>
    %slice3A_54 = vector.extract_strided_slice %get3A_2 {offsets = [0, 17, 0], sizes = [4, 1, 128], strides = [1, 1, 1]} : vector<4x64x128xf32> to vector<4x1x128xf32>
    %squeeze3A_55 = vector.shape_cast %slice3A_54 : vector<4x1x128xf32> to vector<4x128xf32>
    %add3A_56 = arith.addf %add3A_50, %squeeze3A_55 : vector<4x128xf32>
    %slice3A_57 = vector.extract_strided_slice %get3A_2 {offsets = [0, 18, 0], sizes = [4, 1, 128], strides = [1, 1, 1]} : vector<4x64x128xf32> to vector<4x1x128xf32>
    %squeeze3A_58 = vector.shape_cast %slice3A_57 : vector<4x1x128xf32> to vector<4x128xf32>
    %add3A_59 = arith.addf %add3A_53, %squeeze3A_58 : vector<4x128xf32>
    %slice3A_60 = vector.extract_strided_slice %get3A_2 {offsets = [0, 19, 0], sizes = [4, 1, 128], strides = [1, 1, 1]} : vector<4x64x128xf32> to vector<4x1x128xf32>
    %squeeze3A_61 = vector.shape_cast %slice3A_60 : vector<4x1x128xf32> to vector<4x128xf32>
    %add3A_62 = arith.addf %add3A_56, %squeeze3A_61 : vector<4x128xf32>
    %slice3A_63 = vector.extract_strided_slice %get3A_2 {offsets = [0, 20, 0], sizes = [4, 1, 128], strides = [1, 1, 1]} : vector<4x64x128xf32> to vector<4x1x128xf32>
    %squeeze3A_64 = vector.shape_cast %slice3A_63 : vector<4x1x128xf32> to vector<4x128xf32>
    %add3A_65 = arith.addf %add3A_59, %squeeze3A_64 : vector<4x128xf32>
    %slice3A_66 = vector.extract_strided_slice %get3A_2 {offsets = [0, 21, 0], sizes = [4, 1, 128], strides = [1, 1, 1]} : vector<4x64x128xf32> to vector<4x1x128xf32>
    %squeeze3A_67 = vector.shape_cast %slice3A_66 : vector<4x1x128xf32> to vector<4x128xf32>
    %add3A_68 = arith.addf %add3A_62, %squeeze3A_67 : vector<4x128xf32>
    %slice3A_69 = vector.extract_strided_slice %get3A_2 {offsets = [0, 22, 0], sizes = [4, 1, 128], strides = [1, 1, 1]} : vector<4x64x128xf32> to vector<4x1x128xf32>
    %squeeze3A_70 = vector.shape_cast %slice3A_69 : vector<4x1x128xf32> to vector<4x128xf32>
    %add3A_71 = arith.addf %add3A_65, %squeeze3A_70 : vector<4x128xf32>
    %slice3A_72 = vector.extract_strided_slice %get3A_2 {offsets = [0, 23, 0], sizes = [4, 1, 128], strides = [1, 1, 1]} : vector<4x64x128xf32> to vector<4x1x128xf32>
    %squeeze3A_73 = vector.shape_cast %slice3A_72 : vector<4x1x128xf32> to vector<4x128xf32>
    %add3A_74 = arith.addf %add3A_68, %squeeze3A_73 : vector<4x128xf32>
    %slice3A_75 = vector.extract_strided_slice %get3A_2 {offsets = [0, 24, 0], sizes = [4, 1, 128], strides = [1, 1, 1]} : vector<4x64x128xf32> to vector<4x1x128xf32>
    %squeeze3A_76 = vector.shape_cast %slice3A_75 : vector<4x1x128xf32> to vector<4x128xf32>
    %add3A_77 = arith.addf %add3A_71, %squeeze3A_76 : vector<4x128xf32>
    %slice3A_78 = vector.extract_strided_slice %get3A_2 {offsets = [0, 25, 0], sizes = [4, 1, 128], strides = [1, 1, 1]} : vector<4x64x128xf32> to vector<4x1x128xf32>
    %squeeze3A_79 = vector.shape_cast %slice3A_78 : vector<4x1x128xf32> to vector<4x128xf32>
    %add3A_80 = arith.addf %add3A_74, %squeeze3A_79 : vector<4x128xf32>
    %slice3A_81 = vector.extract_strided_slice %get3A_2 {offsets = [0, 26, 0], sizes = [4, 1, 128], strides = [1, 1, 1]} : vector<4x64x128xf32> to vector<4x1x128xf32>
    %squeeze3A_82 = vector.shape_cast %slice3A_81 : vector<4x1x128xf32> to vector<4x128xf32>
    %add3A_83 = arith.addf %add3A_77, %squeeze3A_82 : vector<4x128xf32>
    %slice3A_84 = vector.extract_strided_slice %get3A_2 {offsets = [0, 27, 0], sizes = [4, 1, 128], strides = [1, 1, 1]} : vector<4x64x128xf32> to vector<4x1x128xf32>
    %squeeze3A_85 = vector.shape_cast %slice3A_84 : vector<4x1x128xf32> to vector<4x128xf32>
    %add3A_86 = arith.addf %add3A_80, %squeeze3A_85 : vector<4x128xf32>
    %slice3A_87 = vector.extract_strided_slice %get3A_2 {offsets = [0, 28, 0], sizes = [4, 1, 128], strides = [1, 1, 1]} : vector<4x64x128xf32> to vector<4x1x128xf32>
    %squeeze3A_88 = vector.shape_cast %slice3A_87 : vector<4x1x128xf32> to vector<4x128xf32>
    %add3A_89 = arith.addf %add3A_83, %squeeze3A_88 : vector<4x128xf32>
    %slice3A_90 = vector.extract_strided_slice %get3A_2 {offsets = [0, 29, 0], sizes = [4, 1, 128], strides = [1, 1, 1]} : vector<4x64x128xf32> to vector<4x1x128xf32>
    %squeeze3A_91 = vector.shape_cast %slice3A_90 : vector<4x1x128xf32> to vector<4x128xf32>
    %add3A_92 = arith.addf %add3A_86, %squeeze3A_91 : vector<4x128xf32>
    %slice3A_93 = vector.extract_strided_slice %get3A_2 {offsets = [0, 30, 0], sizes = [4, 1, 128], strides = [1, 1, 1]} : vector<4x64x128xf32> to vector<4x1x128xf32>
    %squeeze3A_94 = vector.shape_cast %slice3A_93 : vector<4x1x128xf32> to vector<4x128xf32>
    %add3A_95 = arith.addf %add3A_89, %squeeze3A_94 : vector<4x128xf32>
    %slice3A_96 = vector.extract_strided_slice %get3A_2 {offsets = [0, 31, 0], sizes = [4, 1, 128], strides = [1, 1, 1]} : vector<4x64x128xf32> to vector<4x1x128xf32>
    %squeeze3A_97 = vector.shape_cast %slice3A_96 : vector<4x1x128xf32> to vector<4x128xf32>
    %add3A_98 = arith.addf %add3A_92, %squeeze3A_97 : vector<4x128xf32>
    %slice3A_99 = vector.extract_strided_slice %get3A_2 {offsets = [0, 32, 0], sizes = [4, 1, 128], strides = [1, 1, 1]} : vector<4x64x128xf32> to vector<4x1x128xf32>
    %squeeze3A_100 = vector.shape_cast %slice3A_99 : vector<4x1x128xf32> to vector<4x128xf32>
    %add3A_101 = arith.addf %add3A_95, %squeeze3A_100 : vector<4x128xf32>
    %slice3A_102 = vector.extract_strided_slice %get3A_2 {offsets = [0, 33, 0], sizes = [4, 1, 128], strides = [1, 1, 1]} : vector<4x64x128xf32> to vector<4x1x128xf32>
    %squeeze3A_103 = vector.shape_cast %slice3A_102 : vector<4x1x128xf32> to vector<4x128xf32>
    %add3A_104 = arith.addf %add3A_98, %squeeze3A_103 : vector<4x128xf32>
    %slice3A_105 = vector.extract_strided_slice %get3A_2 {offsets = [0, 34, 0], sizes = [4, 1, 128], strides = [1, 1, 1]} : vector<4x64x128xf32> to vector<4x1x128xf32>
    %squeeze3A_106 = vector.shape_cast %slice3A_105 : vector<4x1x128xf32> to vector<4x128xf32>
    %add3A_107 = arith.addf %add3A_101, %squeeze3A_106 : vector<4x128xf32>
    %slice3A_108 = vector.extract_strided_slice %get3A_2 {offsets = [0, 35, 0], sizes = [4, 1, 128], strides = [1, 1, 1]} : vector<4x64x128xf32> to vector<4x1x128xf32>
    %squeeze3A_109 = vector.shape_cast %slice3A_108 : vector<4x1x128xf32> to vector<4x128xf32>
    %add3A_110 = arith.addf %add3A_104, %squeeze3A_109 : vector<4x128xf32>
    %slice3A_111 = vector.extract_strided_slice %get3A_2 {offsets = [0, 36, 0], sizes = [4, 1, 128], strides = [1, 1, 1]} : vector<4x64x128xf32> to vector<4x1x128xf32>
    %squeeze3A_112 = vector.shape_cast %slice3A_111 : vector<4x1x128xf32> to vector<4x128xf32>
    %add3A_113 = arith.addf %add3A_107, %squeeze3A_112 : vector<4x128xf32>
    %slice3A_114 = vector.extract_strided_slice %get3A_2 {offsets = [0, 37, 0], sizes = [4, 1, 128], strides = [1, 1, 1]} : vector<4x64x128xf32> to vector<4x1x128xf32>
    %squeeze3A_115 = vector.shape_cast %slice3A_114 : vector<4x1x128xf32> to vector<4x128xf32>
    %add3A_116 = arith.addf %add3A_110, %squeeze3A_115 : vector<4x128xf32>
    %slice3A_117 = vector.extract_strided_slice %get3A_2 {offsets = [0, 38, 0], sizes = [4, 1, 128], strides = [1, 1, 1]} : vector<4x64x128xf32> to vector<4x1x128xf32>
    %squeeze3A_118 = vector.shape_cast %slice3A_117 : vector<4x1x128xf32> to vector<4x128xf32>
    %add3A_119 = arith.addf %add3A_113, %squeeze3A_118 : vector<4x128xf32>
    %slice3A_120 = vector.extract_strided_slice %get3A_2 {offsets = [0, 39, 0], sizes = [4, 1, 128], strides = [1, 1, 1]} : vector<4x64x128xf32> to vector<4x1x128xf32>
    %squeeze3A_121 = vector.shape_cast %slice3A_120 : vector<4x1x128xf32> to vector<4x128xf32>
    %add3A_122 = arith.addf %add3A_116, %squeeze3A_121 : vector<4x128xf32>
    %slice3A_123 = vector.extract_strided_slice %get3A_2 {offsets = [0, 40, 0], sizes = [4, 1, 128], strides = [1, 1, 1]} : vector<4x64x128xf32> to vector<4x1x128xf32>
    %squeeze3A_124 = vector.shape_cast %slice3A_123 : vector<4x1x128xf32> to vector<4x128xf32>
    %add3A_125 = arith.addf %add3A_119, %squeeze3A_124 : vector<4x128xf32>
    %slice3A_126 = vector.extract_strided_slice %get3A_2 {offsets = [0, 41, 0], sizes = [4, 1, 128], strides = [1, 1, 1]} : vector<4x64x128xf32> to vector<4x1x128xf32>
    %squeeze3A_127 = vector.shape_cast %slice3A_126 : vector<4x1x128xf32> to vector<4x128xf32>
    %add3A_128 = arith.addf %add3A_122, %squeeze3A_127 : vector<4x128xf32>
    %slice3A_129 = vector.extract_strided_slice %get3A_2 {offsets = [0, 42, 0], sizes = [4, 1, 128], strides = [1, 1, 1]} : vector<4x64x128xf32> to vector<4x1x128xf32>
    %squeeze3A_130 = vector.shape_cast %slice3A_129 : vector<4x1x128xf32> to vector<4x128xf32>
    %add3A_131 = arith.addf %add3A_125, %squeeze3A_130 : vector<4x128xf32>
    %slice3A_132 = vector.extract_strided_slice %get3A_2 {offsets = [0, 43, 0], sizes = [4, 1, 128], strides = [1, 1, 1]} : vector<4x64x128xf32> to vector<4x1x128xf32>
    %squeeze3A_133 = vector.shape_cast %slice3A_132 : vector<4x1x128xf32> to vector<4x128xf32>
    %add3A_134 = arith.addf %add3A_128, %squeeze3A_133 : vector<4x128xf32>
    %slice3A_135 = vector.extract_strided_slice %get3A_2 {offsets = [0, 44, 0], sizes = [4, 1, 128], strides = [1, 1, 1]} : vector<4x64x128xf32> to vector<4x1x128xf32>
    %squeeze3A_136 = vector.shape_cast %slice3A_135 : vector<4x1x128xf32> to vector<4x128xf32>
    %add3A_137 = arith.addf %add3A_131, %squeeze3A_136 : vector<4x128xf32>
    %slice3A_138 = vector.extract_strided_slice %get3A_2 {offsets = [0, 45, 0], sizes = [4, 1, 128], strides = [1, 1, 1]} : vector<4x64x128xf32> to vector<4x1x128xf32>
    %squeeze3A_139 = vector.shape_cast %slice3A_138 : vector<4x1x128xf32> to vector<4x128xf32>
    %add3A_140 = arith.addf %add3A_134, %squeeze3A_139 : vector<4x128xf32>
    %slice3A_141 = vector.extract_strided_slice %get3A_2 {offsets = [0, 46, 0], sizes = [4, 1, 128], strides = [1, 1, 1]} : vector<4x64x128xf32> to vector<4x1x128xf32>
    %squeeze3A_142 = vector.shape_cast %slice3A_141 : vector<4x1x128xf32> to vector<4x128xf32>
    %add3A_143 = arith.addf %add3A_137, %squeeze3A_142 : vector<4x128xf32>
    %slice3A_144 = vector.extract_strided_slice %get3A_2 {offsets = [0, 47, 0], sizes = [4, 1, 128], strides = [1, 1, 1]} : vector<4x64x128xf32> to vector<4x1x128xf32>
    %squeeze3A_145 = vector.shape_cast %slice3A_144 : vector<4x1x128xf32> to vector<4x128xf32>
    %add3A_146 = arith.addf %add3A_140, %squeeze3A_145 : vector<4x128xf32>
    %slice3A_147 = vector.extract_strided_slice %get3A_2 {offsets = [0, 48, 0], sizes = [4, 1, 128], strides = [1, 1, 1]} : vector<4x64x128xf32> to vector<4x1x128xf32>
    %squeeze3A_148 = vector.shape_cast %slice3A_147 : vector<4x1x128xf32> to vector<4x128xf32>
    %add3A_149 = arith.addf %add3A_143, %squeeze3A_148 : vector<4x128xf32>
    %slice3A_150 = vector.extract_strided_slice %get3A_2 {offsets = [0, 49, 0], sizes = [4, 1, 128], strides = [1, 1, 1]} : vector<4x64x128xf32> to vector<4x1x128xf32>
    %squeeze3A_151 = vector.shape_cast %slice3A_150 : vector<4x1x128xf32> to vector<4x128xf32>
    %add3A_152 = arith.addf %add3A_146, %squeeze3A_151 : vector<4x128xf32>
    %slice3A_153 = vector.extract_strided_slice %get3A_2 {offsets = [0, 50, 0], sizes = [4, 1, 128], strides = [1, 1, 1]} : vector<4x64x128xf32> to vector<4x1x128xf32>
    %squeeze3A_154 = vector.shape_cast %slice3A_153 : vector<4x1x128xf32> to vector<4x128xf32>
    %add3A_155 = arith.addf %add3A_149, %squeeze3A_154 : vector<4x128xf32>
    %slice3A_156 = vector.extract_strided_slice %get3A_2 {offsets = [0, 51, 0], sizes = [4, 1, 128], strides = [1, 1, 1]} : vector<4x64x128xf32> to vector<4x1x128xf32>
    %squeeze3A_157 = vector.shape_cast %slice3A_156 : vector<4x1x128xf32> to vector<4x128xf32>
    %add3A_158 = arith.addf %add3A_152, %squeeze3A_157 : vector<4x128xf32>
    %slice3A_159 = vector.extract_strided_slice %get3A_2 {offsets = [0, 52, 0], sizes = [4, 1, 128], strides = [1, 1, 1]} : vector<4x64x128xf32> to vector<4x1x128xf32>
    %squeeze3A_160 = vector.shape_cast %slice3A_159 : vector<4x1x128xf32> to vector<4x128xf32>
    %add3A_161 = arith.addf %add3A_155, %squeeze3A_160 : vector<4x128xf32>
    %slice3A_162 = vector.extract_strided_slice %get3A_2 {offsets = [0, 53, 0], sizes = [4, 1, 128], strides = [1, 1, 1]} : vector<4x64x128xf32> to vector<4x1x128xf32>
    %squeeze3A_163 = vector.shape_cast %slice3A_162 : vector<4x1x128xf32> to vector<4x128xf32>
    %add3A_164 = arith.addf %add3A_158, %squeeze3A_163 : vector<4x128xf32>
    %slice3A_165 = vector.extract_strided_slice %get3A_2 {offsets = [0, 54, 0], sizes = [4, 1, 128], strides = [1, 1, 1]} : vector<4x64x128xf32> to vector<4x1x128xf32>
    %squeeze3A_166 = vector.shape_cast %slice3A_165 : vector<4x1x128xf32> to vector<4x128xf32>
    %add3A_167 = arith.addf %add3A_161, %squeeze3A_166 : vector<4x128xf32>
    %slice3A_168 = vector.extract_strided_slice %get3A_2 {offsets = [0, 55, 0], sizes = [4, 1, 128], strides = [1, 1, 1]} : vector<4x64x128xf32> to vector<4x1x128xf32>
    %squeeze3A_169 = vector.shape_cast %slice3A_168 : vector<4x1x128xf32> to vector<4x128xf32>
    %add3A_170 = arith.addf %add3A_164, %squeeze3A_169 : vector<4x128xf32>
    %slice3A_171 = vector.extract_strided_slice %get3A_2 {offsets = [0, 56, 0], sizes = [4, 1, 128], strides = [1, 1, 1]} : vector<4x64x128xf32> to vector<4x1x128xf32>
    %squeeze3A_172 = vector.shape_cast %slice3A_171 : vector<4x1x128xf32> to vector<4x128xf32>
    %add3A_173 = arith.addf %add3A_167, %squeeze3A_172 : vector<4x128xf32>
    %slice3A_174 = vector.extract_strided_slice %get3A_2 {offsets = [0, 57, 0], sizes = [4, 1, 128], strides = [1, 1, 1]} : vector<4x64x128xf32> to vector<4x1x128xf32>
    %squeeze3A_175 = vector.shape_cast %slice3A_174 : vector<4x1x128xf32> to vector<4x128xf32>
    %add3A_176 = arith.addf %add3A_170, %squeeze3A_175 : vector<4x128xf32>
    %slice3A_177 = vector.extract_strided_slice %get3A_2 {offsets = [0, 58, 0], sizes = [4, 1, 128], strides = [1, 1, 1]} : vector<4x64x128xf32> to vector<4x1x128xf32>
    %squeeze3A_178 = vector.shape_cast %slice3A_177 : vector<4x1x128xf32> to vector<4x128xf32>
    %add3A_179 = arith.addf %add3A_173, %squeeze3A_178 : vector<4x128xf32>
    %slice3A_180 = vector.extract_strided_slice %get3A_2 {offsets = [0, 59, 0], sizes = [4, 1, 128], strides = [1, 1, 1]} : vector<4x64x128xf32> to vector<4x1x128xf32>
    %squeeze3A_181 = vector.shape_cast %slice3A_180 : vector<4x1x128xf32> to vector<4x128xf32>
    %add3A_182 = arith.addf %add3A_176, %squeeze3A_181 : vector<4x128xf32>
    %slice3A_183 = vector.extract_strided_slice %get3A_2 {offsets = [0, 60, 0], sizes = [4, 1, 128], strides = [1, 1, 1]} : vector<4x64x128xf32> to vector<4x1x128xf32>
    %squeeze3A_184 = vector.shape_cast %slice3A_183 : vector<4x1x128xf32> to vector<4x128xf32>
    %add3A_185 = arith.addf %add3A_179, %squeeze3A_184 : vector<4x128xf32>
    %slice3A_186 = vector.extract_strided_slice %get3A_2 {offsets = [0, 61, 0], sizes = [4, 1, 128], strides = [1, 1, 1]} : vector<4x64x128xf32> to vector<4x1x128xf32>
    %squeeze3A_187 = vector.shape_cast %slice3A_186 : vector<4x1x128xf32> to vector<4x128xf32>
    %add3A_188 = arith.addf %add3A_182, %squeeze3A_187 : vector<4x128xf32>
    %slice3A_189 = vector.extract_strided_slice %get3A_2 {offsets = [0, 62, 0], sizes = [4, 1, 128], strides = [1, 1, 1]} : vector<4x64x128xf32> to vector<4x1x128xf32>
    %squeeze3A_190 = vector.shape_cast %slice3A_189 : vector<4x1x128xf32> to vector<4x128xf32>
    %add3A_191 = arith.addf %add3A_185, %squeeze3A_190 : vector<4x128xf32>
    %slice3A_192 = vector.extract_strided_slice %get3A_2 {offsets = [0, 63, 0], sizes = [4, 1, 128], strides = [1, 1, 1]} : vector<4x64x128xf32> to vector<4x1x128xf32>
    %squeeze3A_193 = vector.shape_cast %slice3A_192 : vector<4x1x128xf32> to vector<4x128xf32>
    %add3A_194 = arith.addf %add3A_188, %squeeze3A_193 : vector<4x128xf32>
    %mul3A = arith.constant 8.68055562E-4 : f32
    %mul3A_195 = vector.broadcast %mul3A : f32 to vector<4x128xf32>
    %mul3A_196 = arith.mulf %add3A_191, %mul3A_195 : vector<4x128xf32>
    %mul3A_197 = arith.constant 8.68055562E-4 : f32
    %mul3A_198 = vector.broadcast %mul3A_197 : f32 to vector<4x128xf32>
    %mul3A_199 = arith.mulf %add3A_194, %mul3A_198 : vector<4x128xf32>
    %get3A_200 = arith.constant 0 : index
    %get3A_201 = arith.constant 0 : index
    %get3A_202 = arith.constant 0 : index
    %get3A_203 = vector.load %arg1[%get3A_200, %get3A_201, %get3A_202] : memref<4x1x128xf32, #tpu.memory_space<vmem>>, vector<4x1x128xf32>
    %slice3A_204 = vector.extract_strided_slice %get3A_203 {offsets = [0, 0, 0], sizes = [4, 1, 1], strides = [1, 1, 1]} : vector<4x1x128xf32> to vector<4x1x1xf32>
    %squeeze3A_205 = vector.shape_cast %slice3A_204 : vector<4x1x1xf32> to vector<4x1xf32>
    %log3A = math.log %squeeze3A_205 : vector<4x1xf32>
    %jit3A = arith.constant -1.000000e+02 : f32
    %max3A = vector.broadcast %jit3A : f32 to vector<4x1xf32>
    %max3A_206 = arith.maximumf %max3A, %log3A : vector<4x1xf32>
    %sub3A = arith.constant 1.000000e+00 : f32
    %sub3A_207 = vector.broadcast %sub3A : f32 to vector<4x128xf32>
    %sub3A_208 = arith.subf %sub3A_207, %mul3A_196 : vector<4x128xf32>
    %log3A_209 = math.log %sub3A_208 : vector<4x128xf32>
    %jit3A_210 = arith.constant -1.000000e+02 : f32
    %max3A_211 = vector.broadcast %jit3A_210 : f32 to vector<4x128xf32>
    %max3A_212 = arith.maximumf %max3A_211, %log3A_209 : vector<4x128xf32>
    %reduce_sum3A = arith.constant dense<0.000000e+00> : vector<4xf32>
    %reduce_sum3A_213 = vector.multi_reduction <add>, %max3A_212, %reduce_sum3A [1] : vector<4x128xf32> to vector<4xf32>
    %broadcast_in_dim3A_214 = vector.shape_cast %reduce_sum3A_213 : vector<4xf32> to vector<4x1xf32>
    %add3A_215 = arith.constant 0.000000e+00 : f32
    %add3A_216 = vector.broadcast %add3A_215 : f32 to vector<4x1xf32>
    %add3A_217 = arith.addf %add3A_216, %broadcast_in_dim3A_214 : vector<4x1xf32>
    %sub3A_218 = arith.constant 1.000000e+00 : f32
    %sub3A_219 = vector.broadcast %sub3A_218 : f32 to vector<4x128xf32>
    %sub3A_220 = arith.subf %sub3A_219, %mul3A_199 : vector<4x128xf32>
    %log3A_221 = math.log %sub3A_220 : vector<4x128xf32>
    %jit3A_222 = arith.constant -1.000000e+02 : f32
    %max3A_223 = vector.broadcast %jit3A_222 : f32 to vector<4x128xf32>
    %max3A_224 = arith.maximumf %max3A_223, %log3A_221 : vector<4x128xf32>
    %reduce_sum3A_225 = arith.constant dense<0.000000e+00> : vector<4xf32>
    %reduce_sum3A_226 = vector.multi_reduction <add>, %max3A_224, %reduce_sum3A_225 [1] : vector<4x128xf32> to vector<4xf32>
    %broadcast_in_dim3A_227 = vector.shape_cast %reduce_sum3A_226 : vector<4xf32> to vector<4x1xf32>
    %add3A_228 = arith.addf %add3A_217, %broadcast_in_dim3A_227 : vector<4x1xf32>
    %add3A_229 = arith.addf %max3A_206, %add3A_228 : vector<4x1xf32>
    %neg3A = arith.constant 0.000000e+00 : f32
    %neg3A_230 = vector.broadcast %neg3A : f32 to vector<4x1xf32>
    %neg3A_231 = arith.subf %neg3A_230, %add3A_229 : vector<4x1xf32>
    %mul3A_232 = arith.constant 0.00389105058 : f32
    %mul3A_233 = vector.broadcast %mul3A_232 : f32 to vector<4x1xf32>
    %mul3A_234 = arith.mulf %neg3A_231, %mul3A_233 : vector<4x1xf32>
    %reduce_sum3A_235 = vector.shape_cast %mul3A_234 : vector<4x1xf32> to vector<1x4x1xf32>
    %reduce_sum3A_236 = arith.constant dense<0.000000e+00> : vector<1xf32>
    %reduce_sum3A_237 = vector.multi_reduction <add>, %reduce_sum3A_235, %reduce_sum3A_236 [1, 2] : vector<1x4x1xf32> to vector<1xf32>
    %reduce_sum3A_238 = vector.shape_cast %reduce_sum3A_237 : vector<1xf32> to vector<1x1x1xf32>
    %reduce_sum3A_239 = vector.extract %reduce_sum3A_238[0, 0, 0] : f32 from vector<1x1x1xf32>
    %mul3A_240 = arith.constant 2.500000e-01 : f32
    %mul3A_241 = arith.mulf %reduce_sum3A_239, %mul3A_240 : f32
    %swap3A = arith.constant 0 : index
    %swap3A_242 = arith.constant 0 : index
    %swap3A_243 = memref.load %arg2[%swap3A, %swap3A_242] : memref<1x1xf32, #tpu.memory_space<smem>>
    memref.store %mul3A_241, %arg2[%swap3A, %swap3A_242] : memref<1x1xf32, #tpu.memory_space<smem>>
    %reduce_sum3A_244 = vector.shape_cast %squeeze3A_205 : vector<4x1xf32> to vector<1x4x1xf32>
    %reduce_sum3A_245 = arith.constant dense<0.000000e+00> : vector<1xf32>
    %reduce_sum3A_246 = vector.multi_reduction <add>, %reduce_sum3A_244, %reduce_sum3A_245 [1, 2] : vector<1x4x1xf32> to vector<1xf32>
    %reduce_sum3A_247 = vector.shape_cast %reduce_sum3A_246 : vector<1xf32> to vector<1x1x1xf32>
    %reduce_sum3A_248 = vector.extract %reduce_sum3A_247[0, 0, 0] : f32 from vector<1x1x1xf32>
    %mul3A_249 = arith.constant 2.500000e-01 : f32
    %mul3A_250 = arith.mulf %reduce_sum3A_248, %mul3A_249 : f32
    %swap3A_251 = arith.constant 0 : index
    %swap3A_252 = arith.constant 0 : index
    %swap3A_253 = memref.load %arg3[%swap3A_251, %swap3A_252] : memref<1x1xf32, #tpu.memory_space<smem>>
    memref.store %mul3A_250, %arg3[%swap3A_251, %swap3A_252] : memref<1x1xf32, #tpu.memory_space<smem>>
    %reduce_sum3A_254 = vector.shape_cast %mul3A_196 : vector<4x128xf32> to vector<1x4x128xf32>
    %reduce_sum3A_255 = arith.constant dense<0.000000e+00> : vector<1xf32>
    %reduce_sum3A_256 = vector.multi_reduction <add>, %reduce_sum3A_254, %reduce_sum3A_255 [1, 2] : vector<1x4x128xf32> to vector<1xf32>
    %reduce_sum3A_257 = vector.shape_cast %reduce_sum3A_256 : vector<1xf32> to vector<1x1x1xf32>
    %reduce_sum3A_258 = vector.extract %reduce_sum3A_257[0, 0, 0] : f32 from vector<1x1x1xf32>
    %add3A_259 = arith.constant 0.000000e+00 : f32
    %add3A_260 = arith.addf %add3A_259, %reduce_sum3A_258 : f32
    %reduce_sum3A_261 = vector.shape_cast %mul3A_199 : vector<4x128xf32> to vector<1x4x128xf32>
    %reduce_sum3A_262 = arith.constant dense<0.000000e+00> : vector<1xf32>
    %reduce_sum3A_263 = vector.multi_reduction <add>, %reduce_sum3A_261, %reduce_sum3A_262 [1, 2] : vector<1x4x128xf32> to vector<1xf32>
    %reduce_sum3A_264 = vector.shape_cast %reduce_sum3A_263 : vector<1xf32> to vector<1x1x1xf32>
    %reduce_sum3A_265 = vector.extract %reduce_sum3A_264[0, 0, 0] : f32 from vector<1x1x1xf32>
    %add3A_266 = arith.addf %add3A_260, %reduce_sum3A_265 : f32
    %mul3A_267 = arith.constant 0.001953125 : f32
    %mul3A_268 = arith.mulf %add3A_266, %mul3A_267 : f32
    %swap3A_269 = arith.constant 0 : index
    %swap3A_270 = arith.constant 0 : index
    %swap3A_271 = memref.load %arg4[%swap3A_269, %swap3A_270] : memref<1x1xf32, #tpu.memory_space<smem>>
    memref.store %mul3A_268, %arg4[%swap3A_269, %swap3A_270] : memref<1x1xf32, #tpu.memory_space<smem>>
    return
  }
}

</mosaic_0001>

<sc_bundles>
// kernel: kernel.5.cloned.1.call-start
scs
__scs_entry_jumppad:
0x0: {  	(pc) =	sbr.rel $0x88, $3  }
0x1: {  	(tag) =	ssettag $0x0;
	lr =	simm.s32 $0x1  }
0x2: {  	[smem:$0x3F9D] =	sst lr;
	_ =	strace $0xD0000000  }
0x3: {  	_ = 	snop  }
0x4: {  	_ = 	snop  }
0x5: {  	_ = 	snop  }
0x6: {  	_ = 	snop  }
0x7: {  	_ = 	snop  }
__scs_overlays_trampoline_lowered:
0x8: {  	[smem:$0x3FAC] =	sst s0  }
0x9: {  	[smem:$0x3FAD] =	sst s1  }
0xa: {  	[smem:$0x3FAE] =	sst s2  }
0xb: {  	[smem:$0x3FAF] =	sst s3  }
0xc: {  	[smem:$0x3FB0] =	sst s4  }
0xd: {  	[smem:$0x3FB1] =	sst s5  }
0xe: {  	[smem:$0x3FB2] =	sst s6  }
0xf: {  	[smem:$0x3FB3] =	sst s7  }
0x10: {  	[smem:$0x3FB4] =	sst s8  }
0x11: {  	[smem:$0x3FB5] =	sst s9;
	s0 =	simm.s32 @!p0 $0x0  }
0x12: {  	s1 =	sld [smem:$0x3F9B];
	s0 =	simm.s32 @p0 $0x1  }
0x13: {  	[smem:$0x3FB6] =	sst s0;
	s0 =	simm.s32 @!p1 $0x0  }
0x14: {  	s2 =	sld [smem:$0x3F9A];
	s0 =	simm.s32 @p1 $0x1  }
0x15: {  	[smem:$0x3FB7] =	sst s0;
	s0 =	simm.s32 @!p2 $0x0  }
0x16: {  	s3 =	sld [smem:$0x3FDB];
	s0 =	simm.s32 @p2 $0x1  }
0x17: {  	s4 =	simm.s32 $0x1BF5;
	[smem:$0x3FB9] =	sst s0  }
0x18: {  	s0 =	sld [smem:$0x3F9C];
	_ =	swait.ge [sflag:s4], $0x0  }
0x19: {  	s7 =	sld [smem:$0x3F9D]  }
0x1a: {  	s8 =	sadd.s32 $0xFFFFE003, lr  }
0x1b: {  	s9 =	sadd.s32 $0xFFFFFEF7, lr;
	s5 =	simm.s32 $0xFFFFFFFF;
	p2 =	slt.u32 s8, $0xFFFFF086  }
0x1c: {  	p1 =	slt.u32 s9, $0xF7A;
	s5 =	simm.s32 @!p2 $0x0  }
0x1d: {  	s5 =	simm.s32 @p1 $0x1;
	p0 =	seq.s32 s7, s2  }
0x1e: {  	s7 =	smul.u32 @!p0 $0xF7A, s2;
	p2 =	seq.s32 @!p0 s5, $0x0  }
0x1f: {  	s9 =	smul.u32 $0xF7A, s1;
	s8 =	simm.s32 @!p0 $0x1BF5;
	p2 =	por !p2, p0  }
0x20: {  	[sflag:s8] =	ssyncset.s32 @!p0 $0xFFFFF086;
	s6 =	sadd.s32 @!p0 s3, s7;
	s7 =	simm.s32 @!p0 $0x108  }
0x21: {  	s3 =	sadd.s32 s3, s9;
	s6 =	sadd.s32 @!p0 $0x88, s6;
	s7 =	simm.s32 @p2 $0x1082  }
0x22: {  	[simem:s7], [sflag:s8] =	dma.local @!p0 [hbm:s6], $0xF7A  }
0x23: {  	s9 =	sor.u32 $0xD0000000, s2;
	s6 =	simm.s32 $0x108;
	_ =	swait.ge @!p0 [sflag:s8], $0x0  }
0x24: {  	s3 =	sadd.s32 $0x88, s3;
	s6 =	simm.s32 @!p1 $0x1082;
	[sflag:s4] =	ssyncset.s32 $0xFFFFF086  }
0x25: {  	[simem:s6], [sflag:s4] =	dma.local [hbm:s3], $0xF7A  }
0x26: {  	[smem:$0x3F9D] =	sst s1;
	(tag) =	ssettag s2;
	_ =	strace s9  }
0x27: {  	s1 =	sld [smem:$0x3FAD]  }
0x28: {  	s2 =	sld [smem:$0x3FAE]  }
0x29: {  	s4 =	sld [smem:$0x3FB0]  }
0x2a: {  	p0 =	seq.s32 s5, $0x0;
	s5 =	sld [smem:$0x3FB1]  }
0x2b: {  	s6 =	sld [smem:$0x3FB2]  }
0x2c: {  	s7 =	sld [smem:$0x3FB3]  }
0x2d: {  	s3 =	simm.s32 $0x108;
	s8 =	sld [smem:$0x3FB4]  }
0x2e: {  	s3 =	simm.s32 @!p0 $0x1082;
	s9 =	sld [smem:$0x3FB5]  }
0x2f: {  	lr =	sadd.s32 s0, s3;
	s0 =	sld [smem:$0x3FAC]  }
0x30: {  	s3 =	sld [smem:$0x3FAF]  }
0x31: {  	[smem:$0x3FB8] =	sst s10  }
0x32: {  	s10 =	sld [smem:$0x3FB6];
	_ =	sdelay $0x3  }
0x33: {  	p0 =	seq.s32 s10, $0x1;
	s10 =	sld [smem:$0x3FB8];
	_ =	sdelay $0x3  }
0x34: {  	[smem:$0x3FB8] =	sst s10  }
0x35: {  	s10 =	sld [smem:$0x3FB7];
	_ =	sdelay $0x3  }
0x36: {  	p1 =	seq.s32 s10, $0x1;
	s10 =	sld [smem:$0x3FB8];
	_ =	sdelay $0x3  }
0x37: {  	[smem:$0x3FB8] =	sst s10  }
0x38: {  	s10 =	sld [smem:$0x3FB9]  }
0x39: {  	_ = 	snop;
	(pc) =	sbr.ind lr, $3  }
0x3a: {  	_ = 	snop  }
0x3b: {  	_ = 	snop  }
0x3c: {  	p2 =	seq.s32 s10, $0x1;
	s10 =	sld [smem:$0x3FB8]  }
0x3d: {  	_ =	shalt  }
0x3e: {  	_ =	shalt  }
0x3f: {  	_ =	shalt  }
0x40: {  	_ =	shalt  }
0x41: {  	_ =	shalt  }
0x42: {  	_ =	shalt  }
0x43: {  	_ =	shalt  }
0x44: {  	_ =	shalt  }
0x45: {  	_ =	shalt  }
0x46: {  	_ =	shalt  }
0x47: {  	_ =	shalt  }
0x48: {  	_ =	shalt  }
0x49: {  	_ =	shalt  }
0x4a: {  	_ =	shalt  }
0x4b: {  	_ =	shalt  }
0x4c: {  	_ =	shalt  }
0x4d: {  	_ =	shalt  }
0x4e: {  	_ =	shalt  }
0x4f: {  	_ =	shalt  }
0x50: {  	_ =	shalt  }
0x51: {  	_ =	shalt  }
0x52: {  	_ =	shalt  }
0x53: {  	_ =	shalt  }
0x54: {  	_ =	shalt  }
0x55: {  	_ =	shalt  }
0x56: {  	_ =	shalt  }
0x57: {  	_ =	shalt  }
0x58: {  	_ =	shalt  }
0x59: {  	_ =	shalt  }
0x5a: {  	_ =	shalt  }
0x5b: {  	_ =	shalt  }
0x5c: {  	_ =	shalt  }
0x5d: {  	_ =	shalt  }
0x5e: {  	_ =	shalt  }
0x5f: {  	_ =	shalt  }
0x60: {  	_ =	shalt  }
0x61: {  	_ =	shalt  }
0x62: {  	_ =	shalt  }
0x63: {  	_ =	shalt  }
0x64: {  	_ =	shalt  }
0x65: {  	_ =	shalt  }
0x66: {  	_ =	shalt  }
0x67: {  	_ =	shalt  }
0x68: {  	_ =	shalt  }
0x69: {  	_ =	shalt  }
0x6a: {  	_ =	shalt  }
0x6b: {  	_ =	shalt  }
0x6c: {  	_ =	shalt  }
0x6d: {  	_ =	shalt  }
0x6e: {  	_ =	shalt  }
0x6f: {  	_ =	shalt  }
0x70: {  	_ =	shalt  }
0x71: {  	_ =	shalt  }
0x72: {  	_ =	shalt  }
0x73: {  	_ =	shalt  }
0x74: {  	_ =	shalt  }
0x75: {  	_ =	shalt  }
0x76: {  	_ =	shalt  }
0x77: {  	_ =	shalt  }
0x78: {  	_ =	shalt  }
0x79: {  	_ =	shalt  }
0x7a: {  	_ =	shalt  }
0x7b: {  	_ =	shalt  }
0x7c: {  	_ =	shalt  }
0x7d: {  	_ =	shalt  }
0x7e: {  	_ =	shalt  }
0x7f: {  	_ =	shalt  }
0x80: {  	_ =	shalt  }
0x81: {  	_ =	shalt  }
0x82: {  	_ =	shalt  }
0x83: {  	_ =	shalt  }
0x84: {  	_ =	shalt  }
0x85: {  	_ =	shalt  }
0x86: {  	_ =	shalt  }
0x87: {  	_ =	shalt  }
.Lfunc_end0:
.L_simem_size_0:
called_computation_lowered:
.L_overlay_start_0:
0x88: {  	s2 =	sld [smem:$0x3FD9]  }
0x89: {  	s3 =	sld [smem:$0x3FFE];
	_ =	sdelay $0x1  }
0x8a: {  	s1 =	srdreg.scid  }
0x8b: {  	s0 =	sand.u32 $0x1, s1  }
0x8c: {  	s16 =	sshll.u32 s0, $0xA;
	s2 =	sadd.s32 s3, s2  }
0x8d: {  	s2 =	sadd.s32 s2, s16  }
0x8e: {  	[smem:$0x3FC4] =	sst s2  }
0x8f: {  	_ = 	snop  }
0x90: {  	(tm) =	ssettm $0x1  }
0x91: {  	s17 =	sld [smem:$0x3FFB];
	_ =	sdelay $0x3  }
0x92: {  	_ =	strace s17  }
0x93: {  	s2 =	sld [smem:$0x3FFC];
	_ =	sdelay $0x3  }
0x94: {  	_ =	strace s2  }
0x95: {  	s2 =	sld [smem:$0x3FFD];
	_ =	sdelay $0x3  }
0x96: {  	_ =	strace s2  }
0x97: {  	_ =	strace $0x8FFFFFFF  }
0x98: {  	s18 =	sld [smem:$0x3FDB];
	_ =	sdelay $0x1  }
0x99: {  	s19 =	simm.s32 $_scs_section_size  }
0x9a: {  	s4 =	simm.s32 $_size__tile_overlayer_lowered;
	s5 =	simm.s32 $_tile_overlayer_lowered  }
0x9b: {  	s22 =	simm.s32 $0x1BFF;
	s21 =	sshll.u32 s5, $0x1;
	s2 =	sadd.s32 s19, s18  }
0x9c: {  	s6 =	simm.s32 $0x0;
	s20 =	sshll.u32 s4, $0x1;
	s4 =	sadd.s32 s21, s2  }
0x9d: {  	[timem:s6], [sflag:s22] =	dma.local [hbm:s4], s20  }
0x9e: {  	_ =	swait.ge [sflag:s22], s20  }
0x9f: {  	s3 =	ssub.s32 $0x0, s20;
	[sflag:s22] =	ssyncset.done $0x0  }
0xa0: {  	[sflag:s22] =	ssyncadd.s32 s3;
	_ =	sdelay $0x1  }
0xa1: {  	s23 =	simm.s32 $0x1B8B  }
0xa2: {  	_ =	swait.ge [sflag:s23], $0x1  }
0xa3: {  	[sflag:s23] =	ssyncset.done $0x0  }
0xa4: {  	s25 =	simm.s32 $0x1B8E;
	s24 =	sld [smem:$0x3FFE];
	[sflag:s23] =	ssyncadd.s32 $0xFFFFFFFF  }
0xa5: {  	s26 =	simm.s32 $execute0_lowered;
	[smem:$0x3FD2] =	sst s25  }
0xa6: {  	s4 =	sshll.u32 s26, $0x1;
	_ =	strace $0x80000046;
	[dreg:$0x1] =	wrdreg $0xFFFFFFFF  }
0xa7: {  	s28 =	simm.s32 $_size_execute0_lowered;
	s2 =	sadd.s32 s2, s4;
	[dreg:$0x0] =	wrdreg $0x0  }
0xa8: {  	s4 =	sshll.u32 s28, $0x1;
	[dreg:$0x2] =	wrdreg s2  }
0xa9: {  	[dreg:$0x3] =	wrdreg s4  }
0xaa: {  	[dreg:$0x4] =	wrdreg $0xC0  }
0xab: {  	_ =	task [dreg:s6], $0x5FFFF  }
0xac: {  	[dreg:$0x1] =	wrdreg $0xFFFFFFFF  }
0xad: {  	[dreg:$0x0] =	wrdreg $0x60  }
0xae: {  	[dreg:$0x2] =	wrdreg s24  }
0xaf: {  	[dreg:$0x3] =	wrdreg $0x9  }
0xb0: {  	_ =	task.clear_ibuf [dreg:s6], $0x4FFFF;
	_ =	strace $0x90000046  }
0xb1: {  	s29 =	simm.s32 $0x9;
	_ =	strace $0x80000048  }
0xb2: {  	_ =	swait.ge [sflag:s29], $0x1  }
0xb3: {  	[sflag:s29] =	ssyncadd.s32 $0xFFFFFFFF  }
0xb4: {  	_ =	strace $0x90000048  }
0xb5: {  	_ =	sfence  }
0xb6: {  	s30 =	sld [smem:$0x0];
	_ =	sdelay $0x2  }
0xb7: {  	s31 =	sshll.u32 s1, $0xD;
	s1 =	sshrl.u32 s1, $0x2  }
0xb8: {  	s3 =	sand.u32 $0x4000, s31;
	s1 =	sadd.s32 s1, s30  }
0xb9: {  	s0 =	sor.u32 s3, s0;
	s1 =	sshll.u32 s1, $0x11  }
0xba: {  	s0 =	sor.u32 s1, s0  }
0xbb: {  	s0 =	sadd.s32 $0x8F2B, s0  }
0xbc: {  	[sflag:s0] =	ssyncadd.remote.s32 $0x1  }
0xbd: {  	_ =	sfence.sel $0xFFFF  }
0xbe: {  	[dreg:$0x0] =	wrdreg $0xFFFFFFFF;
	(pc) =	sbr.abs _section_cstart, $3  }
0xbf: {  	[dreg:$0x1] =	wrdreg $0xFFFFFFFF  }
0xc0: {  	_ =	task.clear_ibuf [dreg:s6], $0x2FFFF;
	_ =	strace $0x9FFFFFFF  }
0xc1: {  	(tm) =	ssettm $0x7FFFFFFF  }
tec
execute0_lowered:
.L_overlay_start_1:
0x0: {  	(tag) =	ssettag $0x1  }
0x1: {  	s0 =	rddreg [dreg:$0x0]  }
0x2: {  	s2 =	simm.s32 $0x0;
	s1 =	srdreg.scid;
	s3 =	stileid.u32  }
0x3: {  	s23 =	simm.s32 $0x2D00;
	s25 =	simm.s32 $0x1;
	s26 =	simm.s32 $0x3F00  }
0x4: {  	s28 =	simm.s32 $0x2;
	s29 =	simm.s32 $0x0;
	[smem:$0x7FF] =	sst s2  }
0x5: {  	s1 =	sand.u32 $0x1, s1;
	s3 =	sshll.u32 s3, $0x1;
	s5 =	sadd.s32 $0x17C00, s0  }
0x6: {  	v63 =	vlaneseq.u32;
	_ =	strace $0x80000047;
	s4 =	sor.u32 s1, s3;
	s1 =	ssub.s32 $0x2, s1  }
0x7: {  	v18 =	vor.u32 $0x10, v63;
	s6 =	sshll.u32 s4, $0x5;
	s4 =	smul.u32 $0x480, s4;
	s7 =	sshrl.u32 s1, $0x1  }
0x8: {  	v21 =	vor.u32 $0x20, v63;
	s3 =	sadd.s32 $0x1400, s0;
	[tilespmem:$0x1FF90] =	vst v18;
	s0 =	sadd.s32 s6, s0;
	s1 =	ssub.s32 s1, s7  }
0x9: {  	v62 =	vor.u32 $0x30, v63;
	[tilespmem:$0x1FFA0] =	vst v21;
	s15 =	sshrl.u32 s4, $0x3;
	s6 =	sadd.s32 $0x9000, s4;
	s9 =	sadd.s32 $0x12000, s4  }
0xa: {  	v3 =	vor.u32 $0x70, v63;
	[tilespmem:$0x1FFB0] =	vst v62;
	s10 =	sadd.s32 $0x1B000, s4;
	s11 =	sadd.s32 $0x24000, s4;
	s17 =	sadd.s32 $0x20C00, s0  }
0xb: {  	v0 =	vor.u32 $0x40, v63;
	[tilespmem:$0x1FFC0] =	vst v3;
	s18 =	smax.u32 s1, $0x1;
	s7 =	sadd.s32 s3, s15;
	s16 =	sshrl.u32 s6, $0x3  }
0xc: {  	v1 =	vor.u32 $0x50, v63;
	[tilespmem:$0x1FFD0] =	vst v0;
	s12 =	sshrl.u32 s9, $0x3;
	s13 =	sshrl.u32 s10, $0x3;
	s14 =	sshrl.u32 s11, $0x3  }
0xd: {  	v2 =	vor.u32 $0x60, v63;
	[tilespmem:$0x1FFE0] =	vst v1;
	s15 =	sadd.s32 s5, s15;
	s8 =	sadd.s32 s3, s16;
	s12 =	sadd.s32 s3, s12  }
0xe: {  	[tilespmem:$0x1FFF0] =	vst v2;
	s13 =	sadd.s32 s3, s13;
	s14 =	sadd.s32 s3, s14;
	s16 =	sadd.s32 s5, s16  }
.LBB2_1:
0xf: {  	[tilespmem:s2], [sflag:$0x1] =	stream.linear.gather [hbm4b:s7+s2], $0x480, $0x38;
	[tilespmem:$0x4000] =	vst v63  }
0x10: {  	s0 =	simm.s32 $0x480  }
0x11: {  	[tilespmem:s0], [sflag:$0x1] =	stream.linear.gather [hbm4b:s8+s2], $0x480, $0x38;
	[tilespmem:$0x4000] =	vst v63  }
0x12: {  	s21 =	simm.s32 $0x900  }
0x13: {  	[tilespmem:s21], [sflag:$0x1] =	stream.linear.gather [hbm4b:s12+s2], $0x480, $0x38;
	[tilespmem:$0x4000] =	vst v63  }
0x14: {  	s22 =	simm.s32 $0xD80  }
0x15: {  	[tilespmem:s22], [sflag:$0x1] =	stream.linear.gather [hbm4b:s13+s2], $0x480, $0x38;
	[tilespmem:$0x4000] =	vst v63  }
0x16: {  	s24 =	simm.s32 $0x1200  }
0x17: {  	[tilespmem:s24], [sflag:$0x1] =	stream.linear.gather [hbm4b:s14+s2], $0x480, $0x38;
	[tilespmem:$0x4000] =	vst v63  }
0x18: {  	_ = 	snop  }
0x19: {  	[tilespmem:s23], [sflag:$0x1] =	stream.linear.gather [hbm4b:s15+s2], $0x480, $0x38;
	[tilespmem:$0x4000] =	vst v63  }
0x1a: {  	s31 =	simm.s32 $0x3180;
	s30 =	simm.s32 $0x0  }
0x1b: {  	[tilespmem:s31], [sflag:$0x1] =	stream.linear.gather [hbm4b:s16+s2], $0x480, $0x38;
	[tilespmem:$0x4000] =	vst v63  }
.LBB2_2:
0x1c: {  	_ =	swait.ge [sflag:s25], $0x480  }
0x1d: {  	[sflag:s25] =	ssyncset.done $0x0  }
0x1e: {  	[sflag:s25] =	ssyncadd.s32 $0xFFFFFB80  }
0x1f: {  	_ =	swait.ge [sflag:s25], $0x480  }
0x20: {  	[sflag:s25] =	ssyncset.done $0x0  }
0x21: {  	[sflag:s25] =	ssyncadd.s32 $0xFFFFFB80  }
0x22: {  	_ =	swait.ge [sflag:s25], $0x480  }
0x23: {  	[sflag:s25] =	ssyncset.done $0x0  }
0x24: {  	[sflag:s25] =	ssyncadd.s32 $0xFFFFFB80  }
0x25: {  	_ =	swait.ge [sflag:s25], $0x480  }
0x26: {  	[sflag:s25] =	ssyncset.done $0x0  }
0x27: {  	[sflag:s25] =	ssyncadd.s32 $0xFFFFFB80  }
0x28: {  	_ =	swait.ge [sflag:s25], $0x480  }
0x29: {  	[sflag:s25] =	ssyncset.done $0x0  }
0x2a: {  	[sflag:s25] =	ssyncadd.s32 $0xFFFFFB80  }
0x2b: {  	s31 =	sadd.s32 $0x1, s30;
	p0 =	seq.s32 s30, $0x3;
	_ =	swait.ge [sflag:s25], $0x480  }
0x2c: {  	s0 =	sand.u32 $0x1, s30;
	s1 =	smul.u32 @!p0 $0x2D000, s31;
	[sflag:s25] =	ssyncset.done $0x0  }
0x2d: {  	s19 =	sxor.u32 @!p0 $0x1, s0;
	[sflag:s25] =	ssyncadd.s32 $0xFFFFFB80  }
0x2e: {  	s21 =	smul.u32 @!p0 $0x5A00, s19;
	s20 =	sadd.s32 @!p0 s4, s1;
	_ =	swait.ge [sflag:s25], $0x480  }
0x2f: {  	s22 =	simm.s32 @!p0 $0x0;
	s20 =	sshrl.u32 @!p0 s20, $0x3;
	[sflag:s25] =	ssyncset.done $0x0  }
0x30: {  	s21 =	sshrl.u32 @!p0 s21, $0x2;
	s20 =	sadd.s32 @!p0 s3, s20;
	[sflag:s25] =	ssyncadd.s32 $0xFFFFFB80  }
0x31: {  	[tilespmem:s21], [sflag:$0x1] =	stream.linear.gather @!p0 [hbm4b:s20+s22], $0x480, $0x38;
	[tilespmem:$0x4000] =	vst v63  }
0x32: {  	s20 =	sadd.s32 @!p0 s6, s1  }
0x33: {  	s20 =	sshrl.u32 @!p0 s20, $0x3  }
0x34: {  	s24 =	sadd.s32 @!p0 $0x480, s21;
	s20 =	sadd.s32 @!p0 s3, s20  }
0x35: {  	[tilespmem:s24], [sflag:$0x1] =	stream.linear.gather @!p0 [hbm4b:s20+s22], $0x480, $0x38;
	[tilespmem:$0x4000] =	vst v63  }
0x36: {  	s20 =	sadd.s32 @!p0 s9, s1  }
0x37: {  	s20 =	sshrl.u32 @!p0 s20, $0x3  }
0x38: {  	s24 =	sadd.s32 @!p0 $0x900, s21;
	s20 =	sadd.s32 @!p0 s3, s20  }
0x39: {  	[tilespmem:s24], [sflag:$0x1] =	stream.linear.gather @!p0 [hbm4b:s20+s22], $0x480, $0x38;
	[tilespmem:$0x4000] =	vst v63  }
0x3a: {  	s20 =	sadd.s32 @!p0 s10, s1  }
0x3b: {  	s1 =	sadd.s32 @!p0 s11, s1;
	s20 =	sshrl.u32 @!p0 s20, $0x3  }
0x3c: {  	s24 =	sadd.s32 @!p0 $0xD80, s21;
	s1 =	sshrl.u32 @!p0 s1, $0x3;
	s20 =	sadd.s32 @!p0 s3, s20  }
0x3d: {  	v8 =	vmov s0;
	[tilespmem:s24], [sflag:$0x1] =	stream.linear.gather @!p0 [hbm4b:s20+s22], $0x480, $0x38;
	[tilespmem:$0x4000] =	vst v63  }
0x3e: {  	s0 =	smul.u32 @!p0 $0x12000, s31;
	v5 =	vmul.u32 $0x900, v8;
	s1 =	sadd.s32 @!p0 s3, s1;
	s20 =	sadd.s32 @!p0 $0x1200, s21  }
0x3f: {  	[tilespmem:s20], [sflag:$0x1] =	stream.linear.gather @!p0 [hbm4b:s1+s22], $0x480, $0x38;
	[tilespmem:$0x4000] =	vst v63  }
0x40: {  	v6 =	vadd.s32 $0x480, v5;
	s24 =	simm.s32 $0x0;
	s1 =	smul.u32 @!p0 $0x2400, s19  }
0x41: {  	v9 =	vadd.s32 s24, v6;
	s19 =	sadd.s32 @!p0 s4, s0  }
0x42: {  	v10 =	vadd.s32 s24, v5;
	v11 =	vor.u32 v3, v9;
	s0 =	sadd.s32 @!p0 s6, s0;
	s19 =	sshrl.u32 @!p0 s19, $0x3;
	s1 =	sshrl.u32 @!p0 s1, $0x2  }
0x43: {  	v12 =	vor.u32 v63, v10;
	s0 =	sshrl.u32 @!p0 s0, $0x3;
	s19 =	sadd.s32 @!p0 s5, s19;
	s21 =	sadd.s32 @!p0 $0x2D00, s1  }
0x44: {  	v13 =	vor.u32 v18, v10;
	[tilespmem:s21], [sflag:$0x1] =	stream.linear.gather @!p0 [hbm4b:s19+s22], $0x480, $0x38;
	[tilespmem:$0x4000] =	vst v63  }
0x45: {  	v14 =	vor.u32 v21, v10;
	s0 =	sadd.s32 @!p0 s5, s0;
	s1 =	sadd.s32 @!p0 $0x3180, s1  }
0x46: {  	v15 =	vor.u32 v62, v10;
	[tilespmem:s1], [sflag:$0x1] =	stream.linear.gather @!p0 [hbm4b:s0+s22], $0x480, $0x38;
	[tilespmem:$0x4000] =	vst v63  }
0x47: {  	v16 =	vor.u32 v0, v10;
	v11 =	vld.idx.msk [tilespmem:v11+s23+$0x0], $0xffff  }
0x48: {  	v17 =	vor.u32 v1, v10;
	v28 =	vld.idx.msk [tilespmem:v12+s23+$0x0], $0xffff  }
0x49: {  	v50 =	vor.u32 v2, v10;
	v29 =	vld.idx.msk [tilespmem:v13+s23+$0x0], $0xffff  }
0x4a: {  	v10 =	vor.u32 v3, v10;
	v24 =	vld.idx.msk [tilespmem:v14+s23+$0x0], $0xffff  }
0x4b: {  	v51 =	vor.u32 v63, v9;
	v25 =	vld.idx.msk [tilespmem:v15+s23+$0x0], $0xffff  }
0x4c: {  	v52 =	vor.u32 v18, v9;
	v23 =	vld.idx.msk [tilespmem:v16+s23+$0x0], $0xffff  }
0x4d: {  	v26 =	vor.u32 v62, v9;
	v22 =	vld.idx.msk [tilespmem:v17+s23+$0x0], $0xffff  }
0x4e: {  	v31 =	vor.u32 v1, v9;
	v16 =	vld.idx.msk [tilespmem:v50+s23+$0x0], $0xffff  }
0x4f: {  	v4 =	vmul.u32 $0x1680, v8;
	v19 =	vld.idx.msk [tilespmem:v10+s23+$0x0], $0xffff  }
0x50: {  	v14 =	vld.idx.msk [tilespmem:v51+s23+$0x0], $0xffff  }
0x51: {  	v30 =	vadd.s32 s24, v4;
	v15 =	vld.idx.msk [tilespmem:v52+s23+$0x0], $0xffff  }
0x52: {  	v20 =	vor.u32 v21, v9;
	v27 =	vor.u32 v0, v9;
	v8 =	vld.idx.msk [tilespmem:v26+s23+$0x0], $0xffff;
	v53 =	vshrl.u32 v11, $0x7  }
0x53: {  	v10 =	vld.idx.msk [tilespmem:v31+s23+$0x0], $0xffff;
	v55 =	vshrl.u32 v11, $0x17;
	v57 =	vand.u32 $0x7F, v11;
	v11 =	vshrl.u32 v11, $0x10  }
0x54: {  	v26 =	vshrl.u32 v28, $0x17;
	v31 =	vshrl.u32 v29, $0x7;
	v60 =	vshrl.u32 v29, $0x17  }
0x55: {  	v33 =	vshrl.u32 v24, $0x17;
	v35 =	vshrl.u32 v25, $0x17;
	v36 =	vshrl.u32 v23, $0x17  }
0x56: {  	v37 =	vshrl.u32 v22, $0x17;
	v38 =	vshrl.u32 v16, $0x17;
	v39 =	vshrl.u32 v19, $0x17  }
0x57: {  	v40 =	vshrl.u32 v14, $0x17;
	v41 =	vshrl.u32 v15, $0x17;
	v43 =	vshrl.u32 v8, $0x17  }
0x58: {  	v45 =	vshrl.u32 v10, $0x17;
	v13 =	vand.u32 $0x7F, v28;
	v46 =	vand.u32 $0x7F, v29  }
0x59: {  	v47 =	vand.u32 $0x7F, v24;
	v48 =	vand.u32 $0x7F, v25;
	v49 =	vand.u32 $0x7F, v23  }
0x5a: {  	v50 =	vand.u32 $0x7F, v22;
	v51 =	vand.u32 $0x7F, v16;
	v52 =	vand.u32 $0x7F, v19  }
0x5b: {  	v29 =	vshrl.u32 v29, $0x10;
	v54 =	vand.u32 $0x1FF, v53;
	v17 =	vmul.u32 $0x480, v55  }
0x5c: {  	v12 =	vor.u32 v57, v30;
	v59 =	vand.u32 $0x7F, v11;
	v26 =	vmul.u32 $0x480, v26  }
0x5d: {  	v33 =	vmul.u32 $0x480, v33;
	v7 =	vmul.u32 $0x480, v45;
	v53 =	vand.u32 $0x7F, v14  }
0x5e: {  	v31 =	vand.u32 $0x1FF, v31;
	v29 =	vand.u32 $0x7F, v29;
	v56 =	vmul.u32 $0x480, v54  }
0x5f: {  	v54 =	vand.u32 $0x7F, v15;
	v31 =	vmul.u32 $0x480, v31;
	v58 =	vadd.s32 v17, v30  }
0x60: {  	v17 =	vor.u32 v2, v9;
	v33 =	vadd.s32 v33, v30;
	v32 =	vadd.s32 v56, v12  }
0x61: {  	v12 =	vld.idx.msk [tilespmem:v20+s23+$0x0], $0xffff;
	v11 =	vor.u32 v59, v58;
	v20 =	vshrl.u32 v28, $0x7;
	v56 =	vand.u32 $0x7F, v8  }
0x62: {  	v58 =	vand.u32 $0x7F, v10;
	v59 =	vadd.s32 v26, v30;
	v26 =	vadd.s32 v7, v30  }
0x63: {  	v9 =	vld.idx.msk [tilespmem:v27+s23+$0x0], $0xffff;
	v7 =	vor.u32 v46, v30;
	v46 =	vor.u32 v48, v30;
	v48 =	vor.u32 v50, v30  }
0x64: {  	v50 =	vor.u32 v52, v30;
	v52 =	vor.u32 v54, v30;
	v28 =	vshrl.u32 v28, $0x10  }
0x65: {  	v20 =	vand.u32 $0x1FF, v20;
	v54 =	vor.u32 v56, v30;
	v56 =	vor.u32 v58, v30;
	v27 =	vld.idx.msk [tilespmem:v32+s2+$0x0], $0xffff  }
0x66: {  	v28 =	vand.u32 $0x7F, v28;
	v31 =	vadd.s32 v31, v7;
	v7 =	vshrl.u32 v25, $0x7;
	v34 =	vld.idx.msk [tilespmem:v11+s2+$0x0], $0xffff  }
0x67: {  	v25 =	vshrl.u32 v25, $0x10;
	v45 =	vmul.u32 $0x480, v20;
	v11 =	vld.idx.msk [tilespmem:v17+s23+$0x0], $0xffff;
	v32 =	vmul.u32 $0x480, v60  }
0x68: {  	v28 =	vor.u32 v28, v59;
	v25 =	vand.u32 $0x7F, v25;
	v44 =	vshrl.u32 v9, $0x17  }
0x69: {  	v57 =	vand.u32 $0x7F, v9;
	v42 =	vshrl.u32 v12, $0x17;
	v32 =	vadd.s32 v32, v30  }
0x6a: {  	v55 =	vand.u32 $0x7F, v12;
	v29 =	vor.u32 v29, v32;
	v32 =	vand.u32 $0x1FF, v7  }
0x6b: {  	v32 =	vmul.u32 $0x480, v32;
	v17 =	vshll.u32 v27, $0x10;
	v27 =	vand.u32 $0xFFFF0000, v34  }
0x6c: {  	v61 =	vshrl.u32 v11, $0x17;
	v60 =	vand.u32 $0x7F, v11;
	v34 =	vor.u32 v13, v30  }
0x6d: {  	v13 =	vor.u32 v47, v30;
	v47 =	vor.u32 v49, v30;
	v49 =	vor.u32 v51, v30  }
0x6e: {  	v51 =	vor.u32 v53, v30;
	v53 =	vor.u32 v55, v30;
	v55 =	vor.u32 v57, v30  }
0x6f: {  	v17 =	vadd.f32 v27, v17;
	v27 =	vmul.u32 $0x480, v35;
	v35 =	vmul.u32 $0x480, v36  }
0x70: {  	v36 =	vmul.u32 $0x480, v37;
	v37 =	vmul.u32 $0x480, v38;
	v38 =	vmul.u32 $0x480, v39  }
0x71: {  	v39 =	vmul.u32 $0x480, v40;
	v40 =	vmul.u32 $0x480, v41;
	v41 =	vmul.u32 $0x480, v42  }
0x72: {  	v42 =	vmul.u32 $0x480, v43;
	v43 =	vmul.u32 $0x480, v44;
	v20 =	vmul.u32 $0x480, v61  }
0x73: {  	v28 =	vld.idx.msk [tilespmem:v28+s2+$0x0], $0xffff;
	v57 =	vor.u32 v60, v30;
	v34 =	vadd.s32 v45, v34;
	v60 =	vshrl.u32 v10, $0x7  }
0x74: {  	v61 =	vadd.s32 v27, v30;
	v35 =	vadd.s32 v35, v30;
	v36 =	vadd.s32 v36, v30  }
0x75: {  	v37 =	vadd.s32 v37, v30;
	v38 =	vadd.s32 v38, v30;
	v39 =	vadd.s32 v39, v30  }
0x76: {  	v40 =	vadd.s32 v40, v30;
	v41 =	vadd.s32 v41, v30;
	v42 =	vadd.s32 v42, v30  }
0x77: {  	v27 =	vadd.s32 v43, v30;
	v20 =	vadd.s32 v20, v30;
	v30 =	vshrl.u32 v24, $0x7  }
0x78: {  	v28 =	vand.u32 $0xFFFF0000, v28;
	v24 =	vshrl.u32 v24, $0x10;
	v30 =	vand.u32 $0x1FF, v30  }
0x79: {  	v24 =	vand.u32 $0x7F, v24;
	v58 =	vor.u32 v25, v61;
	v25 =	vshrl.u32 v22, $0x7  }
0x7a: {  	v22 =	vshrl.u32 v22, $0x10;
	v61 =	vld.idx.msk [tilespmem:v29+s2+$0x0], $0xffff;
	v29 =	vand.u32 $0x1FF, v60;
	v30 =	vmul.u32 $0x480, v30  }
0x7b: {  	v24 =	vor.u32 v24, v33;
	v25 =	vand.u32 $0x1FF, v25;
	v22 =	vand.u32 $0x7F, v22  }
0x7c: {  	v30 =	vadd.s32 v30, v13;
	v13 =	vshrl.u32 v23, $0x7;
	v23 =	vshrl.u32 v23, $0x10  }
0x7d: {  	v25 =	vmul.u32 $0x480, v25;
	v43 =	vand.u32 $0x1FF, v13;
	v23 =	vand.u32 $0x7F, v23  }
0x7e: {  	v45 =	vmul.u32 $0x480, v43;
	v43 =	vadd.s32 v32, v46;
	v46 =	vshrl.u32 v16, $0x7  }
0x7f: {  	v23 =	vor.u32 v23, v35;
	v35 =	vadd.s32 v25, v48;
	v25 =	vshrl.u32 v19, $0x7  }
0x80: {  	v22 =	vor.u32 v22, v36;
	v32 =	vand.u32 $0x1FF, v46;
	v25 =	vand.u32 $0x1FF, v25  }
0x81: {  	v16 =	vshrl.u32 v16, $0x10;
	v32 =	vmul.u32 $0x480, v32;
	v25 =	vmul.u32 $0x480, v25  }
0x82: {  	v16 =	vand.u32 $0x7F, v16;
	v33 =	vadd.s32 v45, v47;
	v47 =	vshrl.u32 v14, $0x7  }
0x83: {  	v48 =	vadd.s32 v32, v49;
	v49 =	vand.u32 $0x1FF, v47;
	v36 =	vadd.s32 v25, v50  }
0x84: {  	v25 =	vshrl.u32 v15, $0x7;
	v15 =	vshrl.u32 v15, $0x10;
	v32 =	vmul.u32 $0x480, v49  }
0x85: {  	v16 =	vor.u32 v16, v37;
	v25 =	vand.u32 $0x1FF, v25;
	v15 =	vand.u32 $0x7F, v15  }
0x86: {  	v25 =	vmul.u32 $0x480, v25;
	v37 =	vadd.s32 v32, v51;
	v51 =	vshrl.u32 v12, $0x7  }
0x87: {  	v50 =	vor.u32 v15, v40;
	v12 =	vshrl.u32 v12, $0x10;
	v32 =	vand.u32 $0x1FF, v51  }
0x88: {  	v34 =	vld.idx.msk [tilespmem:v34+s2+$0x0], $0xffff;
	v49 =	vadd.s32 v25, v52;
	v52 =	vshrl.u32 v8, $0x7;
	v25 =	vshrl.u32 v9, $0x7  }
0x89: {  	v12 =	vand.u32 $0x7F, v12;
	v51 =	vshrl.u32 v11, $0x7;
	v11 =	vshrl.u32 v11, $0x10  }
0x8a: {  	v31 =	vld.idx.msk [tilespmem:v31+s2+$0x0], $0xffff;
	v32 =	vmul.u32 $0x480, v32;
	v15 =	vand.u32 $0x1FF, v52;
	v59 =	vand.u32 $0x1FF, v25  }
0x8b: {  	v24 =	vld.idx.msk [tilespmem:v24+s2+$0x0], $0xffff;
	v45 =	vor.u32 v12, v41;
	v25 =	vimm.f32 $0.0e+00;
	v12 =	vmul.u32 $0x480, v59  }
0x8c: {  	[tilespmem:$0x1FE80] =	vst v4;
	v52 =	vld.idx.msk [tilespmem:v30+s2+$0x0], $0xffff;
	v15 =	vmul.u32 $0x480, v15;
	v4 =	vadd.f32 v17, v25;
	v17 =	vmul.u32 $0x480, v29  }
0x8d: {  	v29 =	vld.idx.msk [tilespmem:v43+s2+$0x0], $0xffff;
	v46 =	vadd.s32 v32, v53;
	v32 =	vadd.s32 v12, v55;
	v55 =	vshll.u32 v34, $0x10  }
0x8e: {  	v53 =	vld.idx.msk [tilespmem:v58+s2+$0x0], $0xffff;
	v47 =	vadd.s32 v15, v54;
	v54 =	vand.u32 $0x7F, v11;
	v11 =	vadd.f32 v28, v55  }
0x8f: {  	v10 =	vshrl.u32 v10, $0x10;
	v23 =	vld.idx.msk [tilespmem:v23+s2+$0x0], $0xffff;
	v15 =	vand.u32 $0xFFFF0000, v61;
	v28 =	vshll.u32 v31, $0x10  }
0x90: {  	v33 =	vld.idx.msk [tilespmem:v33+s2+$0x0], $0xffff;
	v30 =	vadd.s32 v17, v56;
	v56 =	vadd.f32 v15, v28;
	v0 =	vadd.f32 v11, v25  }
0x91: {  	v10 =	vand.u32 $0x7F, v10;
	v58 =	vld.idx.msk [tilespmem:v22+s2+$0x0], $0xffff;
	v22 =	vand.u32 $0xFFFF0000, v24;
	v59 =	vshll.u32 v52, $0x10  }
0x92: {  	v14 =	vshrl.u32 v14, $0x10;
	v60 =	vadd.f32 v22, v59;
	[tilespmem:$0x1FEA0] =	vst v0;
	v0 =	vadd.f32 v56, v25  }
0x93: {  	v14 =	vand.u32 $0x7F, v14;
	v61 =	vshll.u32 v29, $0x10;
	v22 =	vand.u32 $0xFFFF0000, v53  }
0x94: {  	v14 =	vor.u32 v14, v39;
	v22 =	vadd.f32 v22, v61;
	[tilespmem:$0x1FEB0] =	vst v0;
	v0 =	vadd.f32 v60, v25  }
0x95: {  	[tilespmem:$0x1FEF0] =	vst v5;
	v23 =	vand.u32 $0xFFFF0000, v23;
	v28 =	vor.u32 v10, v26;
	v26 =	vshll.u32 v33, $0x10  }
0x96: {  	v29 =	vor.u32 v54, v20;
	v20 =	vadd.f32 v23, v26;
	[tilespmem:$0x1FEC0] =	vst v0;
	v0 =	vadd.f32 v22, v25  }
0x97: {  	[tilespmem:$0x1FF00] =	vst v6  }
0x98: {  	v19 =	vshrl.u32 v19, $0x10;
	[tilespmem:$0x1FED0] =	vst v0;
	v0 =	vadd.f32 v20, v25  }
0x99: {  	v19 =	vand.u32 $0x7F, v19;
	[tilespmem:$0x1FE90] =	vst v4  }
0x9a: {  	v19 =	vor.u32 v19, v38;
	v16 =	vld.idx.msk [tilespmem:v16+s2+$0x0], $0xffff;
	[tilespmem:$0x1FEE0] =	vst v0;
	v0 =	vimm.f32 $0.0e+00  }
0x9b: {  	v8 =	vshrl.u32 v8, $0x10;
	v9 =	vshrl.u32 v9, $0x10;
	v38 =	vld.idx.msk [tilespmem:v14+s2+$0x0], $0xffff;
	[tilespmem:$0x1FF10] =	vst v0;
	v0 =	vimm.f32 $0.0e+00  }
0x9c: {  	v8 =	vand.u32 $0x7F, v8;
	v9 =	vand.u32 $0x7F, v9;
	v17 =	vld.idx.msk [tilespmem:v35+s2+$0x0], $0xffff;
	[tilespmem:$0x1FF20] =	vst v0;
	v0 =	vimm.f32 $0.0e+00  }
0x9d: {  	s1 =	simm.s32 $0x80;
	v44 =	vor.u32 v8, v42;
	v24 =	vld.idx.msk [tilespmem:v48+s2+$0x0], $0xffff;
	v12 =	vand.u32 $0x1FF, v51;
	[tilespmem:$0x1FF30] =	vst v0;
	v0 =	vimm.f32 $0.0e+00  }
0x9e: {  	v43 =	vadd.s32 s1, v5;
	v41 =	vld.idx.msk [tilespmem:v50+s2+$0x0], $0xffff;
	v12 =	vmul.u32 $0x480, v12;
	[tilespmem:$0x1FF40] =	vst v0;
	v0 =	vimm.f32 $0.0e+00  }
0x9f: {  	v42 =	vadd.s32 s1, v6;
	v31 =	vor.u32 v9, v27;
	v33 =	vld.idx.msk [tilespmem:v36+s2+$0x0], $0xffff;
	[tilespmem:$0x1FF50] =	vst v0;
	v0 =	vimm.f32 $0.0e+00  }
0xa0: {  	v36 =	vld.idx.msk [tilespmem:v37+s2+$0x0], $0xffff;
	v37 =	vand.u32 $0xFFFF0000, v16;
	v27 =	vadd.s32 v12, v57;
	[tilespmem:$0x1FF60] =	vst v0;
	v0 =	vimm.f32 $0.0e+00  }
0xa1: {  	v35 =	vld.idx.msk [tilespmem:v19+s2+$0x0], $0xffff;
	v17 =	vshll.u32 v17, $0x10;
	v22 =	vand.u32 $0xFFFF0000, v58;
	[tilespmem:$0x1FF70] =	vst v0;
	v0 =	vimm.f32 $0.0e+00  }
0xa2: {  	s0 =	simm.s32 $0x2;
	v40 =	vld.idx.msk [tilespmem:v49+s2+$0x0], $0xffff;
	v34 =	vshll.u32 v24, $0x10;
	v39 =	vadd.f32 v22, v17;
	v22 =	vimm.f32 $0.0e+00;
	[tilespmem:$0x1FF80] =	vst v0  }
.LBB2_3:
0xa3: {  	v46 =	vld.idx.msk [tilespmem:v46+s2+$0x0], $0xffff  }
0xa4: {  	v0 =	vld [tilespmem:$0x1FFD0]  }
0xa5: {  	v54 =	vld.idx.msk [tilespmem:v45+s2+$0x0], $0xffff  }
0xa6: {  	v1 =	vld [tilespmem:$0x1FFE0]  }
0xa7: {  	v2 =	vld [tilespmem:$0x1FFF0]  }
0xa8: {  	v48 =	vor.u32 v63, v43;
	v47 =	vld.idx.msk [tilespmem:v47+s2+$0x0], $0xffff  }
0xa9: {  	v20 =	vld.idx.msk [tilespmem:v30+s2+$0x0], $0xffff  }
0xaa: {  	v60 =	vld.idx.msk [tilespmem:v44+s2+$0x0], $0xffff;
	v50 =	vor.u32 v3, v42  }
0xab: {  	v32 =	vld.idx.msk [tilespmem:v32+s2+$0x0], $0xffff;
	v49 =	vor.u32 v18, v43  }
0xac: {  	v17 =	vld.idx.msk [tilespmem:v31+s2+$0x0], $0xffff;
	v51 =	vor.u32 v21, v43  }
0xad: {  	v57 =	vor.u32 v63, v42;
	v52 =	vor.u32 v62, v43;
	v44 =	vld.idx.msk [tilespmem:v48+s23+$0x0], $0xffff  }
0xae: {  	v35 =	vand.u32 $0xFFFF0000, v35;
	v38 =	vand.u32 $0xFFFF0000, v38;
	v59 =	vor.u32 v21, v42;
	[tilespmem:$0x1FDF0] =	vst v20;
	v20 =	vld.idx.msk [tilespmem:v28+s2+$0x0], $0xffff  }
0xaf: {  	v33 =	vshll.u32 v33, $0x10;
	v53 =	vor.u32 v0, v43;
	v6 =	vor.u32 v0, v42;
	v0 =	vld.idx.msk [tilespmem:v50+s23+$0x0], $0xffff  }
0xb0: {  	v55 =	vor.u32 v1, v43;
	v7 =	vor.u32 v1, v42;
	v1 =	vadd.f32 v35, v33;
	v45 =	vld.idx.msk [tilespmem:v49+s23+$0x0], $0xffff  }
0xb1: {  	v10 =	vadd.f32 v37, v34;
	v36 =	vshll.u32 v36, $0x10;
	v8 =	vshll.u32 v46, $0x10;
	v46 =	vld.idx.msk [tilespmem:v51+s23+$0x0], $0xffff  }
0xb2: {  	v56 =	vor.u32 v2, v43;
	v11 =	vshll.u32 v47, $0x10;
	[tilespmem:$0x1FE30] =	vst v1;
	v1 =	vadd.f32 v38, v36;
	v47 =	vld.idx.msk [tilespmem:v52+s23+$0x0], $0xffff  }
0xb3: {  	v40 =	vshll.u32 v40, $0x10;
	v41 =	vand.u32 $0xFFFF0000, v41;
	v43 =	vor.u32 v3, v43;
	v52 =	vld.idx.msk [tilespmem:v57+s23+$0x0], $0xffff  }
0xb4: {  	v58 =	vor.u32 v18, v42;
	v9 =	vand.u32 $0xFFFF0000, v54;
	[tilespmem:$0x1FE40] =	vst v1;
	v1 =	vadd.f32 v41, v40;
	v54 =	vld.idx.msk [tilespmem:v59+s23+$0x0], $0xffff  }
0xb5: {  	v25 =	vadd.f32 v39, v25;
	v22 =	vadd.f32 v10, v22;
	v61 =	vor.u32 v62, v42;
	v48 =	vld.idx.msk [tilespmem:v53+s23+$0x0], $0xffff  }
0xb6: {  	v42 =	vor.u32 v2, v42;
	v49 =	vld.idx.msk [tilespmem:v55+s23+$0x0], $0xffff;
	v34 =	vshrl.u32 v44, $0x7;
	[tilespmem:$0x1FE50] =	vst v1;
	v1 =	vadd.f32 v9, v8  }
0xb7: {  	v12 =	vand.u32 $0xFFFF0000, v60;
	v50 =	vld.idx.msk [tilespmem:v56+s23+$0x0], $0xffff;
	v35 =	vshrl.u32 v44, $0x17;
	v31 =	vand.u32 $0x1FF, v34  }
0xb8: {  	v51 =	vld.idx.msk [tilespmem:v43+s23+$0x0], $0xffff;
	v34 =	vmul.u32 $0x480, v35;
	[tilespmem:$0x1FE60] =	vst v1;
	v1 =	vadd.f32 v12, v11;
	v13 =	vshrl.u32 v0, $0x7  }
0xb9: {  	v53 =	vld.idx.msk [tilespmem:v58+s23+$0x0], $0xffff;
	v15 =	vshrl.u32 v0, $0x17;
	v33 =	vand.u32 $0x7F, v0;
	v0 =	vshrl.u32 v0, $0x10  }
0xba: {  	v55 =	vld.idx.msk [tilespmem:v61+s23+$0x0], $0xffff;
	v58 =	vshrl.u32 v45, $0x7;
	v59 =	vshrl.u32 v45, $0x17;
	v38 =	vshrl.u32 v46, $0x7  }
0xbb: {  	v57 =	vld.idx.msk [tilespmem:v7+s23+$0x0], $0xffff;
	v61 =	vshrl.u32 v47, $0x7;
	v18 =	vshrl.u32 v47, $0x17;
	v7 =	vshrl.u32 v52, $0x7  }
0xbc: {  	v56 =	vld.idx.msk [tilespmem:v6+s23+$0x0], $0xffff;
	v8 =	vshrl.u32 v52, $0x17;
	v11 =	vshrl.u32 v54, $0x7;
	[tilespmem:$0x1FE70] =	vst v1;
	v1 =	vshll.u32 v32, $0x10  }
0xbd: {  	v14 =	vand.u32 $0x1FF, v13;
	v40 =	vmul.u32 $0x480, v15;
	v0 =	vand.u32 $0x7F, v0  }
0xbe: {  	v13 =	vshrl.u32 v46, $0x17;
	v36 =	vshrl.u32 v48, $0x17;
	v2 =	vshrl.u32 v49, $0x17  }
0xbf: {  	v37 =	vshrl.u32 v50, $0x7;
	v3 =	vshrl.u32 v50, $0x17;
	v4 =	vshrl.u32 v51, $0x7  }
0xc0: {  	[tilespmem:$0x1FDE0] =	vst v17;
	v6 =	vshrl.u32 v51, $0x17;
	v9 =	vshrl.u32 v53, $0x7;
	v15 =	vshrl.u32 v55, $0x7  }
0xc1: {  	[tilespmem:$0x1FE00] =	vst v20;
	v20 =	vld.idx.msk [tilespmem:v27+s2+$0x0], $0xffff;
	v16 =	vshrl.u32 v55, $0x17;
	v17 =	vshrl.u32 v56, $0x7;
	v19 =	vshrl.u32 v56, $0x17  }
0xc2: {  	v30 =	vshrl.u32 v57, $0x7;
	v28 =	vand.u32 $0x1FF, v58;
	v38 =	vand.u32 $0x1FF, v38  }
0xc3: {  	v24 =	vmul.u32 $0x480, v18;
	v7 =	vand.u32 $0x1FF, v7;
	v11 =	vand.u32 $0x1FF, v11  }
0xc4: {  	v62 =	vshrl.u32 v49, $0x10;
	v39 =	vmul.u32 $0x480, v14;
	v14 =	vshrl.u32 v54, $0x17  }
0xc5: {  	v12 =	vld.idx.msk [tilespmem:v42+s23+$0x0], $0xffff;
	v42 =	vmovc v25;
	v25 =	vmul.u32 $0x480, v13;
	v23 =	vmul.u32 $0x480, v2;
	v2 =	vand.u32 $0x1FF, v37  }
0xc6: {  	[tilespmem:$0x1FE10] =	vst v20;
	v20 =	vmul.u32 $0x480, v3;
	v4 =	vand.u32 $0x1FF, v4;
	v18 =	vmul.u32 $0x480, v6  }
0xc7: {  	v9 =	vand.u32 $0x1FF, v9;
	v15 =	vand.u32 $0x1FF, v15;
	v16 =	vmul.u32 $0x480, v16  }
0xc8: {  	[tilespmem:$0x1FE20] =	vst v1;
	v1 =	vld [tilespmem:$0x1FE80];
	v17 =	vand.u32 $0x1FF, v17;
	v19 =	vmul.u32 $0x480, v19;
	v60 =	vmul.u32 $0x480, v7  }
0xc9: {  	v7 =	vshrl.u32 v44, $0x10;
	v6 =	vshrl.u32 v55, $0x10;
	v3 =	vshrl.u32 v56, $0x10  }
0xca: {  	v14 =	vmul.u32 $0x480, v14;
	v35 =	vmul.u32 $0x480, v2;
	v58 =	vmul.u32 $0x480, v9  }
0xcb: {  	v37 =	vmul.u32 $0x480, v15;
	v9 =	vand.u32 $0x7F, v44;
	v15 =	vand.u32 $0x7F, v45  }
0xcc: {  	v44 =	vand.u32 $0x7F, v46;
	v2 =	vshrl.u32 v54, $0x10;
	v7 =	vand.u32 $0x7F, v7  }
0xcd: {  	v6 =	vand.u32 $0x7F, v6;
	v3 =	vand.u32 $0x7F, v3;
	v32 =	vadd.s32 s1, v1  }
0xce: {  	v43 =	vld.idx.msk [tilespmem:v29+s2+$0x0], $0xffff;
	v27 =	vshrl.u32 v12, $0x7;
	v29 =	vshrl.u32 v12, $0x17;
	v41 =	vor.u32 v33, v32  }
0xcf: {  	v2 =	vand.u32 $0x7F, v2;
	v40 =	vadd.s32 v40, v32;
	v39 =	vadd.s32 v39, v41  }
0xd0: {  	v63 =	vand.u32 $0x1FF, v27;
	v27 =	vmul.u32 $0x480, v31;
	v0 =	vor.u32 v0, v40  }
0xd1: {  	v26 =	vmul.u32 $0x480, v29;
	v1 =	vshrl.u32 v49, $0x7;
	v49 =	vand.u32 $0x7F, v49  }
0xd2: {  	v33 =	vmul.u32 $0x480, v59;
	v1 =	vand.u32 $0x1FF, v1;
	v59 =	vmul.u32 $0x480, v4  }
0xd3: {  	v4 =	vshrl.u32 v57, $0x10;
	v34 =	vadd.s32 v34, v32;
	v25 =	vadd.s32 v25, v32  }
0xd4: {  	v18 =	vadd.s32 v18, v32;
	v16 =	vadd.s32 v16, v32;
	v19 =	vadd.s32 v19, v32;
	v5 =	vld.idx.msk [tilespmem:v39+s2+$0x0], $0xffff  }
0xd5: {  	v9 =	vor.u32 v9, v32;
	v44 =	vor.u32 v44, v32;
	v40 =	vand.u32 $0x1FF, v30;
	v0 =	vld.idx.msk [tilespmem:v0+s2+$0x0], $0xffff  }
0xd6: {  	v30 =	vmul.u32 $0x480, v28;
	v28 =	vmul.u32 $0x480, v38;
	v31 =	vmul.u32 $0x480, v1  }
0xd7: {  	v38 =	vmul.u32 $0x480, v17;
	v17 =	vshrl.u32 v46, $0x10;
	v4 =	vand.u32 $0x7F, v4  }
0xd8: {  	v9 =	vadd.s32 v27, v9;
	v7 =	vor.u32 v7, v34;
	v41 =	vmovc v22;
	v22 =	vshrl.u32 v57, $0x17;
	v39 =	vld [tilespmem:$0x1FE90]  }
0xd9: {  	v17 =	vand.u32 $0x7F, v17;
	v27 =	vadd.s32 v28, v44;
	v22 =	vmul.u32 $0x480, v22  }
0xda: {  	v17 =	vor.u32 v17, v25;
	v5 =	vshll.u32 v5, $0x10;
	v0 =	vand.u32 $0xFFFF0000, v0  }
0xdb: {  	v22 =	vadd.s32 v22, v32;
	v0 =	vadd.f32 v0, v5;
	v5 =	vand.u32 $0x1FF, v61  }
0xdc: {  	v44 =	vor.u32 v6, v16;
	v29 =	vmul.u32 $0x480, v5;
	v5 =	vshrl.u32 v52, $0x10  }
0xdd: {  	v16 =	vld [tilespmem:$0x1FE20];
	v52 =	vand.u32 $0x7F, v52;
	v13 =	vadd.f32 v0, v39;
	v0 =	vshrl.u32 v51, $0x10  }
0xde: {  	v28 =	vor.u32 v4, v22;
	v22 =	vmovc v41;
	v41 =	vld [tilespmem:$0x1FDE0];
	v52 =	vor.u32 v52, v32;
	v0 =	vand.u32 $0x7F, v0  }
0xdf: {  	v49 =	vor.u32 v49, v32;
	v0 =	vor.u32 v0, v18;
	v18 =	vadd.s32 v60, v52;
	v52 =	vld [tilespmem:$0x1FE10]  }
0xe0: {  	v34 =	vadd.s32 v31, v49;
	v31 =	vor.u32 v3, v19;
	v19 =	vld [tilespmem:$0x1FE30];
	v61 =	vmul.u32 $0x480, v36  }
0xe1: {  	v9 =	vld.idx.msk [tilespmem:v9+s2+$0x0], $0xffff;
	v36 =	vmul.u32 $0x480, v11;
	v11 =	vshrl.u32 v45, $0x10;
	v45 =	vshrl.u32 v47, $0x10  }
0xe2: {  	v24 =	vadd.s32 v24, v32;
	v14 =	vadd.s32 v14, v32;
	v7 =	vld.idx.msk [tilespmem:v7+s2+$0x0], $0xffff;
	v45 =	vand.u32 $0x7F, v45  }
0xe3: {  	v4 =	vld.idx.msk [tilespmem:v17+s2+$0x0], $0xffff;
	v24 =	vor.u32 v45, v24;
	v45 =	vor.u32 v2, v14;
	v6 =	vand.u32 $0xFFFF0000, v41  }
0xe4: {  	v17 =	vld [tilespmem:$0x1FF10];
	v6 =	vadd.f32 v6, v16;
	v16 =	vand.u32 $0xFFFF0000, v43;
	v14 =	vshll.u32 v52, $0x10  }
0xe5: {  	v14 =	vadd.f32 v16, v14;
	v16 =	vld [tilespmem:$0x1FEA0];
	_ =	sdelay $0x1  }
0xe6: {  	v9 =	vshll.u32 v9, $0x10;
	v7 =	vand.u32 $0xFFFF0000, v7  }
0xe7: {  	v7 =	vadd.f32 v7, v9  }
0xe8: {  	v17 =	vadd.f32 v19, v17  }
0xe9: {  	v16 =	vadd.f32 v7, v16  }
0xea: {  	[tilespmem:$0x1FF10] =	vst v17;
	v17 =	vld [tilespmem:$0x1FE40]  }
0xeb: {  	[tilespmem:$0x1FEA0] =	vst v16;
	v16 =	vld [tilespmem:$0x1FF20];
	_ =	sdelay $0x3  }
0xec: {  	v15 =	vor.u32 v15, v32;
	v33 =	vadd.s32 v33, v32  }
0xed: {  	v15 =	vadd.s32 v30, v15;
	v11 =	vand.u32 $0x7F, v11;
	v16 =	vadd.f32 v17, v16  }
0xee: {  	v11 =	vor.u32 v11, v33;
	v17 =	vld [tilespmem:$0x1FE50]  }
0xef: {  	[tilespmem:$0x1FF20] =	vst v16;
	v16 =	vld [tilespmem:$0x1FF30]  }
0xf0: {  	v46 =	vand.u32 $0x7F, v47;
	v47 =	vshrl.u32 v48, $0x10  }
0xf1: {  	v47 =	vand.u32 $0x7F, v47;
	v61 =	vadd.s32 v61, v32  }
0xf2: {  	v33 =	vor.u32 v47, v61;
	v61 =	vld.idx.msk [tilespmem:v15+s2+$0x0], $0xffff  }
0xf3: {  	v2 =	vld.idx.msk [tilespmem:v11+s2+$0x0], $0xffff  }
0xf4: {  	v16 =	vadd.f32 v17, v16  }
0xf5: {  	v3 =	vld.idx.msk [tilespmem:v27+s2+$0x0], $0xffff;
	v39 =	vmul.u32 $0x480, v63;
	v63 =	vshrl.u32 v50, $0x10;
	v50 =	vand.u32 $0x7F, v50  }
0xf6: {  	v54 =	vand.u32 $0x7F, v54;
	v46 =	vor.u32 v46, v32;
	v50 =	vor.u32 v50, v32;
	[tilespmem:$0x1FF30] =	vst v16;
	v16 =	vld [tilespmem:$0x1FEB0]  }
0xf7: {  	v54 =	vor.u32 v54, v32;
	v25 =	vadd.s32 v29, v46;
	v35 =	vadd.s32 v35, v50  }
0xf8: {  	v46 =	vadd.s32 v36, v54;
	v54 =	vshll.u32 v61, $0x10;
	v2 =	vand.u32 $0xFFFF0000, v2  }
0xf9: {  	v2 =	vadd.f32 v2, v54  }
0xfa: {  	v21 =	vshrl.u32 v48, $0x7  }
0xfb: {  	v3 =	vshll.u32 v3, $0x10;
	v4 =	vand.u32 $0xFFFF0000, v4;
	v17 =	vld [tilespmem:$0x1FE60];
	v16 =	vadd.f32 v2, v16  }
0xfc: {  	v10 =	vshrl.u32 v53, $0x17;
	v21 =	vand.u32 $0x1FF, v21;
	v2 =	vadd.f32 v4, v3;
	v4 =	vld.idx.msk [tilespmem:v35+s2+$0x0], $0xffff  }
0xfd: {  	v10 =	vmul.u32 $0x480, v10;
	v55 =	vand.u32 $0x7F, v55;
	v56 =	vand.u32 $0x7F, v56;
	[tilespmem:$0x1FEB0] =	vst v16;
	v16 =	vld [tilespmem:$0x1FF40]  }
0xfe: {  	v21 =	vmul.u32 $0x480, v21;
	v23 =	vadd.s32 v23, v32;
	v20 =	vadd.s32 v20, v32;
	v35 =	vld.idx.msk [tilespmem:v0+s2+$0x0], $0xffff  }
0xff: {  	v10 =	vadd.s32 v10, v32;
	v26 =	vadd.s32 v26, v32;
	v55 =	vor.u32 v55, v32;
	v0 =	vld [tilespmem:$0x1FF60]  }
0x100: {  	v56 =	vor.u32 v56, v32;
	v48 =	vand.u32 $0x7F, v48;
	v51 =	vand.u32 $0x7F, v51  }
0x101: {  	v49 =	vld [tilespmem:$0x1FDF0];
	v48 =	vor.u32 v48, v32;
	v51 =	vor.u32 v51, v32;
	[tilespmem:$0x1FE90] =	vst v13;
	v13 =	vmul.u32 $0x480, v8  }
0x102: {  	v21 =	vadd.s32 v21, v48;
	v48 =	vadd.s32 v59, v51;
	v51 =	vld [tilespmem:$0x1FE00];
	v16 =	vadd.f32 v17, v16  }
0x103: {  	v1 =	vshrl.u32 v53, $0x10;
	v5 =	vand.u32 $0x7F, v5;
	v13 =	vadd.s32 v13, v32;
	v17 =	vld [tilespmem:$0x1FE70]  }
0x104: {  	v53 =	vand.u32 $0x7F, v53;
	v5 =	vor.u32 v5, v13;
	v0 =	vadd.f32 v6, v0;
	[tilespmem:$0x1FF40] =	vst v16;
	v16 =	vld [tilespmem:$0x1FF50]  }
0x105: {  	v57 =	vand.u32 $0x7F, v57;
	v8 =	vshrl.u32 v12, $0x10;
	v12 =	vand.u32 $0x7F, v12  }
0x106: {  	v53 =	vor.u32 v53, v32;
	v57 =	vor.u32 v57, v32;
	v12 =	vor.u32 v12, v32;
	[tilespmem:$0x1FF60] =	vst v0;
	v0 =	vld [tilespmem:$0x1FF70]  }
0x107: {  	v8 =	vand.u32 $0x7F, v8;
	v27 =	vadd.s32 v39, v12;
	v13 =	vadd.s32 v58, v53;
	v53 =	vld.idx.msk [tilespmem:v24+s2+$0x0], $0xffff  }
0x108: {  	v29 =	vor.u32 v8, v26;
	v8 =	vshll.u32 v49, $0x10;
	v50 =	vld.idx.msk [tilespmem:v25+s2+$0x0], $0xffff;
	v12 =	vand.u32 $0xFFFF0000, v51  }
0x109: {  	v32 =	vadd.s32 v38, v56;
	v8 =	vadd.f32 v12, v8;
	v38 =	vld.idx.msk [tilespmem:v5+s2+$0x0], $0xffff;
	v16 =	vadd.f32 v17, v16  }
0x10a: {  	v5 =	vld [tilespmem:$0x1FF80]  }
0x10b: {  	v0 =	vadd.f32 v8, v0;
	[tilespmem:$0x1FF50] =	vst v16;
	v16 =	vld [tilespmem:$0x1FEC0]  }
0x10c: {  	v47 =	vadd.s32 v37, v55;
	v55 =	vld.idx.msk [tilespmem:v21+s2+$0x0], $0xffff  }
0x10d: {  	[tilespmem:$0x1FF70] =	vst v0;
	v0 =	vld [tilespmem:$0x1FED0]  }
0x10e: {  	v56 =	vld.idx.msk [tilespmem:v33+s2+$0x0], $0xffff  }
0x10f: {  	v59 =	vand.u32 $0xFFFF0000, v53;
	v5 =	vadd.f32 v14, v5;
	v3 =	vshll.u32 v50, $0x10  }
0x110: {  	v16 =	vadd.f32 v2, v16;
	v2 =	vadd.f32 v59, v3  }
0x111: {  	v1 =	vand.u32 $0x7F, v1;
	[tilespmem:$0x1FF80] =	vst v5;
	v5 =	vld [tilespmem:$0x1FEE0]  }
0x112: {  	v62 =	vand.u32 $0x7F, v62;
	v1 =	vor.u32 v1, v10;
	v0 =	vadd.f32 v2, v0  }
0x113: {  	v40 =	vmul.u32 $0x480, v40;
	v61 =	vand.u32 $0xFFFF0000, v56;
	v3 =	vshll.u32 v55, $0x10  }
0x114: {  	v23 =	vor.u32 v62, v23;
	v62 =	vld [tilespmem:$0x1FFB0];
	v63 =	vand.u32 $0x7F, v63;
	[tilespmem:$0x1FED0] =	vst v0;
	v0 =	vadd.f32 v61, v3  }
0x115: {  	v30 =	vadd.s32 v40, v57;
	v57 =	vld.idx.msk [tilespmem:v34+s2+$0x0], $0xffff;
	v20 =	vor.u32 v63, v20  }
0x116: {  	v5 =	vadd.f32 v0, v5;
	v0 =	vld [tilespmem:$0x1FEF0]  }
0x117: {  	v41 =	vld.idx.msk [tilespmem:v1+s2+$0x0], $0xffff  }
0x118: {  	v21 =	vld [tilespmem:$0x1FFA0]  }
0x119: {  	v58 =	vld.idx.msk [tilespmem:v23+s2+$0x0], $0xffff  }
0x11a: {  	s1 =	sshll.u32 s0, $0x7;
	v60 =	vld.idx.msk [tilespmem:v20+s2+$0x0], $0xffff  }
0x11b: {  	p0 =	sne.s32 s0, $0x8;
	v43 =	vadd.s32 s1, v0;
	v0 =	vld [tilespmem:$0x1FF00]  }
.Ltmp0:
0x11c: {  	v33 =	vld.idx.msk [tilespmem:v48+s2+$0x0], $0xffff;
	(pc) =	sbr.rel @p0 .LBB2_3-.Ltmp0, $4  }
0x11d: {  	v36 =	vld.idx.msk [tilespmem:v18+s2+$0x0], $0xffff  }
0x11e: {  	v63 =	vlaneseq.u32;
	v18 =	vld [tilespmem:$0x1FF90]  }
0x11f: {  	v40 =	vld.idx.msk [tilespmem:v13+s2+$0x0], $0xffff;
	v37 =	vand.u32 $0xFFFF0000, v60;
	[tilespmem:$0x1FEC0] =	vst v16;
	v2 =	vshll.u32 v57, $0x10;
	v3 =	vand.u32 $0xFFFF0000, v58  }
0x120: {  	s0 =	sadd.s32 $0x1, s0;
	v25 =	vmovc v42;
	v34 =	vshll.u32 v4, $0x10;
	v39 =	vadd.f32 v3, v2;
	v3 =	vld [tilespmem:$0x1FFC0];
	[tilespmem:$0x1FEE0] =	vst v5;
	v42 =	vadd.s32 s1, v0  }
0x121: {  	_ =	sdelay $0x3  }
0x122: {  	v2 =	vld.idx.msk [tilespmem:v46+s2+$0x0], $0xffff  }
0x123: {  	v4 =	vld.idx.msk [tilespmem:v45+s2+$0x0], $0xffff  }
0x124: {  	v6 =	vld.idx.msk [tilespmem:v47+s2+$0x0], $0xffff  }
0x125: {  	v1 =	vor.u32 v63, v43;
	v16 =	vld [tilespmem:$0x1FFD0]  }
0x126: {  	v5 =	vor.u32 v21, v43;
	v17 =	vld [tilespmem:$0x1FFE0]  }
0x127: {  	v7 =	vor.u32 v62, v43;
	v19 =	vld [tilespmem:$0x1FFF0]  }
0x128: {  	v12 =	vld [tilespmem:$0x1FFC0];
	v13 =	vor.u32 v63, v42;
	v15 =	vor.u32 v21, v42  }
0x129: {  	v9 =	vld.idx.msk [tilespmem:v44+s2+$0x0], $0xffff;
	v20 =	vand.u32 $0xFFFF0000, v38;
	v24 =	vand.u32 $0xFFFF0000, v41;
	v26 =	vadd.f32 v37, v34  }
0x12a: {  	v14 =	vor.u32 v18, v42;
	v21 =	vshll.u32 v40, $0x10;
	v0 =	vor.u32 v3, v42;
	v53 =	vld.idx.msk [tilespmem:v1+s23+$0x0], $0xffff  }
0x12b: {  	v3 =	vor.u32 v18, v43;
	v18 =	vshll.u32 v33, $0x10;
	v34 =	vadd.f32 v24, v21;
	v49 =	vld.idx.msk [tilespmem:v5+s23+$0x0], $0xffff  }
0x12c: {  	v8 =	vor.u32 v16, v43;
	v10 =	vor.u32 v17, v43;
	v11 =	vor.u32 v19, v43;
	v50 =	vld.idx.msk [tilespmem:v7+s23+$0x0], $0xffff  }
0x12d: {  	v12 =	vor.u32 v12, v43;
	v1 =	vor.u32 v62, v42;
	v16 =	vor.u32 v16, v42;
	v43 =	vld.idx.msk [tilespmem:v13+s23+$0x0], $0xffff  }
0x12e: {  	v17 =	vor.u32 v17, v42;
	v2 =	vshll.u32 v2, $0x10;
	v4 =	vand.u32 $0xFFFF0000, v4;
	v40 =	vld.idx.msk [tilespmem:v15+s23+$0x0], $0xffff  }
0x12f: {  	v5 =	vshll.u32 v36, $0x10;
	v6 =	vshll.u32 v6, $0x10;
	v21 =	vadd.f32 v4, v2;
	v4 =	vld [tilespmem:$0x1FE80]  }
0x130: {  	v13 =	vadd.f32 v26, v22;
	v52 =	vld.idx.msk [tilespmem:v3+s23+$0x0], $0xffff;
	v3 =	vor.u32 v19, v42;
	v19 =	vand.u32 $0xFFFF0000, v35  }
0x131: {  	v35 =	vadd.f32 v20, v5;
	v5 =	vand.u32 $0xFFFF0000, v9;
	v36 =	vadd.f32 v19, v18  }
0x132: {  	v44 =	vld.idx.msk [tilespmem:v14+s23+$0x0], $0xffff;
	v33 =	vadd.f32 v5, v6;
	v18 =	vadd.f32 v39, v25;
	v51 =	vshrl.u32 v53, $0x7  }
0x133: {  	v0 =	vld.idx.msk [tilespmem:v0+s23+$0x0], $0xffff;
	v54 =	vshrl.u32 v49, $0x17;
	v55 =	vshrl.u32 v50, $0x17;
	v58 =	vshrl.u32 v43, $0x17  }
0x134: {  	v38 =	vld.idx.msk [tilespmem:v8+s23+$0x0], $0xffff;
	v15 =	vshrl.u32 v40, $0x17;
	v22 =	vand.u32 $0x7F, v53;
	v24 =	vand.u32 $0x7F, v49  }
0x135: {  	v48 =	vld.idx.msk [tilespmem:v10+s23+$0x0], $0xffff;
	v62 =	vand.u32 $0x7F, v40;
	v4 =	vadd.s32 s1, v4;
	v7 =	vand.u32 $0x1FF, v51  }
0x136: {  	v45 =	vld.idx.msk [tilespmem:v12+s23+$0x0], $0xffff;
	v8 =	vmul.u32 $0x480, v55;
	v12 =	vmul.u32 $0x480, v58;
	v15 =	vmul.u32 $0x480, v15  }
0x137: {  	v46 =	vld.idx.msk [tilespmem:v11+s23+$0x0], $0xffff;
	v55 =	vand.u32 $0x7F, v43;
	v14 =	vshrl.u32 v44, $0x17;
	v7 =	vmul.u32 $0x480, v7  }
0x138: {  	v39 =	vld.idx.msk [tilespmem:v16+s23+$0x0], $0xffff;
	v55 =	vor.u32 v55, v4;
	v61 =	vand.u32 $0x7F, v44;
	v14 =	vmul.u32 $0x480, v14  }
0x139: {  	v26 =	vld.idx.msk [tilespmem:v17+s23+$0x0], $0xffff;
	v8 =	vadd.s32 v8, v4;
	v12 =	vadd.s32 v12, v4;
	v15 =	vadd.s32 v15, v4  }
0x13a: {  	v2 =	vshrl.u32 v0, $0x7;
	v5 =	vshrl.u32 v0, $0x17;
	v41 =	vand.u32 $0x7F, v0  }
0x13b: {  	v0 =	vshrl.u32 v0, $0x10;
	v23 =	vand.u32 $0x7F, v52;
	v2 =	vand.u32 $0x1FF, v2  }
0x13c: {  	v5 =	vmul.u32 $0x480, v5;
	v6 =	vor.u32 v41, v4;
	v0 =	vand.u32 $0x7F, v0  }
0x13d: {  	v25 =	vld.idx.msk [tilespmem:v3+s23+$0x0], $0xffff;
	v56 =	vshrl.u32 v38, $0x17;
	v10 =	vshrl.u32 v48, $0x17;
	v3 =	vshrl.u32 v46, $0x17  }
0x13e: {  	v57 =	vshrl.u32 v45, $0x17;
	v17 =	vshrl.u32 v39, $0x17;
	v19 =	vshrl.u32 v26, $0x17  }
0x13f: {  	v14 =	vadd.s32 v14, v4;
	v59 =	vand.u32 $0x7F, v46;
	v60 =	vand.u32 $0x7F, v45  }
0x140: {  	v47 =	vand.u32 $0x7F, v26;
	v2 =	vmul.u32 $0x480, v2;
	v9 =	vmul.u32 $0x480, v56  }
0x141: {  	v10 =	vmul.u32 $0x480, v10;
	v3 =	vmul.u32 $0x480, v3;
	v11 =	vmul.u32 $0x480, v57  }
0x142: {  	v17 =	vmul.u32 $0x480, v17;
	v19 =	vmul.u32 $0x480, v19;
	v56 =	vor.u32 v60, v4  }
0x143: {  	v41 =	vld.idx.msk [tilespmem:v1+s23+$0x0], $0xffff;
	v57 =	vor.u32 v61, v4;
	v60 =	vand.u32 $0x7F, v39;
	v1 =	vadd.s32 v5, v4  }
0x144: {  	v5 =	vshrl.u32 v53, $0x17;
	v60 =	vor.u32 v60, v4;
	v2 =	vadd.s32 v2, v6  }
0x145: {  	v0 =	vor.u32 v0, v1;
	v1 =	vshrl.u32 v52, $0x17;
	v5 =	vmul.u32 $0x480, v5  }
0x146: {  	v6 =	vmul.u32 $0x480, v54;
	v9 =	vadd.s32 v9, v4;
	v10 =	vadd.s32 v10, v4  }
0x147: {  	v3 =	vadd.s32 v3, v4;
	v11 =	vadd.s32 v11, v4;
	v51 =	vadd.s32 v17, v4  }
0x148: {  	v42 =	vadd.s32 v19, v4;
	v17 =	vor.u32 v23, v4;
	v19 =	vor.u32 v24, v4  }
0x149: {  	v23 =	vand.u32 $0x7F, v48;
	v24 =	vor.u32 v59, v4;
	v59 =	vor.u32 v62, v4  }
0x14a: {  	v62 =	vor.u32 v47, v4;
	v1 =	vmul.u32 $0x480, v1;
	v20 =	vshrl.u32 v25, $0x17  }
0x14b: {  	v23 =	vor.u32 v23, v4;
	v61 =	vand.u32 $0x7F, v25;
	v16 =	vshrl.u32 v41, $0x17  }
0x14c: {  	v20 =	vmul.u32 $0x480, v20;
	v5 =	vadd.s32 v5, v4;
	v6 =	vadd.s32 v6, v4  }
0x14d: {  	v58 =	vand.u32 $0x7F, v41;
	v47 =	vor.u32 v61, v4;
	v61 =	vshrl.u32 v49, $0x7  }
0x14e: {  	v49 =	vshrl.u32 v49, $0x10;
	v16 =	vmul.u32 $0x480, v16;
	v1 =	vadd.s32 v1, v4  }
0x14f: {  	v58 =	vor.u32 v58, v4;
	v49 =	vand.u32 $0x7F, v49;
	v37 =	vadd.s32 v20, v4  }
0x150: {  	v20 =	vand.u32 $0x7F, v50;
	v6 =	vor.u32 v49, v6;
	v54 =	vadd.s32 v16, v4  }
0x151: {  	v49 =	vld.idx.msk [tilespmem:v32+s2+$0x0], $0xffff;
	v16 =	vor.u32 v22, v4;
	v20 =	vor.u32 v20, v4;
	v22 =	vand.u32 $0x7F, v38  }
0x152: {  	v32 =	vld.idx.msk [tilespmem:v2+s2+$0x0], $0xffff;
	v2 =	vshrl.u32 v45, $0x7;
	v45 =	vshrl.u32 v45, $0x10;
	v22 =	vor.u32 v22, v4  }
0x153: {  	v4 =	vshrl.u32 v52, $0x7;
	v7 =	vadd.s32 v7, v16;
	v16 =	vshrl.u32 v53, $0x10  }
0x154: {  	v52 =	vshrl.u32 v52, $0x10;
	v4 =	vand.u32 $0x1FF, v4;
	v16 =	vand.u32 $0x7F, v16  }
0x155: {  	v28 =	vld.idx.msk [tilespmem:v28+s2+$0x0], $0xffff;
	v4 =	vmul.u32 $0x480, v4;
	v5 =	vor.u32 v16, v5;
	v16 =	vand.u32 $0x1FF, v61  }
0x156: {  	v27 =	vld.idx.msk [tilespmem:v27+s2+$0x0], $0xffff;
	v61 =	vshrl.u32 v38, $0x7;
	v38 =	vshrl.u32 v38, $0x10;
	v16 =	vmul.u32 $0x480, v16  }
0x157: {  	v29 =	vld.idx.msk [tilespmem:v29+s2+$0x0], $0xffff;
	v38 =	vand.u32 $0x7F, v38;
	v4 =	vadd.s32 v4, v17;
	v17 =	vand.u32 $0x7F, v52  }
0x158: {  	v9 =	vor.u32 v38, v9;
	v38 =	vld.idx.msk [tilespmem:v0+s2+$0x0], $0xffff;
	v0 =	vand.u32 $0x1FF, v2;
	v2 =	vshrl.u32 v46, $0x10  }
0x159: {  	v6 =	vld.idx.msk [tilespmem:v6+s2+$0x0], $0xffff;
	v52 =	vshrl.u32 v39, $0x7;
	v39 =	vshrl.u32 v39, $0x10;
	v1 =	vor.u32 v17, v1  }
0x15a: {  	v17 =	vshrl.u32 v50, $0x7;
	v16 =	vadd.s32 v16, v19;
	v2 =	vand.u32 $0x7F, v2;
	v7 =	vld.idx.msk [tilespmem:v7+s2+$0x0], $0xffff  }
0x15b: {  	v19 =	vand.u32 $0x1FF, v61;
	v50 =	vshrl.u32 v50, $0x10;
	v2 =	vor.u32 v2, v3;
	v3 =	vld.idx.msk [tilespmem:v30+s2+$0x0], $0xffff  }
0x15c: {  	v0 =	vmul.u32 $0x480, v0;
	v39 =	vand.u32 $0x7F, v39;
	v30 =	vand.u32 $0x7F, v45;
	v45 =	vld [tilespmem:$0x1FEC0]  }
0x15d: {  	v17 =	vand.u32 $0x1FF, v17;
	v19 =	vmul.u32 $0x480, v19;
	v50 =	vand.u32 $0x7F, v50;
	v5 =	vld.idx.msk [tilespmem:v5+s2+$0x0], $0xffff  }
0x15e: {  	v8 =	vor.u32 v50, v8;
	v50 =	vshrl.u32 v41, $0x7;
	v41 =	vshrl.u32 v41, $0x10;
	v4 =	vld.idx.msk [tilespmem:v4+s2+$0x0], $0xffff  }
0x15f: {  	v39 =	vor.u32 v39, v51;
	v17 =	vmul.u32 $0x480, v17;
	v41 =	vand.u32 $0x7F, v41;
	v9 =	vld.idx.msk [tilespmem:v9+s2+$0x0], $0xffff  }
0x160: {  	v19 =	vadd.s32 v19, v22;
	v41 =	vor.u32 v41, v54;
	v54 =	vshll.u32 v49, $0x10;
	v49 =	vld [tilespmem:$0x1FED0]  }
0x161: {  	v22 =	vshrl.u32 v46, $0x7;
	v46 =	vshrl.u32 v44, $0x7;
	v44 =	vshrl.u32 v44, $0x10;
	v1 =	vld.idx.msk [tilespmem:v1+s2+$0x0], $0xffff  }
0x162: {  	v17 =	vadd.s32 v17, v20;
	v20 =	vshrl.u32 v48, $0x7;
	v44 =	vand.u32 $0x7F, v44;
	v16 =	vld.idx.msk [tilespmem:v16+s2+$0x0], $0xffff  }
0x163: {  	v48 =	vshrl.u32 v48, $0x10;
	v14 =	vor.u32 v44, v14;
	v44 =	vand.u32 $0x1FF, v52;
	v52 =	vld [tilespmem:$0x1FEE0]  }
0x164: {  	v0 =	vadd.s32 v0, v56;
	v61 =	vand.u32 $0x7F, v48;
	v2 =	vld.idx.msk [tilespmem:v2+s2+$0x0], $0xffff  }
0x165: {  	v11 =	vor.u32 v30, v11;
	v10 =	vor.u32 v61, v10;
	v61 =	vld [tilespmem:$0x1FF30]  }
0x166: {  	v53 =	vmul.u32 $0x480, v44;
	v44 =	vld [tilespmem:$0x1FF50]  }
0x167: {  	v51 =	vld.idx.msk [tilespmem:v39+s2+$0x0], $0xffff  }
0x168: {  	v27 =	vshll.u32 v27, $0x10;
	v29 =	vand.u32 $0xFFFF0000, v29;
	v20 =	vand.u32 $0x1FF, v20;
	v8 =	vld.idx.msk [tilespmem:v8+s2+$0x0], $0xffff  }
0x169: {  	v28 =	vand.u32 $0xFFFF0000, v28;
	v27 =	vadd.f32 v29, v27;
	v20 =	vmul.u32 $0x480, v20;
	v0 =	vld.idx.msk [tilespmem:v0+s2+$0x0], $0xffff  }
0x16a: {  	v6 =	vand.u32 $0xFFFF0000, v6;
	v22 =	vand.u32 $0x1FF, v22;
	v30 =	vand.u32 $0x1FF, v46;
	v11 =	vld.idx.msk [tilespmem:v11+s2+$0x0], $0xffff  }
0x16b: {  	v22 =	vmul.u32 $0x480, v22;
	v48 =	vshrl.u32 v40, $0x7;
	v20 =	vadd.s32 v20, v23;
	v23 =	vld.idx.msk [tilespmem:v31+s2+$0x0], $0xffff  }
0x16c: {  	v30 =	vmul.u32 $0x480, v30;
	v40 =	vshrl.u32 v40, $0x10;
	v7 =	vshll.u32 v7, $0x10;
	v19 =	vld.idx.msk [tilespmem:v19+s2+$0x0], $0xffff  }
0x16d: {  	v40 =	vand.u32 $0x7F, v40;
	v22 =	vadd.s32 v22, v24;
	v31 =	vshrl.u32 v43, $0x7;
	v17 =	vld.idx.msk [tilespmem:v17+s2+$0x0], $0xffff  }
0x16e: {  	v3 =	vshll.u32 v3, $0x10;
	v24 =	vand.u32 $0x1FF, v31;
	v31 =	vand.u32 $0x1FF, v48;
	v48 =	vld [tilespmem:$0x1FF70]  }
0x16f: {  	v30 =	vadd.s32 v30, v57;
	v15 =	vor.u32 v40, v15;
	v5 =	vand.u32 $0xFFFF0000, v5;
	v14 =	vld.idx.msk [tilespmem:v14+s2+$0x0], $0xffff  }
0x170: {  	v3 =	vadd.f32 v28, v3;
	v4 =	vshll.u32 v4, $0x10;
	v1 =	vand.u32 $0xFFFF0000, v1;
	v10 =	vld.idx.msk [tilespmem:v10+s2+$0x0], $0xffff  }
0x171: {  	v43 =	vshrl.u32 v43, $0x10;
	v31 =	vmul.u32 $0x480, v31;
	v1 =	vadd.f32 v1, v4;
	v4 =	vld [tilespmem:$0x1FF20]  }
0x172: {  	v40 =	vadd.s32 v53, v60;
	v5 =	vadd.f32 v5, v7;
	v60 =	vshrl.u32 v25, $0x7;
	v22 =	vld.idx.msk [tilespmem:v22+s2+$0x0], $0xffff  }
0x173: {  	v43 =	vand.u32 $0x7F, v43;
	v29 =	vand.u32 $0x1FF, v60;
	v31 =	vadd.s32 v31, v59;
	v59 =	vld [tilespmem:$0x1FEA0]  }
0x174: {  	v9 =	vand.u32 $0xFFFF0000, v9;
	v24 =	vmul.u32 $0x480, v24;
	v29 =	vmul.u32 $0x480, v29;
	v30 =	vld.idx.msk [tilespmem:v30+s2+$0x0], $0xffff  }
0x175: {  	v12 =	vor.u32 v43, v12;
	v43 =	vand.u32 $0x1FF, v50;
	v16 =	vshll.u32 v16, $0x10;
	v15 =	vld.idx.msk [tilespmem:v15+s2+$0x0], $0xffff  }
0x176: {  	v43 =	vmul.u32 $0x480, v43;
	v6 =	vadd.f32 v6, v16;
	v16 =	vadd.s32 v29, v47;
	v47 =	vld.idx.msk [tilespmem:v41+s2+$0x0], $0xffff  }
0x177: {  	v24 =	vadd.s32 v24, v55;
	v8 =	vand.u32 $0xFFFF0000, v8;
	v20 =	vld.idx.msk [tilespmem:v20+s2+$0x0], $0xffff;
	v17 =	vshll.u32 v17, $0x10  }
0x178: {  	v55 =	vshrl.u32 v26, $0x7;
	v26 =	vshrl.u32 v26, $0x10;
	v8 =	vadd.f32 v8, v17;
	v17 =	vld [tilespmem:$0x1FF60]  }
0x179: {  	v34 =	vadd.f32 v34, v61;
	v43 =	vadd.s32 v43, v58;
	v58 =	vld [tilespmem:$0x1FF10];
	v26 =	vand.u32 $0x7F, v26  }
0x17a: {  	v23 =	vand.u32 $0xFFFF0000, v23;
	v19 =	vshll.u32 v19, $0x10;
	v26 =	vor.u32 v26, v42;
	v42 =	vld [tilespmem:$0x1FF40]  }
0x17b: {  	v56 =	vand.u32 $0x1FF, v55;
	v23 =	vadd.f32 v23, v54;
	v9 =	vadd.f32 v9, v19;
	v19 =	vld.idx.msk [tilespmem:v40+s2+$0x0], $0xffff  }
0x17c: {  	v29 =	vadd.f32 v33, v44;
	v0 =	vshll.u32 v0, $0x10;
	v57 =	vmul.u32 $0x480, v56;
	v12 =	vld.idx.msk [tilespmem:v12+s2+$0x0], $0xffff  }
0x17d: {  	v11 =	vand.u32 $0xFFFF0000, v11;
	v24 =	vld.idx.msk [tilespmem:v24+s2+$0x0], $0xffff;
	v17 =	vadd.f32 v23, v17;
	v23 =	vshrl.u32 v25, $0x10  }
0x17e: {  	v7 =	vadd.s32 v57, v62;
	v28 =	vadd.f32 v36, v58;
	v36 =	vld [tilespmem:$0x1FEB0];
	v23 =	vand.u32 $0x7F, v23  }
0x17f: {  	v6 =	vadd.f32 v6, v45;
	v0 =	vadd.f32 v11, v0;
	v31 =	vld.idx.msk [tilespmem:v31+s2+$0x0], $0xffff;
	v23 =	vor.u32 v23, v37  }
0x180: {  	v2 =	vand.u32 $0xFFFF0000, v2;
	v3 =	vadd.f32 v3, v48;
	v4 =	vadd.f32 v35, v4;
	v16 =	vld.idx.msk [tilespmem:v16+s2+$0x0], $0xffff  }
0x181: {  	v9 =	vadd.f32 v9, v52;
	v10 =	vand.u32 $0xFFFF0000, v10;
	v46 =	vld.idx.msk [tilespmem:v43+s2+$0x0], $0xffff;
	v20 =	vshll.u32 v20, $0x10  }
0x182: {  	v5 =	vadd.f32 v5, v59;
	v10 =	vadd.f32 v10, v20;
	v20 =	vshll.u32 v22, $0x10;
	v22 =	vld.idx.msk [tilespmem:v26+s2+$0x0], $0xffff  }
0x183: {  	v8 =	vadd.f32 v8, v49;
	v55 =	vand.u32 $0xFFFF0000, v15;
	v7 =	vld.idx.msk [tilespmem:v7+s2+$0x0], $0xffff;
	v1 =	vadd.f32 v1, v36  }
0x184: {  	v2 =	vadd.f32 v2, v20;
	v12 =	vand.u32 $0xFFFF0000, v12;
	v53 =	vshll.u32 v24, $0x10;
	v20 =	vld.idx.msk [tilespmem:v23+s2+$0x0], $0xffff;
	[tilespmem:$0x3F00] =	vst v5  }
0x185: {  	v57 =	vand.u32 $0xFFFF0000, v47;
	v21 =	vadd.f32 v21, v42;
	v11 =	vadd.f32 v12, v53;
	[tilespmem:$0x3F10] =	vst v1  }
0x186: {  	v0 =	vadd.f32 v0, v28;
	v10 =	vadd.f32 v10, v18;
	v1 =	vshll.u32 v31, $0x10;
	[tilespmem:$0x3F20] =	vst v6  }
0x187: {  	v56 =	vshll.u32 v46, $0x10;
	v4 =	vadd.f32 v11, v4;
	[tilespmem:$0x3F30] =	vst v8;
	v1 =	vadd.f32 v55, v1  }
0x188: {  	v54 =	vand.u32 $0xFFFF0000, v14;
	v2 =	vadd.f32 v2, v13;
	v6 =	vadd.f32 v57, v56;
	[tilespmem:$0x3F70] =	vst v0  }
0x189: {  	v50 =	vld [tilespmem:$0x1FF80];
	[tilespmem:$0x3F80] =	vst v4;
	v0 =	vadd.f32 v1, v21;
	v1 =	vshll.u32 v16, $0x10;
	v4 =	vand.u32 $0xFFFF0000, v20  }
0x18a: {  	v5 =	vshll.u32 v30, $0x10;
	[tilespmem:$0x3F40] =	vst v9;
	v1 =	vadd.f32 v4, v1;
	v4 =	vadd.f32 v6, v29  }
0x18b: {  	v60 =	vand.u32 $0xFFFF0000, v22;
	[tilespmem:$0x3F60] =	vst v2;
	v2 =	vshll.u32 v7, $0x10;
	v5 =	vadd.f32 v54, v5  }
0x18c: {  	v59 =	vand.u32 $0xFFFF0000, v51;
	v58 =	vshll.u32 v19, $0x10;
	v2 =	vadd.f32 v60, v2;
	[tilespmem:$0x3FB0] =	vst v4;
	v4 =	vld [tilespmem:$0x1FE90]  }
0x18d: {  	v61 =	vand.u32 $0xFFFF0000, v38;
	v8 =	vadd.f32 v59, v58;
	[tilespmem:$0x3F50] =	vst v10;
	v5 =	vadd.f32 v5, v34  }
0x18e: {  	v27 =	vadd.f32 v27, v50;
	v2 =	vadd.f32 v2, v3;
	[tilespmem:$0x3FA0] =	vst v0;
	v0 =	vshll.u32 v32, $0x10  }
0x18f: {  	[tilespmem:$0x3F90] =	vst v5;
	v5 =	vadd.f32 v8, v17;
	v0 =	vadd.f32 v61, v0  }
0x190: {  	[tilespmem:$0x3FD0] =	vst v2;
	v1 =	vadd.f32 v1, v27  }
0x191: {  	[tilespmem:$0x3FC0] =	vst v5;
	v0 =	vadd.f32 v0, v4  }
0x192: {  	s0 =	sshll.u32 s30, $0xA;
	[tilespmem:$0x3FE0] =	vst v1  }
0x193: {  	p0 =	sne.s32 s31, $0x4;
	s0 =	sadd.s32 s0, s17;
	v62 =	vld [tilespmem:$0x1FFB0];
	[tilespmem:$0x3FF0] =	vst v0  }
0x194: {  	v18 =	vld [tilespmem:$0x1FF90];
	[hbm4b:s0+s2] =	stream.linear.scatter [tilespmem:s26], [sflag:$0x2], $0x100, $0x38  }
.Ltmp1:
0x195: {  	v21 =	vld [tilespmem:$0x1FFA0];
	(pc) =	sbr.rel @p0 .LBB2_2-.Ltmp1, $4  }
0x196: {  	v3 =	vld [tilespmem:$0x1FFC0];
	_ =	swait.ge [sflag:s28], $0x100  }
0x197: {  	v0 =	vld [tilespmem:$0x1FFD0]  }
0x198: {  	[sflag:s28] =	ssyncset.done $0x0;
	v1 =	vld [tilespmem:$0x1FFE0]  }
0x199: {  	s30 =	smov.u32 s31;
	v2 =	vld [tilespmem:$0x1FFF0];
	[sflag:s28] =	ssyncadd.s32 $0xFFFFFF00  }
0x19a: {  	s29 =	sadd.s32 $0x1, s29  }
0x19b: {  	p0 =	sne.s32 s29, s18  }
.Ltmp2:
0x19c: {  	_ = 	snop;
	(pc) =	sbr.rel @p0 .LBB2_1-.Ltmp2, $1  }
0x19d: {  	_ =	sdelay $0x3  }
0x19e: {  	_ =	sfence.sel $0x180000  }
0x19f: {  	[bflag:$0x0] =	sbarrier.arrive $0xFFFF  }
0x1a0: {  	_ =	strace $0x90000047  }
0x1a1: {  	s0 =	stileid.u32;
	[bflag:$0x2] =	sbarrier.arrive $0xFFFF  }
0x1a2: {  	p0 =	sne.s32 s0, $0x0;
	s0 =	rddreg [dreg:$0x1]  }
0x1a3: {  	s0 =	sadd.s32 @!p0 $0x100000, s0  }
0x1a4: {  	[sflag:s0] =	ssyncadd.tile.s32 @!p0 $0x1;
	_ =	shalt  }
.Lfunc_end2:
_tile_overlayer_lowered:
.L_overlay_start_2:
0x1a5: {  	(tag) =	ssettag $0x2  }
0x1a6: {  	s0 =	rddreg [dreg:$0x0];
	s2 =	stileid.u32  }
0x1a7: {  	s1 =	rddreg [dreg:$0x1];
	p0 =	sne.s32 s2, $0x0  }
0x1a8: {  	s3 =	rddreg [dreg:$0x2];
	[bflag:$0x3] =	sbarrier.arrive $0xFFFF;
	s2 =	simm.s32 @!p0 $0x1C02  }
0x1a9: {  	[timem:s3], [sflag:s2] =	dma.local @!p0 [hbm:s0], s1  }
0x1aa: {  	s0 =	simm.s32 @!p0 $0x2  }
0x1ab: {  	_ =	swait.ge @!p0 [sflag:s0], s1  }
0x1ac: {  	s1 =	ssub.s32 @!p0 $0x0, s1;
	[sflag:s0] =	ssyncset.done @!p0 $0x0  }
0x1ad: {  	[sflag:s0] =	ssyncadd.s32 @!p0 s1  }
0x1ae: {  	[bflag:$0x3] =	sbarrier.arrive $0xFFFF  }
0x1af: {  	_ =	shalt  }

</sc_bundles>
